<compile_context>
chip_gen: v7x
topology: tpu7x:2x2x1
jax: 0.10.2.dev20260603
libtpu: 0.0.44.dev20260713+nightly
codegen_flags: <defaults>
</compile_context>

<pallas_src>
import functools

import jax
import jax.numpy as jnp
from jax import lax
from jax.experimental import pallas as pl
from jax.experimental.pallas import tpu as pltpu
from jax.experimental.pallas import tpu_sc as plsc

NC = 2
NS = 16
NW = NC * NS
LANES = 16

WDIM = 64
TDIM = 32
NTAGS = 50

GRP = 512


def _tag_ids(iv):
    f = iv.astype(jnp.float32) * jnp.float32(1.0 / NTAGS)
    q = f.astype(jnp.int32)
    r = iv - q * jnp.int32(NTAGS)
    return jnp.where(r >= NTAGS, r - jnp.int32(NTAGS), r)


def _body(T, idx_hbm, wtab_hbm, ttab_hbm, out_hbm,
          idx_v, tag_v, wbuf, tbuf,
          isem0, isem1, gsem0, gsem1, osem0, osem1):
    isem = (isem0, isem1)
    gsem = (gsem0, gsem1)
    osem = (osem0, osem1)
    wid = lax.axis_index("s") * NC + lax.axis_index("c")
    t_base = wid * (2 * T * GRP)

    def out_slices(tok0):
        return (out_hbm.at[pl.ds(tok0, GRP), pl.ds(0, WDIM)],
                out_hbm.at[pl.ds(tok0, GRP), pl.ds(WDIM, TDIM)])

    for p in (0, 1):
        pltpu.async_copy(idx_hbm.at[pl.ds(t_base + p * GRP, GRP)],
                         idx_v.at[p], isem[p])

    def dbl(t, carry):
        gcopies = [[], []]
        for p in (0, 1):
            tok0 = t_base + (2 * t + p) * GRP

            ows, ots = out_slices(tok0)

            @pl.when(t > 0)
            def _():
                pltpu.make_async_copy(wbuf.at[p], ows, osem[p]).wait()
                pltpu.make_async_copy(tbuf.at[p], ots, osem[p]).wait()

            pltpu.make_async_copy(idx_hbm.at[pl.ds(tok0, GRP)],
                                  idx_v.at[p], isem[p]).wait()
            for c in range(GRP // LANES):
                sl = pl.ds(c * LANES, LANES)
                tag_v[p, sl] = _tag_ids(idx_v[p, sl])

            gcopies[p].append(pltpu.async_copy(
                wtab_hbm.at[idx_v.at[p]], wbuf.at[p], gsem[p]))
            gcopies[p].append(pltpu.async_copy(
                ttab_hbm.at[tag_v.at[p]], tbuf.at[p], gsem[p]))

        for p in (0, 1):
            tok0 = t_base + (2 * t + p) * GRP

            for cp in gcopies[p]:
                cp.wait()

            @pl.when(t < T - 1)
            def _():
                pltpu.async_copy(idx_hbm.at[pl.ds(tok0 + 2 * GRP, GRP)],
                                 idx_v.at[p], isem[p])

            ows, ots = out_slices(tok0)
            pltpu.async_copy(wbuf.at[p], ows, osem[p])
            pltpu.async_copy(tbuf.at[p], ots, osem[p])
        return carry

    lax.fori_loop(0, T, dbl, 0)

    for p in (0, 1):
        tok0 = t_base + (2 * (T - 1) + p) * GRP
        ows, ots = out_slices(tok0)
        pltpu.make_async_copy(wbuf.at[p], ows, osem[p]).wait()
        pltpu.make_async_copy(tbuf.at[p], ots, osem[p]).wait()


def kernel(sentence, word_table, tag_table):
    B, L = sentence.shape
    n = B * L
    assert n % (NW * 2 * GRP) == 0
    T = n // (NW * 2 * GRP)

    idx = sentence.reshape(n).astype(jnp.int32)

    mesh = plsc.VectorSubcoreMesh(core_axis_name="c", subcore_axis_name="s")
    out = pl.kernel(
        functools.partial(_body, T),
        out_type=jax.ShapeDtypeStruct((n, WDIM + TDIM), jnp.float32),
        mesh=mesh,
        compiler_params=pltpu.CompilerParams(use_tc_tiling_on_sc=False),
        scratch_types=[
            pltpu.VMEM((2, GRP), jnp.int32),
            pltpu.VMEM((2, GRP), jnp.int32),
            pltpu.VMEM((2, GRP, WDIM), jnp.float32),
            pltpu.VMEM((2, GRP, TDIM), jnp.float32),
        ] + [pltpu.SemaphoreType.DMA] * 6,
    )(idx, word_table, tag_table)
    return out.reshape(B, L, WDIM + TDIM)

# --- scband reference (transcript-rebuilt; emitter-appended) ---
"""Pipeline reference for scband-dependency-parse-model-25666724561135 (READ-ONLY COPY).

The authoritative reference and input builder live on the scoring server;
editing this copy changes nothing except your own understanding.
"""

import jax, jax.numpy as jnp
import numpy as np

VOCAB = 1000000
TAGS = 50
WDIM = 64
TDIM = 32
B, L = 4096, 200

def setup_inputs(seed: int = 0) -> dict:
    key = jax.random.key(seed)
    k1, k2, k3 = jax.random.split(key, 3)
    sentence = jax.random.randint(k1, (B, L), 0, VOCAB).astype(jnp.int64)
    word_table = (jax.random.normal(k2, (VOCAB, WDIM), dtype=jnp.float32) * 0.02)
    tag_table = (jax.random.normal(k3, (TAGS, TDIM), dtype=jnp.float32) * 0.02)
    return {"sentence": sentence, "word_table": word_table, "tag_table": tag_table}

def reference(sentence, word_table, tag_table):
    # Embedding lookups corresponding to nn.Embedding(vocabulary_size, word_embeddings_dim)
    # and nn.Embedding(tag_uniqueCount, tag_embeddings_dim); tag ids derived deterministically
    # from the token ids so they stay in range [0, tag_uniqueCount).
    w = jnp.take(word_table, sentence, axis=0)
    tag_ids = jnp.mod(sentence, tag_table.shape[0])
    t = jnp.take(tag_table, tag_ids, axis=0)
    # Concatenated word+tag embedding is the LSTM input (inputSize = word_dim + tag_dim).
    return jnp.concatenate([w, t], axis=-1)

if __name__ == "__main__":
    import jax
    _d = setup_inputs()
    print(jax.jit(kernel)(*tuple(_d.values())))

</pallas_src>

<mosaic_0001>
#map = affine_map<(d0, d1) -> (0)>
#map1 = affine_map<(d0, d1) -> (0, 0)>
module attributes {stable_mosaic.version = 14 : i64} {
  func.func @_body(%arg0: i32, %arg1: i32, %arg2: memref<819200xi32, #tpu.memory_space<hbm>>, %arg3: memref<1000000x64xf32, #tpu.memory_space<hbm>>, %arg4: memref<50x32xf32, #tpu.memory_space<hbm>>, %arg5: memref<819200x96xf32, #tpu.memory_space<hbm>>, %arg6: memref<2x512xi32, #tpu.memory_space<vmem>>, %arg7: memref<2x512xi32, #tpu.memory_space<vmem>>, %arg8: memref<2x512x64xf32, #tpu.memory_space<vmem>>, %arg9: memref<2x512x32xf32, #tpu.memory_space<vmem>>, %arg10: memref<!tpu.dma_semaphore, #tpu.memory_space<semaphore_mem>>, %arg11: memref<!tpu.dma_semaphore, #tpu.memory_space<semaphore_mem>>, %arg12: memref<!tpu.dma_semaphore, #tpu.memory_space<semaphore_mem>>, %arg13: memref<!tpu.dma_semaphore, #tpu.memory_space<semaphore_mem>>, %arg14: memref<!tpu.dma_semaphore, #tpu.memory_space<semaphore_mem>>, %arg15: memref<!tpu.dma_semaphore, #tpu.memory_space<semaphore_mem>>) attributes {dimension_semantics = [#tpu.dimension_semantics<core_parallel>, #tpu.dimension_semantics<subcore_parallel>], iteration_bounds = array<i64: 2, 16>, scalar_prefetch = 0 : i64, scratch_operands = 10 : i64, tpu.core_type = #tpu.core_type<sc_vector_subcore>, window_params = [{transform_indices = #map}, {transform_indices = #map1}, {transform_indices = #map1}, {transform_indices = #map1}]} {
    %mul3A = arith.constant 2 : i32
    %mul3A_0 = arith.muli %arg1, %mul3A : i32
    %add3A = arith.addi %mul3A_0, %arg0 : i32
    %mul3A_1 = arith.constant 25600 : i32
    %mul3A_2 = arith.muli %add3A, %mul3A_1 : i32
    %add3A_3 = arith.constant 0 : i32
    %add3A_4 = arith.addi %mul3A_2, %add3A_3 : i32
    %dma_start3A = arith.constant 0 : i32
    %dma_start3A_5 = arith.constant 0 : i32
    %dma_start3A_6 = tpu.memref_slice %arg6[%dma_start3A, %dma_start3A_5] : memref<2x512xi32, #tpu.memory_space<vmem>> -> memref<1x512xi32, #tpu.memory_space<vmem>>
    %dma_start3A_7 = tpu.memref_squeeze %dma_start3A_6 : memref<1x512xi32, #tpu.memory_space<vmem>> -> memref<512xi32, #tpu.memory_space<vmem>>
    %dma_start3A_8 = tpu.memref_slice %arg2[%add3A_4] : memref<819200xi32, #tpu.memory_space<hbm>> -> memref<512xi32, #tpu.memory_space<hbm>>
    %dma_start3A_9 = arith.constant 0 : i32
    %dma_start3A_10 = tpu.memref_slice %arg6[%dma_start3A, %dma_start3A_9] : memref<2x512xi32, #tpu.memory_space<vmem>> -> memref<1x512xi32, #tpu.memory_space<vmem>>
    %dma_start3A_11 = tpu.memref_squeeze %dma_start3A_10 : memref<1x512xi32, #tpu.memory_space<vmem>> -> memref<512xi32, #tpu.memory_space<vmem>>
    %dma_start3A_12 = tpu.memref_slice %arg2[%add3A_4] : memref<819200xi32, #tpu.memory_space<hbm>> -> memref<512xi32, #tpu.memory_space<hbm>>
    tpu.enqueue_dma source(%dma_start3A_12 : memref<512xi32, #tpu.memory_space<hbm>>) target(%dma_start3A_11 : memref<512xi32, #tpu.memory_space<vmem>>) target_semaphore(%arg10 : memref<!tpu.dma_semaphore, #tpu.memory_space<semaphore_mem>>)
    %add3A_13 = arith.constant 512 : i32
    %add3A_14 = arith.addi %mul3A_2, %add3A_13 : i32
    %dma_start3A_15 = arith.constant 1 : i32
    %dma_start3A_16 = arith.constant 0 : i32
    %dma_start3A_17 = tpu.memref_slice %arg6[%dma_start3A_15, %dma_start3A_16] : memref<2x512xi32, #tpu.memory_space<vmem>> -> memref<1x512xi32, #tpu.memory_space<vmem>>
    %dma_start3A_18 = tpu.memref_squeeze %dma_start3A_17 : memref<1x512xi32, #tpu.memory_space<vmem>> -> memref<512xi32, #tpu.memory_space<vmem>>
    %dma_start3A_19 = tpu.memref_slice %arg2[%add3A_14] : memref<819200xi32, #tpu.memory_space<hbm>> -> memref<512xi32, #tpu.memory_space<hbm>>
    %dma_start3A_20 = arith.constant 0 : i32
    %dma_start3A_21 = tpu.memref_slice %arg6[%dma_start3A_15, %dma_start3A_20] : memref<2x512xi32, #tpu.memory_space<vmem>> -> memref<1x512xi32, #tpu.memory_space<vmem>>
    %dma_start3A_22 = tpu.memref_squeeze %dma_start3A_21 : memref<1x512xi32, #tpu.memory_space<vmem>> -> memref<512xi32, #tpu.memory_space<vmem>>
    %dma_start3A_23 = tpu.memref_slice %arg2[%add3A_14] : memref<819200xi32, #tpu.memory_space<hbm>> -> memref<512xi32, #tpu.memory_space<hbm>>
    tpu.enqueue_dma source(%dma_start3A_23 : memref<512xi32, #tpu.memory_space<hbm>>) target(%dma_start3A_22 : memref<512xi32, #tpu.memory_space<vmem>>) target_semaphore(%arg11 : memref<!tpu.dma_semaphore, #tpu.memory_space<semaphore_mem>>)
    %scan3A = arith.constant 0 : i32
    %scan3A_24 = arith.constant 0 : i32
    %scan3A_25 = arith.constant 25 : i32
    %scan3A_26 = arith.addi %scan3A_24, %scan3A_25 : i32
    %scan3A_27 = arith.constant 1 : i32
    scf.for %scan3A_84 = %scan3A_24 to %scan3A_26 step %scan3A_27  : i32 {
      %mul3A_85 = arith.constant 2 : i32
      %mul3A_86 = arith.muli %mul3A_85, %scan3A_84 : i32
      %add3A_87 = arith.constant 0 : i32
      %add3A_88 = arith.addi %mul3A_86, %add3A_87 : i32
      %mul3A_89 = arith.constant 512 : i32
      %mul3A_90 = arith.muli %add3A_88, %mul3A_89 : i32
      %add3A_91 = arith.addi %mul3A_2, %mul3A_90 : i32
      %gt3A = arith.constant 0 : i32
      %gt3A_92 = arith.cmpi sgt, %scan3A_84, %gt3A : i32
      %convert_element_type3A = arith.extui %gt3A_92 : i1 to i32
      %cond3A = arith.constant 0 : i32
      %cond3A_93 = arith.cmpi ne, %convert_element_type3A, %cond3A : i32
      scf.if %cond3A_93 {
        %dma_wait3A_2018 = arith.constant 0 : i32
        %dma_wait3A_2019 = arith.constant 0 : i32
        %dma_wait3A_2020 = arith.constant 0 : i32
        %dma_wait3A_2021 = tpu.memref_slice %arg8[%dma_wait3A_2018, %dma_wait3A_2019, %dma_wait3A_2020] : memref<2x512x64xf32, #tpu.memory_space<vmem>> -> memref<1x512x64xf32, #tpu.memory_space<vmem>>
        %dma_wait3A_2022 = tpu.memref_squeeze %dma_wait3A_2021 : memref<1x512x64xf32, #tpu.memory_space<vmem>> -> memref<512x64xf32, #tpu.memory_space<vmem>>
        %dma_wait3A_2023 = arith.constant 0 : i32
        %dma_wait3A_2024 = tpu.memref_slice %arg5[%add3A_91, %dma_wait3A_2023] : memref<819200x96xf32, #tpu.memory_space<hbm>> -> memref<512x64xf32, #tpu.memory_space<hbm>>
        %dma_wait3A_2025 = arith.constant 0 : i32
        %dma_wait3A_2026 = tpu.memref_slice %arg5[%add3A_91, %dma_wait3A_2025] : memref<819200x96xf32, #tpu.memory_space<hbm>> -> memref<512x64xf32, #tpu.memory_space<hbm>>
        %dma_wait3A_2027 = arith.constant 0 : i32
        %dma_wait3A_2028 = arith.constant 0 : i32
        %dma_wait3A_2029 = tpu.memref_slice %arg8[%dma_wait3A_2018, %dma_wait3A_2027, %dma_wait3A_2028] : memref<2x512x64xf32, #tpu.memory_space<vmem>> -> memref<1x512x64xf32, #tpu.memory_space<vmem>>
        %dma_wait3A_2030 = tpu.memref_squeeze %dma_wait3A_2029 : memref<1x512x64xf32, #tpu.memory_space<vmem>> -> memref<512x64xf32, #tpu.memory_space<vmem>>
        tpu.wait_dma2 semaphore(%arg14 : memref<!tpu.dma_semaphore, #tpu.memory_space<semaphore_mem>>) src(%dma_wait3A_2030 : memref<512x64xf32, #tpu.memory_space<vmem>>) dst(%dma_wait3A_2026 : memref<512x64xf32, #tpu.memory_space<hbm>>)
        %dma_wait3A_2031 = arith.constant 0 : i32
        %dma_wait3A_2032 = arith.constant 0 : i32
        %dma_wait3A_2033 = arith.constant 0 : i32
        %dma_wait3A_2034 = tpu.memref_slice %arg9[%dma_wait3A_2031, %dma_wait3A_2032, %dma_wait3A_2033] : memref<2x512x32xf32, #tpu.memory_space<vmem>> -> memref<1x512x32xf32, #tpu.memory_space<vmem>>
        %dma_wait3A_2035 = tpu.memref_squeeze %dma_wait3A_2034 : memref<1x512x32xf32, #tpu.memory_space<vmem>> -> memref<512x32xf32, #tpu.memory_space<vmem>>
        %dma_wait3A_2036 = arith.constant 64 : i32
        %dma_wait3A_2037 = tpu.memref_slice %arg5[%add3A_91, %dma_wait3A_2036] : memref<819200x96xf32, #tpu.memory_space<hbm>> -> memref<512x32xf32, #tpu.memory_space<hbm>>
        %dma_wait3A_2038 = arith.constant 64 : i32
        %dma_wait3A_2039 = tpu.memref_slice %arg5[%add3A_91, %dma_wait3A_2038] : memref<819200x96xf32, #tpu.memory_space<hbm>> -> memref<512x32xf32, #tpu.memory_space<hbm>>
        %dma_wait3A_2040 = arith.constant 0 : i32
        %dma_wait3A_2041 = arith.constant 0 : i32
        %dma_wait3A_2042 = tpu.memref_slice %arg9[%dma_wait3A_2031, %dma_wait3A_2040, %dma_wait3A_2041] : memref<2x512x32xf32, #tpu.memory_space<vmem>> -> memref<1x512x32xf32, #tpu.memory_space<vmem>>
        %dma_wait3A_2043 = tpu.memref_squeeze %dma_wait3A_2042 : memref<1x512x32xf32, #tpu.memory_space<vmem>> -> memref<512x32xf32, #tpu.memory_space<vmem>>
        tpu.wait_dma2 semaphore(%arg14 : memref<!tpu.dma_semaphore, #tpu.memory_space<semaphore_mem>>) src(%dma_wait3A_2043 : memref<512x32xf32, #tpu.memory_space<vmem>>) dst(%dma_wait3A_2039 : memref<512x32xf32, #tpu.memory_space<hbm>>)
      } else {
      }
      %dma_wait3A_94 = arith.constant 0 : i32
      %dma_wait3A_95 = arith.constant 0 : i32
      %dma_wait3A_96 = tpu.memref_slice %arg6[%dma_wait3A_94, %dma_wait3A_95] : memref<2x512xi32, #tpu.memory_space<vmem>> -> memref<1x512xi32, #tpu.memory_space<vmem>>
      %dma_wait3A_97 = tpu.memref_squeeze %dma_wait3A_96 : memref<1x512xi32, #tpu.memory_space<vmem>> -> memref<512xi32, #tpu.memory_space<vmem>>
      %dma_wait3A_98 = tpu.memref_slice %arg2[%add3A_91] : memref<819200xi32, #tpu.memory_space<hbm>> -> memref<512xi32, #tpu.memory_space<hbm>>
      %dma_wait3A_99 = arith.constant 0 : i32
      %dma_wait3A_100 = tpu.memref_slice %arg6[%dma_wait3A_94, %dma_wait3A_99] : memref<2x512xi32, #tpu.memory_space<vmem>> -> memref<1x512xi32, #tpu.memory_space<vmem>>
      %dma_wait3A_101 = tpu.memref_squeeze %dma_wait3A_100 : memref<1x512xi32, #tpu.memory_space<vmem>> -> memref<512xi32, #tpu.memory_space<vmem>>
      %dma_wait3A_102 = tpu.memref_slice %arg2[%add3A_91] : memref<819200xi32, #tpu.memory_space<hbm>> -> memref<512xi32, #tpu.memory_space<hbm>>
      tpu.wait_dma2 semaphore(%arg10 : memref<!tpu.dma_semaphore, #tpu.memory_space<semaphore_mem>>) src(%dma_wait3A_102 : memref<512xi32, #tpu.memory_space<hbm>>) dst(%dma_wait3A_101 : memref<512xi32, #tpu.memory_space<vmem>>)
      %get3A = arith.constant 0 : i32
      %get3A_103 = arith.index_cast %get3A : i32 to index
      %get3A_104 = arith.constant 0 : index
      %get3A_105 = tpu.vector_load %arg6[%get3A_103, %get3A_104] {strides = array<i32>} : memref<2x512xi32, #tpu.memory_space<vmem>>, vector<1x16xi32>,
      %get3A_106 = vector.shape_cast %get3A_105 : vector<1x16xi32> to vector<16xi32>
      %convert_element_type3A_107 = arith.sitofp %get3A_106 : vector<16xi32> to vector<16xf32>
      %mul3A_108 = arith.constant 2.000000e-02 : f32
      %mul3A_109 = vector.broadcast %mul3A_108 : f32 to vector<16xf32>
      %mul3A_110 = arith.mulf %convert_element_type3A_107, %mul3A_109 : vector<16xf32>
      %convert_element_type3A_111 = arith.fptosi %mul3A_110 : vector<16xf32> to vector<16xi32>
      %mul3A_112 = arith.constant 50 : i32
      %mul3A_113 = vector.broadcast %mul3A_112 : i32 to vector<16xi32>
      %mul3A_114 = arith.muli %convert_element_type3A_111, %mul3A_113 : vector<16xi32>
      %sub3A = arith.subi %get3A_106, %mul3A_114 : vector<16xi32>
      %ge3A = arith.constant 50 : i32
      %ge3A_115 = vector.broadcast %ge3A : i32 to vector<16xi32>
      %ge3A_116 = arith.cmpi sge, %sub3A, %ge3A_115 : vector<16xi32>
      %sub3A_117 = arith.constant 50 : i32
      %sub3A_118 = vector.broadcast %sub3A_117 : i32 to vector<16xi32>
      %sub3A_119 = arith.subi %sub3A, %sub3A_118 : vector<16xi32>
      %select_n3A = arith.select %ge3A_116, %sub3A_119, %sub3A : vector<16xi1>, vector<16xi32>
      %swap3A = arith.constant 0 : i32
      %swap3A_120 = arith.index_cast %swap3A : i32 to index
      %swap3A_121 = arith.constant 0 : index
      %swap3A_122 = tpu.vector_load %arg7[%swap3A_120, %swap3A_121] {strides = array<i32>} : memref<2x512xi32, #tpu.memory_space<vmem>>, vector<1x16xi32>,
      %swap3A_123 = vector.shape_cast %swap3A_122 : vector<1x16xi32> to vector<16xi32>
      %swap3A_124 = vector.shape_cast %select_n3A : vector<16xi32> to vector<1x16xi32>
      tpu.vector_store %arg7[%swap3A_120, %swap3A_121], %swap3A_124 {strides = array<i32>} : memref<2x512xi32, #tpu.memory_space<vmem>>, vector<1x16xi32>,
      %get3A_125 = arith.constant 0 : i32
      %get3A_126 = arith.index_cast %get3A_125 : i32 to index
      %get3A_127 = arith.constant 16 : index
      %get3A_128 = tpu.vector_load %arg6[%get3A_126, %get3A_127] {strides = array<i32>} : memref<2x512xi32, #tpu.memory_space<vmem>>, vector<1x16xi32>,
      %get3A_129 = vector.shape_cast %get3A_128 : vector<1x16xi32> to vector<16xi32>
      %convert_element_type3A_130 = arith.sitofp %get3A_129 : vector<16xi32> to vector<16xf32>
      %mul3A_131 = arith.constant 2.000000e-02 : f32
      %mul3A_132 = vector.broadcast %mul3A_131 : f32 to vector<16xf32>
      %mul3A_133 = arith.mulf %convert_element_type3A_130, %mul3A_132 : vector<16xf32>
      %convert_element_type3A_134 = arith.fptosi %mul3A_133 : vector<16xf32> to vector<16xi32>
      %mul3A_135 = arith.constant 50 : i32
      %mul3A_136 = vector.broadcast %mul3A_135 : i32 to vector<16xi32>
      %mul3A_137 = arith.muli %convert_element_type3A_134, %mul3A_136 : vector<16xi32>
      %sub3A_138 = arith.subi %get3A_129, %mul3A_137 : vector<16xi32>
      %ge3A_139 = arith.constant 50 : i32
      %ge3A_140 = vector.broadcast %ge3A_139 : i32 to vector<16xi32>
      %ge3A_141 = arith.cmpi sge, %sub3A_138, %ge3A_140 : vector<16xi32>
      %sub3A_142 = arith.constant 50 : i32
      %sub3A_143 = vector.broadcast %sub3A_142 : i32 to vector<16xi32>
      %sub3A_144 = arith.subi %sub3A_138, %sub3A_143 : vector<16xi32>
      %select_n3A_145 = arith.select %ge3A_141, %sub3A_144, %sub3A_138 : vector<16xi1>, vector<16xi32>
      %swap3A_146 = arith.constant 0 : i32
      %swap3A_147 = arith.index_cast %swap3A_146 : i32 to index
      %swap3A_148 = arith.constant 16 : index
      %swap3A_149 = tpu.vector_load %arg7[%swap3A_147, %swap3A_148] {strides = array<i32>} : memref<2x512xi32, #tpu.memory_space<vmem>>, vector<1x16xi32>,
      %swap3A_150 = vector.shape_cast %swap3A_149 : vector<1x16xi32> to vector<16xi32>
      %swap3A_151 = vector.shape_cast %select_n3A_145 : vector<16xi32> to vector<1x16xi32>
      tpu.vector_store %arg7[%swap3A_147, %swap3A_148], %swap3A_151 {strides = array<i32>} : memref<2x512xi32, #tpu.memory_space<vmem>>, vector<1x16xi32>,
      %get3A_152 = arith.constant 0 : i32
      %get3A_153 = arith.index_cast %get3A_152 : i32 to index
      %get3A_154 = arith.constant 32 : index
      %get3A_155 = tpu.vector_load %arg6[%get3A_153, %get3A_154] {strides = array<i32>} : memref<2x512xi32, #tpu.memory_space<vmem>>, vector<1x16xi32>,
      %get3A_156 = vector.shape_cast %get3A_155 : vector<1x16xi32> to vector<16xi32>
      %convert_element_type3A_157 = arith.sitofp %get3A_156 : vector<16xi32> to vector<16xf32>
      %mul3A_158 = arith.constant 2.000000e-02 : f32
      %mul3A_159 = vector.broadcast %mul3A_158 : f32 to vector<16xf32>
      %mul3A_160 = arith.mulf %convert_element_type3A_157, %mul3A_159 : vector<16xf32>
      %convert_element_type3A_161 = arith.fptosi %mul3A_160 : vector<16xf32> to vector<16xi32>
      %mul3A_162 = arith.constant 50 : i32
      %mul3A_163 = vector.broadcast %mul3A_162 : i32 to vector<16xi32>
      %mul3A_164 = arith.muli %convert_element_type3A_161, %mul3A_163 : vector<16xi32>
      %sub3A_165 = arith.subi %get3A_156, %mul3A_164 : vector<16xi32>
      %ge3A_166 = arith.constant 50 : i32
      %ge3A_167 = vector.broadcast %ge3A_166 : i32 to vector<16xi32>
      %ge3A_168 = arith.cmpi sge, %sub3A_165, %ge3A_167 : vector<16xi32>
      %sub3A_169 = arith.constant 50 : i32
      %sub3A_170 = vector.broadcast %sub3A_169 : i32 to vector<16xi32>
      %sub3A_171 = arith.subi %sub3A_165, %sub3A_170 : vector<16xi32>
      %select_n3A_172 = arith.select %ge3A_168, %sub3A_171, %sub3A_165 : vector<16xi1>, vector<16xi32>
      %swap3A_173 = arith.constant 0 : i32
      %swap3A_174 = arith.index_cast %swap3A_173 : i32 to index
      %swap3A_175 = arith.constant 32 : index
      %swap3A_176 = tpu.vector_load %arg7[%swap3A_174, %swap3A_175] {strides = array<i32>} : memref<2x512xi32, #tpu.memory_space<vmem>>, vector<1x16xi32>,
      %swap3A_177 = vector.shape_cast %swap3A_176 : vector<1x16xi32> to vector<16xi32>
      %swap3A_178 = vector.shape_cast %select_n3A_172 : vector<16xi32> to vector<1x16xi32>
      tpu.vector_store %arg7[%swap3A_174, %swap3A_175], %swap3A_178 {strides = array<i32>} : memref<2x512xi32, #tpu.memory_space<vmem>>, vector<1x16xi32>,
      %get3A_179 = arith.constant 0 : i32
      %get3A_180 = arith.index_cast %get3A_179 : i32 to index
      %get3A_181 = arith.constant 48 : index
      %get3A_182 = tpu.vector_load %arg6[%get3A_180, %get3A_181] {strides = array<i32>} : memref<2x512xi32, #tpu.memory_space<vmem>>, vector<1x16xi32>,
      %get3A_183 = vector.shape_cast %get3A_182 : vector<1x16xi32> to vector<16xi32>
      %convert_element_type3A_184 = arith.sitofp %get3A_183 : vector<16xi32> to vector<16xf32>
      %mul3A_185 = arith.constant 2.000000e-02 : f32
      %mul3A_186 = vector.broadcast %mul3A_185 : f32 to vector<16xf32>
      %mul3A_187 = arith.mulf %convert_element_type3A_184, %mul3A_186 : vector<16xf32>
      %convert_element_type3A_188 = arith.fptosi %mul3A_187 : vector<16xf32> to vector<16xi32>
      %mul3A_189 = arith.constant 50 : i32
      %mul3A_190 = vector.broadcast %mul3A_189 : i32 to vector<16xi32>
      %mul3A_191 = arith.muli %convert_element_type3A_188, %mul3A_190 : vector<16xi32>
      %sub3A_192 = arith.subi %get3A_183, %mul3A_191 : vector<16xi32>
      %ge3A_193 = arith.constant 50 : i32
      %ge3A_194 = vector.broadcast %ge3A_193 : i32 to vector<16xi32>
      %ge3A_195 = arith.cmpi sge, %sub3A_192, %ge3A_194 : vector<16xi32>
      %sub3A_196 = arith.constant 50 : i32
      %sub3A_197 = vector.broadcast %sub3A_196 : i32 to vector<16xi32>
      %sub3A_198 = arith.subi %sub3A_192, %sub3A_197 : vector<16xi32>
      %select_n3A_199 = arith.select %ge3A_195, %sub3A_198, %sub3A_192 : vector<16xi1>, vector<16xi32>
      %swap3A_200 = arith.constant 0 : i32
      %swap3A_201 = arith.index_cast %swap3A_200 : i32 to index
      %swap3A_202 = arith.constant 48 : index
      %swap3A_203 = tpu.vector_load %arg7[%swap3A_201, %swap3A_202] {strides = array<i32>} : memref<2x512xi32, #tpu.memory_space<vmem>>, vector<1x16xi32>,
      %swap3A_204 = vector.shape_cast %swap3A_203 : vector<1x16xi32> to vector<16xi32>
      %swap3A_205 = vector.shape_cast %select_n3A_199 : vector<16xi32> to vector<1x16xi32>
      tpu.vector_store %arg7[%swap3A_201, %swap3A_202], %swap3A_205 {strides = array<i32>} : memref<2x512xi32, #tpu.memory_space<vmem>>, vector<1x16xi32>,
      %get3A_206 = arith.constant 0 : i32
      %get3A_207 = arith.index_cast %get3A_206 : i32 to index
      %get3A_208 = arith.constant 64 : index
      %get3A_209 = tpu.vector_load %arg6[%get3A_207, %get3A_208] {strides = array<i32>} : memref<2x512xi32, #tpu.memory_space<vmem>>, vector<1x16xi32>,
      %get3A_210 = vector.shape_cast %get3A_209 : vector<1x16xi32> to vector<16xi32>
      %convert_element_type3A_211 = arith.sitofp %get3A_210 : vector<16xi32> to vector<16xf32>
      %mul3A_212 = arith.constant 2.000000e-02 : f32
      %mul3A_213 = vector.broadcast %mul3A_212 : f32 to vector<16xf32>
      %mul3A_214 = arith.mulf %convert_element_type3A_211, %mul3A_213 : vector<16xf32>
      %convert_element_type3A_215 = arith.fptosi %mul3A_214 : vector<16xf32> to vector<16xi32>
      %mul3A_216 = arith.constant 50 : i32
      %mul3A_217 = vector.broadcast %mul3A_216 : i32 to vector<16xi32>
      %mul3A_218 = arith.muli %convert_element_type3A_215, %mul3A_217 : vector<16xi32>
      %sub3A_219 = arith.subi %get3A_210, %mul3A_218 : vector<16xi32>
      %ge3A_220 = arith.constant 50 : i32
      %ge3A_221 = vector.broadcast %ge3A_220 : i32 to vector<16xi32>
      %ge3A_222 = arith.cmpi sge, %sub3A_219, %ge3A_221 : vector<16xi32>
      %sub3A_223 = arith.constant 50 : i32
      %sub3A_224 = vector.broadcast %sub3A_223 : i32 to vector<16xi32>
      %sub3A_225 = arith.subi %sub3A_219, %sub3A_224 : vector<16xi32>
      %select_n3A_226 = arith.select %ge3A_222, %sub3A_225, %sub3A_219 : vector<16xi1>, vector<16xi32>
      %swap3A_227 = arith.constant 0 : i32
      %swap3A_228 = arith.index_cast %swap3A_227 : i32 to index
      %swap3A_229 = arith.constant 64 : index
      %swap3A_230 = tpu.vector_load %arg7[%swap3A_228, %swap3A_229] {strides = array<i32>} : memref<2x512xi32, #tpu.memory_space<vmem>>, vector<1x16xi32>,
      %swap3A_231 = vector.shape_cast %swap3A_230 : vector<1x16xi32> to vector<16xi32>
      %swap3A_232 = vector.shape_cast %select_n3A_226 : vector<16xi32> to vector<1x16xi32>
      tpu.vector_store %arg7[%swap3A_228, %swap3A_229], %swap3A_232 {strides = array<i32>} : memref<2x512xi32, #tpu.memory_space<vmem>>, vector<1x16xi32>,
      %get3A_233 = arith.constant 0 : i32
      %get3A_234 = arith.index_cast %get3A_233 : i32 to index
      %get3A_235 = arith.constant 80 : index
      %get3A_236 = tpu.vector_load %arg6[%get3A_234, %get3A_235] {strides = array<i32>} : memref<2x512xi32, #tpu.memory_space<vmem>>, vector<1x16xi32>,
      %get3A_237 = vector.shape_cast %get3A_236 : vector<1x16xi32> to vector<16xi32>
      %convert_element_type3A_238 = arith.sitofp %get3A_237 : vector<16xi32> to vector<16xf32>
      %mul3A_239 = arith.constant 2.000000e-02 : f32
      %mul3A_240 = vector.broadcast %mul3A_239 : f32 to vector<16xf32>
      %mul3A_241 = arith.mulf %convert_element_type3A_238, %mul3A_240 : vector<16xf32>
      %convert_element_type3A_242 = arith.fptosi %mul3A_241 : vector<16xf32> to vector<16xi32>
      %mul3A_243 = arith.constant 50 : i32
      %mul3A_244 = vector.broadcast %mul3A_243 : i32 to vector<16xi32>
      %mul3A_245 = arith.muli %convert_element_type3A_242, %mul3A_244 : vector<16xi32>
      %sub3A_246 = arith.subi %get3A_237, %mul3A_245 : vector<16xi32>
      %ge3A_247 = arith.constant 50 : i32
      %ge3A_248 = vector.broadcast %ge3A_247 : i32 to vector<16xi32>
      %ge3A_249 = arith.cmpi sge, %sub3A_246, %ge3A_248 : vector<16xi32>
      %sub3A_250 = arith.constant 50 : i32
      %sub3A_251 = vector.broadcast %sub3A_250 : i32 to vector<16xi32>
      %sub3A_252 = arith.subi %sub3A_246, %sub3A_251 : vector<16xi32>
      %select_n3A_253 = arith.select %ge3A_249, %sub3A_252, %sub3A_246 : vector<16xi1>, vector<16xi32>
      %swap3A_254 = arith.constant 0 : i32
      %swap3A_255 = arith.index_cast %swap3A_254 : i32 to index
      %swap3A_256 = arith.constant 80 : index
      %swap3A_257 = tpu.vector_load %arg7[%swap3A_255, %swap3A_256] {strides = array<i32>} : memref<2x512xi32, #tpu.memory_space<vmem>>, vector<1x16xi32>,
      %swap3A_258 = vector.shape_cast %swap3A_257 : vector<1x16xi32> to vector<16xi32>
      %swap3A_259 = vector.shape_cast %select_n3A_253 : vector<16xi32> to vector<1x16xi32>
      tpu.vector_store %arg7[%swap3A_255, %swap3A_256], %swap3A_259 {strides = array<i32>} : memref<2x512xi32, #tpu.memory_space<vmem>>, vector<1x16xi32>,
      %get3A_260 = arith.constant 0 : i32
      %get3A_261 = arith.index_cast %get3A_260 : i32 to index
      %get3A_262 = arith.constant 96 : index
      %get3A_263 = tpu.vector_load %arg6[%get3A_261, %get3A_262] {strides = array<i32>} : memref<2x512xi32, #tpu.memory_space<vmem>>, vector<1x16xi32>,
      %get3A_264 = vector.shape_cast %get3A_263 : vector<1x16xi32> to vector<16xi32>
      %convert_element_type3A_265 = arith.sitofp %get3A_264 : vector<16xi32> to vector<16xf32>
      %mul3A_266 = arith.constant 2.000000e-02 : f32
      %mul3A_267 = vector.broadcast %mul3A_266 : f32 to vector<16xf32>
      %mul3A_268 = arith.mulf %convert_element_type3A_265, %mul3A_267 : vector<16xf32>
      %convert_element_type3A_269 = arith.fptosi %mul3A_268 : vector<16xf32> to vector<16xi32>
      %mul3A_270 = arith.constant 50 : i32
      %mul3A_271 = vector.broadcast %mul3A_270 : i32 to vector<16xi32>
      %mul3A_272 = arith.muli %convert_element_type3A_269, %mul3A_271 : vector<16xi32>
      %sub3A_273 = arith.subi %get3A_264, %mul3A_272 : vector<16xi32>
      %ge3A_274 = arith.constant 50 : i32
      %ge3A_275 = vector.broadcast %ge3A_274 : i32 to vector<16xi32>
      %ge3A_276 = arith.cmpi sge, %sub3A_273, %ge3A_275 : vector<16xi32>
      %sub3A_277 = arith.constant 50 : i32
      %sub3A_278 = vector.broadcast %sub3A_277 : i32 to vector<16xi32>
      %sub3A_279 = arith.subi %sub3A_273, %sub3A_278 : vector<16xi32>
      %select_n3A_280 = arith.select %ge3A_276, %sub3A_279, %sub3A_273 : vector<16xi1>, vector<16xi32>
      %swap3A_281 = arith.constant 0 : i32
      %swap3A_282 = arith.index_cast %swap3A_281 : i32 to index
      %swap3A_283 = arith.constant 96 : index
      %swap3A_284 = tpu.vector_load %arg7[%swap3A_282, %swap3A_283] {strides = array<i32>} : memref<2x512xi32, #tpu.memory_space<vmem>>, vector<1x16xi32>,
      %swap3A_285 = vector.shape_cast %swap3A_284 : vector<1x16xi32> to vector<16xi32>
      %swap3A_286 = vector.shape_cast %select_n3A_280 : vector<16xi32> to vector<1x16xi32>
      tpu.vector_store %arg7[%swap3A_282, %swap3A_283], %swap3A_286 {strides = array<i32>} : memref<2x512xi32, #tpu.memory_space<vmem>>, vector<1x16xi32>,
      %get3A_287 = arith.constant 0 : i32
      %get3A_288 = arith.index_cast %get3A_287 : i32 to index
      %get3A_289 = arith.constant 112 : index
      %get3A_290 = tpu.vector_load %arg6[%get3A_288, %get3A_289] {strides = array<i32>} : memref<2x512xi32, #tpu.memory_space<vmem>>, vector<1x16xi32>,
      %get3A_291 = vector.shape_cast %get3A_290 : vector<1x16xi32> to vector<16xi32>
      %convert_element_type3A_292 = arith.sitofp %get3A_291 : vector<16xi32> to vector<16xf32>
      %mul3A_293 = arith.constant 2.000000e-02 : f32
      %mul3A_294 = vector.broadcast %mul3A_293 : f32 to vector<16xf32>
      %mul3A_295 = arith.mulf %convert_element_type3A_292, %mul3A_294 : vector<16xf32>
      %convert_element_type3A_296 = arith.fptosi %mul3A_295 : vector<16xf32> to vector<16xi32>
      %mul3A_297 = arith.constant 50 : i32
      %mul3A_298 = vector.broadcast %mul3A_297 : i32 to vector<16xi32>
      %mul3A_299 = arith.muli %convert_element_type3A_296, %mul3A_298 : vector<16xi32>
      %sub3A_300 = arith.subi %get3A_291, %mul3A_299 : vector<16xi32>
      %ge3A_301 = arith.constant 50 : i32
      %ge3A_302 = vector.broadcast %ge3A_301 : i32 to vector<16xi32>
      %ge3A_303 = arith.cmpi sge, %sub3A_300, %ge3A_302 : vector<16xi32>
      %sub3A_304 = arith.constant 50 : i32
      %sub3A_305 = vector.broadcast %sub3A_304 : i32 to vector<16xi32>
      %sub3A_306 = arith.subi %sub3A_300, %sub3A_305 : vector<16xi32>
      %select_n3A_307 = arith.select %ge3A_303, %sub3A_306, %sub3A_300 : vector<16xi1>, vector<16xi32>
      %swap3A_308 = arith.constant 0 : i32
      %swap3A_309 = arith.index_cast %swap3A_308 : i32 to index
      %swap3A_310 = arith.constant 112 : index
      %swap3A_311 = tpu.vector_load %arg7[%swap3A_309, %swap3A_310] {strides = array<i32>} : memref<2x512xi32, #tpu.memory_space<vmem>>, vector<1x16xi32>,
      %swap3A_312 = vector.shape_cast %swap3A_311 : vector<1x16xi32> to vector<16xi32>
      %swap3A_313 = vector.shape_cast %select_n3A_307 : vector<16xi32> to vector<1x16xi32>
      tpu.vector_store %arg7[%swap3A_309, %swap3A_310], %swap3A_313 {strides = array<i32>} : memref<2x512xi32, #tpu.memory_space<vmem>>, vector<1x16xi32>,
      %get3A_314 = arith.constant 0 : i32
      %get3A_315 = arith.index_cast %get3A_314 : i32 to index
      %get3A_316 = arith.constant 128 : index
      %get3A_317 = tpu.vector_load %arg6[%get3A_315, %get3A_316] {strides = array<i32>} : memref<2x512xi32, #tpu.memory_space<vmem>>, vector<1x16xi32>,
      %get3A_318 = vector.shape_cast %get3A_317 : vector<1x16xi32> to vector<16xi32>
      %convert_element_type3A_319 = arith.sitofp %get3A_318 : vector<16xi32> to vector<16xf32>
      %mul3A_320 = arith.constant 2.000000e-02 : f32
      %mul3A_321 = vector.broadcast %mul3A_320 : f32 to vector<16xf32>
      %mul3A_322 = arith.mulf %convert_element_type3A_319, %mul3A_321 : vector<16xf32>
      %convert_element_type3A_323 = arith.fptosi %mul3A_322 : vector<16xf32> to vector<16xi32>
      %mul3A_324 = arith.constant 50 : i32
      %mul3A_325 = vector.broadcast %mul3A_324 : i32 to vector<16xi32>
      %mul3A_326 = arith.muli %convert_element_type3A_323, %mul3A_325 : vector<16xi32>
      %sub3A_327 = arith.subi %get3A_318, %mul3A_326 : vector<16xi32>
      %ge3A_328 = arith.constant 50 : i32
      %ge3A_329 = vector.broadcast %ge3A_328 : i32 to vector<16xi32>
      %ge3A_330 = arith.cmpi sge, %sub3A_327, %ge3A_329 : vector<16xi32>
      %sub3A_331 = arith.constant 50 : i32
      %sub3A_332 = vector.broadcast %sub3A_331 : i32 to vector<16xi32>
      %sub3A_333 = arith.subi %sub3A_327, %sub3A_332 : vector<16xi32>
      %select_n3A_334 = arith.select %ge3A_330, %sub3A_333, %sub3A_327 : vector<16xi1>, vector<16xi32>
      %swap3A_335 = arith.constant 0 : i32
      %swap3A_336 = arith.index_cast %swap3A_335 : i32 to index
      %swap3A_337 = arith.constant 128 : index
      %swap3A_338 = tpu.vector_load %arg7[%swap3A_336, %swap3A_337] {strides = array<i32>} : memref<2x512xi32, #tpu.memory_space<vmem>>, vector<1x16xi32>,
      %swap3A_339 = vector.shape_cast %swap3A_338 : vector<1x16xi32> to vector<16xi32>
      %swap3A_340 = vector.shape_cast %select_n3A_334 : vector<16xi32> to vector<1x16xi32>
      tpu.vector_store %arg7[%swap3A_336, %swap3A_337], %swap3A_340 {strides = array<i32>} : memref<2x512xi32, #tpu.memory_space<vmem>>, vector<1x16xi32>,
      %get3A_341 = arith.constant 0 : i32
      %get3A_342 = arith.index_cast %get3A_341 : i32 to index
      %get3A_343 = arith.constant 144 : index
      %get3A_344 = tpu.vector_load %arg6[%get3A_342, %get3A_343] {strides = array<i32>} : memref<2x512xi32, #tpu.memory_space<vmem>>, vector<1x16xi32>,
      %get3A_345 = vector.shape_cast %get3A_344 : vector<1x16xi32> to vector<16xi32>
      %convert_element_type3A_346 = arith.sitofp %get3A_345 : vector<16xi32> to vector<16xf32>
      %mul3A_347 = arith.constant 2.000000e-02 : f32
      %mul3A_348 = vector.broadcast %mul3A_347 : f32 to vector<16xf32>
      %mul3A_349 = arith.mulf %convert_element_type3A_346, %mul3A_348 : vector<16xf32>
      %convert_element_type3A_350 = arith.fptosi %mul3A_349 : vector<16xf32> to vector<16xi32>
      %mul3A_351 = arith.constant 50 : i32
      %mul3A_352 = vector.broadcast %mul3A_351 : i32 to vector<16xi32>
      %mul3A_353 = arith.muli %convert_element_type3A_350, %mul3A_352 : vector<16xi32>
      %sub3A_354 = arith.subi %get3A_345, %mul3A_353 : vector<16xi32>
      %ge3A_355 = arith.constant 50 : i32
      %ge3A_356 = vector.broadcast %ge3A_355 : i32 to vector<16xi32>
      %ge3A_357 = arith.cmpi sge, %sub3A_354, %ge3A_356 : vector<16xi32>
      %sub3A_358 = arith.constant 50 : i32
      %sub3A_359 = vector.broadcast %sub3A_358 : i32 to vector<16xi32>
      %sub3A_360 = arith.subi %sub3A_354, %sub3A_359 : vector<16xi32>
      %select_n3A_361 = arith.select %ge3A_357, %sub3A_360, %sub3A_354 : vector<16xi1>, vector<16xi32>
      %swap3A_362 = arith.constant 0 : i32
      %swap3A_363 = arith.index_cast %swap3A_362 : i32 to index
      %swap3A_364 = arith.constant 144 : index
      %swap3A_365 = tpu.vector_load %arg7[%swap3A_363, %swap3A_364] {strides = array<i32>} : memref<2x512xi32, #tpu.memory_space<vmem>>, vector<1x16xi32>,
      %swap3A_366 = vector.shape_cast %swap3A_365 : vector<1x16xi32> to vector<16xi32>
      %swap3A_367 = vector.shape_cast %select_n3A_361 : vector<16xi32> to vector<1x16xi32>
      tpu.vector_store %arg7[%swap3A_363, %swap3A_364], %swap3A_367 {strides = array<i32>} : memref<2x512xi32, #tpu.memory_space<vmem>>, vector<1x16xi32>,
      %get3A_368 = arith.constant 0 : i32
      %get3A_369 = arith.index_cast %get3A_368 : i32 to index
      %get3A_370 = arith.constant 160 : index
      %get3A_371 = tpu.vector_load %arg6[%get3A_369, %get3A_370] {strides = array<i32>} : memref<2x512xi32, #tpu.memory_space<vmem>>, vector<1x16xi32>,
      %get3A_372 = vector.shape_cast %get3A_371 : vector<1x16xi32> to vector<16xi32>
      %convert_element_type3A_373 = arith.sitofp %get3A_372 : vector<16xi32> to vector<16xf32>
      %mul3A_374 = arith.constant 2.000000e-02 : f32
      %mul3A_375 = vector.broadcast %mul3A_374 : f32 to vector<16xf32>
      %mul3A_376 = arith.mulf %convert_element_type3A_373, %mul3A_375 : vector<16xf32>
      %convert_element_type3A_377 = arith.fptosi %mul3A_376 : vector<16xf32> to vector<16xi32>
      %mul3A_378 = arith.constant 50 : i32
      %mul3A_379 = vector.broadcast %mul3A_378 : i32 to vector<16xi32>
      %mul3A_380 = arith.muli %convert_element_type3A_377, %mul3A_379 : vector<16xi32>
      %sub3A_381 = arith.subi %get3A_372, %mul3A_380 : vector<16xi32>
      %ge3A_382 = arith.constant 50 : i32
      %ge3A_383 = vector.broadcast %ge3A_382 : i32 to vector<16xi32>
      %ge3A_384 = arith.cmpi sge, %sub3A_381, %ge3A_383 : vector<16xi32>
      %sub3A_385 = arith.constant 50 : i32
      %sub3A_386 = vector.broadcast %sub3A_385 : i32 to vector<16xi32>
      %sub3A_387 = arith.subi %sub3A_381, %sub3A_386 : vector<16xi32>
      %select_n3A_388 = arith.select %ge3A_384, %sub3A_387, %sub3A_381 : vector<16xi1>, vector<16xi32>
      %swap3A_389 = arith.constant 0 : i32
      %swap3A_390 = arith.index_cast %swap3A_389 : i32 to index
      %swap3A_391 = arith.constant 160 : index
      %swap3A_392 = tpu.vector_load %arg7[%swap3A_390, %swap3A_391] {strides = array<i32>} : memref<2x512xi32, #tpu.memory_space<vmem>>, vector<1x16xi32>,
      %swap3A_393 = vector.shape_cast %swap3A_392 : vector<1x16xi32> to vector<16xi32>
      %swap3A_394 = vector.shape_cast %select_n3A_388 : vector<16xi32> to vector<1x16xi32>
      tpu.vector_store %arg7[%swap3A_390, %swap3A_391], %swap3A_394 {strides = array<i32>} : memref<2x512xi32, #tpu.memory_space<vmem>>, vector<1x16xi32>,
      %get3A_395 = arith.constant 0 : i32
      %get3A_396 = arith.index_cast %get3A_395 : i32 to index
      %get3A_397 = arith.constant 176 : index
      %get3A_398 = tpu.vector_load %arg6[%get3A_396, %get3A_397] {strides = array<i32>} : memref<2x512xi32, #tpu.memory_space<vmem>>, vector<1x16xi32>,
      %get3A_399 = vector.shape_cast %get3A_398 : vector<1x16xi32> to vector<16xi32>
      %convert_element_type3A_400 = arith.sitofp %get3A_399 : vector<16xi32> to vector<16xf32>
      %mul3A_401 = arith.constant 2.000000e-02 : f32
      %mul3A_402 = vector.broadcast %mul3A_401 : f32 to vector<16xf32>
      %mul3A_403 = arith.mulf %convert_element_type3A_400, %mul3A_402 : vector<16xf32>
      %convert_element_type3A_404 = arith.fptosi %mul3A_403 : vector<16xf32> to vector<16xi32>
      %mul3A_405 = arith.constant 50 : i32
      %mul3A_406 = vector.broadcast %mul3A_405 : i32 to vector<16xi32>
      %mul3A_407 = arith.muli %convert_element_type3A_404, %mul3A_406 : vector<16xi32>
      %sub3A_408 = arith.subi %get3A_399, %mul3A_407 : vector<16xi32>
      %ge3A_409 = arith.constant 50 : i32
      %ge3A_410 = vector.broadcast %ge3A_409 : i32 to vector<16xi32>
      %ge3A_411 = arith.cmpi sge, %sub3A_408, %ge3A_410 : vector<16xi32>
      %sub3A_412 = arith.constant 50 : i32
      %sub3A_413 = vector.broadcast %sub3A_412 : i32 to vector<16xi32>
      %sub3A_414 = arith.subi %sub3A_408, %sub3A_413 : vector<16xi32>
      %select_n3A_415 = arith.select %ge3A_411, %sub3A_414, %sub3A_408 : vector<16xi1>, vector<16xi32>
      %swap3A_416 = arith.constant 0 : i32
      %swap3A_417 = arith.index_cast %swap3A_416 : i32 to index
      %swap3A_418 = arith.constant 176 : index
      %swap3A_419 = tpu.vector_load %arg7[%swap3A_417, %swap3A_418] {strides = array<i32>} : memref<2x512xi32, #tpu.memory_space<vmem>>, vector<1x16xi32>,
      %swap3A_420 = vector.shape_cast %swap3A_419 : vector<1x16xi32> to vector<16xi32>
      %swap3A_421 = vector.shape_cast %select_n3A_415 : vector<16xi32> to vector<1x16xi32>
      tpu.vector_store %arg7[%swap3A_417, %swap3A_418], %swap3A_421 {strides = array<i32>} : memref<2x512xi32, #tpu.memory_space<vmem>>, vector<1x16xi32>,
      %get3A_422 = arith.constant 0 : i32
      %get3A_423 = arith.index_cast %get3A_422 : i32 to index
      %get3A_424 = arith.constant 192 : index
      %get3A_425 = tpu.vector_load %arg6[%get3A_423, %get3A_424] {strides = array<i32>} : memref<2x512xi32, #tpu.memory_space<vmem>>, vector<1x16xi32>,
      %get3A_426 = vector.shape_cast %get3A_425 : vector<1x16xi32> to vector<16xi32>
      %convert_element_type3A_427 = arith.sitofp %get3A_426 : vector<16xi32> to vector<16xf32>
      %mul3A_428 = arith.constant 2.000000e-02 : f32
      %mul3A_429 = vector.broadcast %mul3A_428 : f32 to vector<16xf32>
      %mul3A_430 = arith.mulf %convert_element_type3A_427, %mul3A_429 : vector<16xf32>
      %convert_element_type3A_431 = arith.fptosi %mul3A_430 : vector<16xf32> to vector<16xi32>
      %mul3A_432 = arith.constant 50 : i32
      %mul3A_433 = vector.broadcast %mul3A_432 : i32 to vector<16xi32>
      %mul3A_434 = arith.muli %convert_element_type3A_431, %mul3A_433 : vector<16xi32>
      %sub3A_435 = arith.subi %get3A_426, %mul3A_434 : vector<16xi32>
      %ge3A_436 = arith.constant 50 : i32
      %ge3A_437 = vector.broadcast %ge3A_436 : i32 to vector<16xi32>
      %ge3A_438 = arith.cmpi sge, %sub3A_435, %ge3A_437 : vector<16xi32>
      %sub3A_439 = arith.constant 50 : i32
      %sub3A_440 = vector.broadcast %sub3A_439 : i32 to vector<16xi32>
      %sub3A_441 = arith.subi %sub3A_435, %sub3A_440 : vector<16xi32>
      %select_n3A_442 = arith.select %ge3A_438, %sub3A_441, %sub3A_435 : vector<16xi1>, vector<16xi32>
      %swap3A_443 = arith.constant 0 : i32
      %swap3A_444 = arith.index_cast %swap3A_443 : i32 to index
      %swap3A_445 = arith.constant 192 : index
      %swap3A_446 = tpu.vector_load %arg7[%swap3A_444, %swap3A_445] {strides = array<i32>} : memref<2x512xi32, #tpu.memory_space<vmem>>, vector<1x16xi32>,
      %swap3A_447 = vector.shape_cast %swap3A_446 : vector<1x16xi32> to vector<16xi32>
      %swap3A_448 = vector.shape_cast %select_n3A_442 : vector<16xi32> to vector<1x16xi32>
      tpu.vector_store %arg7[%swap3A_444, %swap3A_445], %swap3A_448 {strides = array<i32>} : memref<2x512xi32, #tpu.memory_space<vmem>>, vector<1x16xi32>,
      %get3A_449 = arith.constant 0 : i32
      %get3A_450 = arith.index_cast %get3A_449 : i32 to index
      %get3A_451 = arith.constant 208 : index
      %get3A_452 = tpu.vector_load %arg6[%get3A_450, %get3A_451] {strides = array<i32>} : memref<2x512xi32, #tpu.memory_space<vmem>>, vector<1x16xi32>,
      %get3A_453 = vector.shape_cast %get3A_452 : vector<1x16xi32> to vector<16xi32>
      %convert_element_type3A_454 = arith.sitofp %get3A_453 : vector<16xi32> to vector<16xf32>
      %mul3A_455 = arith.constant 2.000000e-02 : f32
      %mul3A_456 = vector.broadcast %mul3A_455 : f32 to vector<16xf32>
      %mul3A_457 = arith.mulf %convert_element_type3A_454, %mul3A_456 : vector<16xf32>
      %convert_element_type3A_458 = arith.fptosi %mul3A_457 : vector<16xf32> to vector<16xi32>
      %mul3A_459 = arith.constant 50 : i32
      %mul3A_460 = vector.broadcast %mul3A_459 : i32 to vector<16xi32>
      %mul3A_461 = arith.muli %convert_element_type3A_458, %mul3A_460 : vector<16xi32>
      %sub3A_462 = arith.subi %get3A_453, %mul3A_461 : vector<16xi32>
      %ge3A_463 = arith.constant 50 : i32
      %ge3A_464 = vector.broadcast %ge3A_463 : i32 to vector<16xi32>
      %ge3A_465 = arith.cmpi sge, %sub3A_462, %ge3A_464 : vector<16xi32>
      %sub3A_466 = arith.constant 50 : i32
      %sub3A_467 = vector.broadcast %sub3A_466 : i32 to vector<16xi32>
      %sub3A_468 = arith.subi %sub3A_462, %sub3A_467 : vector<16xi32>
      %select_n3A_469 = arith.select %ge3A_465, %sub3A_468, %sub3A_462 : vector<16xi1>, vector<16xi32>
      %swap3A_470 = arith.constant 0 : i32
      %swap3A_471 = arith.index_cast %swap3A_470 : i32 to index
      %swap3A_472 = arith.constant 208 : index
      %swap3A_473 = tpu.vector_load %arg7[%swap3A_471, %swap3A_472] {strides = array<i32>} : memref<2x512xi32, #tpu.memory_space<vmem>>, vector<1x16xi32>,
      %swap3A_474 = vector.shape_cast %swap3A_473 : vector<1x16xi32> to vector<16xi32>
      %swap3A_475 = vector.shape_cast %select_n3A_469 : vector<16xi32> to vector<1x16xi32>
      tpu.vector_store %arg7[%swap3A_471, %swap3A_472], %swap3A_475 {strides = array<i32>} : memref<2x512xi32, #tpu.memory_space<vmem>>, vector<1x16xi32>,
      %get3A_476 = arith.constant 0 : i32
      %get3A_477 = arith.index_cast %get3A_476 : i32 to index
      %get3A_478 = arith.constant 224 : index
      %get3A_479 = tpu.vector_load %arg6[%get3A_477, %get3A_478] {strides = array<i32>} : memref<2x512xi32, #tpu.memory_space<vmem>>, vector<1x16xi32>,
      %get3A_480 = vector.shape_cast %get3A_479 : vector<1x16xi32> to vector<16xi32>
      %convert_element_type3A_481 = arith.sitofp %get3A_480 : vector<16xi32> to vector<16xf32>
      %mul3A_482 = arith.constant 2.000000e-02 : f32
      %mul3A_483 = vector.broadcast %mul3A_482 : f32 to vector<16xf32>
      %mul3A_484 = arith.mulf %convert_element_type3A_481, %mul3A_483 : vector<16xf32>
      %convert_element_type3A_485 = arith.fptosi %mul3A_484 : vector<16xf32> to vector<16xi32>
      %mul3A_486 = arith.constant 50 : i32
      %mul3A_487 = vector.broadcast %mul3A_486 : i32 to vector<16xi32>
      %mul3A_488 = arith.muli %convert_element_type3A_485, %mul3A_487 : vector<16xi32>
      %sub3A_489 = arith.subi %get3A_480, %mul3A_488 : vector<16xi32>
      %ge3A_490 = arith.constant 50 : i32
      %ge3A_491 = vector.broadcast %ge3A_490 : i32 to vector<16xi32>
      %ge3A_492 = arith.cmpi sge, %sub3A_489, %ge3A_491 : vector<16xi32>
      %sub3A_493 = arith.constant 50 : i32
      %sub3A_494 = vector.broadcast %sub3A_493 : i32 to vector<16xi32>
      %sub3A_495 = arith.subi %sub3A_489, %sub3A_494 : vector<16xi32>
      %select_n3A_496 = arith.select %ge3A_492, %sub3A_495, %sub3A_489 : vector<16xi1>, vector<16xi32>
      %swap3A_497 = arith.constant 0 : i32
      %swap3A_498 = arith.index_cast %swap3A_497 : i32 to index
      %swap3A_499 = arith.constant 224 : index
      %swap3A_500 = tpu.vector_load %arg7[%swap3A_498, %swap3A_499] {strides = array<i32>} : memref<2x512xi32, #tpu.memory_space<vmem>>, vector<1x16xi32>,
      %swap3A_501 = vector.shape_cast %swap3A_500 : vector<1x16xi32> to vector<16xi32>
      %swap3A_502 = vector.shape_cast %select_n3A_496 : vector<16xi32> to vector<1x16xi32>
      tpu.vector_store %arg7[%swap3A_498, %swap3A_499], %swap3A_502 {strides = array<i32>} : memref<2x512xi32, #tpu.memory_space<vmem>>, vector<1x16xi32>,
      %get3A_503 = arith.constant 0 : i32
      %get3A_504 = arith.index_cast %get3A_503 : i32 to index
      %get3A_505 = arith.constant 240 : index
      %get3A_506 = tpu.vector_load %arg6[%get3A_504, %get3A_505] {strides = array<i32>} : memref<2x512xi32, #tpu.memory_space<vmem>>, vector<1x16xi32>,
      %get3A_507 = vector.shape_cast %get3A_506 : vector<1x16xi32> to vector<16xi32>
      %convert_element_type3A_508 = arith.sitofp %get3A_507 : vector<16xi32> to vector<16xf32>
      %mul3A_509 = arith.constant 2.000000e-02 : f32
      %mul3A_510 = vector.broadcast %mul3A_509 : f32 to vector<16xf32>
      %mul3A_511 = arith.mulf %convert_element_type3A_508, %mul3A_510 : vector<16xf32>
      %convert_element_type3A_512 = arith.fptosi %mul3A_511 : vector<16xf32> to vector<16xi32>
      %mul3A_513 = arith.constant 50 : i32
      %mul3A_514 = vector.broadcast %mul3A_513 : i32 to vector<16xi32>
      %mul3A_515 = arith.muli %convert_element_type3A_512, %mul3A_514 : vector<16xi32>
      %sub3A_516 = arith.subi %get3A_507, %mul3A_515 : vector<16xi32>
      %ge3A_517 = arith.constant 50 : i32
      %ge3A_518 = vector.broadcast %ge3A_517 : i32 to vector<16xi32>
      %ge3A_519 = arith.cmpi sge, %sub3A_516, %ge3A_518 : vector<16xi32>
      %sub3A_520 = arith.constant 50 : i32
      %sub3A_521 = vector.broadcast %sub3A_520 : i32 to vector<16xi32>
      %sub3A_522 = arith.subi %sub3A_516, %sub3A_521 : vector<16xi32>
      %select_n3A_523 = arith.select %ge3A_519, %sub3A_522, %sub3A_516 : vector<16xi1>, vector<16xi32>
      %swap3A_524 = arith.constant 0 : i32
      %swap3A_525 = arith.index_cast %swap3A_524 : i32 to index
      %swap3A_526 = arith.constant 240 : index
      %swap3A_527 = tpu.vector_load %arg7[%swap3A_525, %swap3A_526] {strides = array<i32>} : memref<2x512xi32, #tpu.memory_space<vmem>>, vector<1x16xi32>,
      %swap3A_528 = vector.shape_cast %swap3A_527 : vector<1x16xi32> to vector<16xi32>
      %swap3A_529 = vector.shape_cast %select_n3A_523 : vector<16xi32> to vector<1x16xi32>
      tpu.vector_store %arg7[%swap3A_525, %swap3A_526], %swap3A_529 {strides = array<i32>} : memref<2x512xi32, #tpu.memory_space<vmem>>, vector<1x16xi32>,
      %get3A_530 = arith.constant 0 : i32
      %get3A_531 = arith.index_cast %get3A_530 : i32 to index
      %get3A_532 = arith.constant 256 : index
      %get3A_533 = tpu.vector_load %arg6[%get3A_531, %get3A_532] {strides = array<i32>} : memref<2x512xi32, #tpu.memory_space<vmem>>, vector<1x16xi32>,
      %get3A_534 = vector.shape_cast %get3A_533 : vector<1x16xi32> to vector<16xi32>
      %convert_element_type3A_535 = arith.sitofp %get3A_534 : vector<16xi32> to vector<16xf32>
      %mul3A_536 = arith.constant 2.000000e-02 : f32
      %mul3A_537 = vector.broadcast %mul3A_536 : f32 to vector<16xf32>
      %mul3A_538 = arith.mulf %convert_element_type3A_535, %mul3A_537 : vector<16xf32>
      %convert_element_type3A_539 = arith.fptosi %mul3A_538 : vector<16xf32> to vector<16xi32>
      %mul3A_540 = arith.constant 50 : i32
      %mul3A_541 = vector.broadcast %mul3A_540 : i32 to vector<16xi32>
      %mul3A_542 = arith.muli %convert_element_type3A_539, %mul3A_541 : vector<16xi32>
      %sub3A_543 = arith.subi %get3A_534, %mul3A_542 : vector<16xi32>
      %ge3A_544 = arith.constant 50 : i32
      %ge3A_545 = vector.broadcast %ge3A_544 : i32 to vector<16xi32>
      %ge3A_546 = arith.cmpi sge, %sub3A_543, %ge3A_545 : vector<16xi32>
      %sub3A_547 = arith.constant 50 : i32
      %sub3A_548 = vector.broadcast %sub3A_547 : i32 to vector<16xi32>
      %sub3A_549 = arith.subi %sub3A_543, %sub3A_548 : vector<16xi32>
      %select_n3A_550 = arith.select %ge3A_546, %sub3A_549, %sub3A_543 : vector<16xi1>, vector<16xi32>
      %swap3A_551 = arith.constant 0 : i32
      %swap3A_552 = arith.index_cast %swap3A_551 : i32 to index
      %swap3A_553 = arith.constant 256 : index
      %swap3A_554 = tpu.vector_load %arg7[%swap3A_552, %swap3A_553] {strides = array<i32>} : memref<2x512xi32, #tpu.memory_space<vmem>>, vector<1x16xi32>,
      %swap3A_555 = vector.shape_cast %swap3A_554 : vector<1x16xi32> to vector<16xi32>
      %swap3A_556 = vector.shape_cast %select_n3A_550 : vector<16xi32> to vector<1x16xi32>
      tpu.vector_store %arg7[%swap3A_552, %swap3A_553], %swap3A_556 {strides = array<i32>} : memref<2x512xi32, #tpu.memory_space<vmem>>, vector<1x16xi32>,
      %get3A_557 = arith.constant 0 : i32
      %get3A_558 = arith.index_cast %get3A_557 : i32 to index
      %get3A_559 = arith.constant 272 : index
      %get3A_560 = tpu.vector_load %arg6[%get3A_558, %get3A_559] {strides = array<i32>} : memref<2x512xi32, #tpu.memory_space<vmem>>, vector<1x16xi32>,
      %get3A_561 = vector.shape_cast %get3A_560 : vector<1x16xi32> to vector<16xi32>
      %convert_element_type3A_562 = arith.sitofp %get3A_561 : vector<16xi32> to vector<16xf32>
      %mul3A_563 = arith.constant 2.000000e-02 : f32
      %mul3A_564 = vector.broadcast %mul3A_563 : f32 to vector<16xf32>
      %mul3A_565 = arith.mulf %convert_element_type3A_562, %mul3A_564 : vector<16xf32>
      %convert_element_type3A_566 = arith.fptosi %mul3A_565 : vector<16xf32> to vector<16xi32>
      %mul3A_567 = arith.constant 50 : i32
      %mul3A_568 = vector.broadcast %mul3A_567 : i32 to vector<16xi32>
      %mul3A_569 = arith.muli %convert_element_type3A_566, %mul3A_568 : vector<16xi32>
      %sub3A_570 = arith.subi %get3A_561, %mul3A_569 : vector<16xi32>
      %ge3A_571 = arith.constant 50 : i32
      %ge3A_572 = vector.broadcast %ge3A_571 : i32 to vector<16xi32>
      %ge3A_573 = arith.cmpi sge, %sub3A_570, %ge3A_572 : vector<16xi32>
      %sub3A_574 = arith.constant 50 : i32
      %sub3A_575 = vector.broadcast %sub3A_574 : i32 to vector<16xi32>
      %sub3A_576 = arith.subi %sub3A_570, %sub3A_575 : vector<16xi32>
      %select_n3A_577 = arith.select %ge3A_573, %sub3A_576, %sub3A_570 : vector<16xi1>, vector<16xi32>
      %swap3A_578 = arith.constant 0 : i32
      %swap3A_579 = arith.index_cast %swap3A_578 : i32 to index
      %swap3A_580 = arith.constant 272 : index
      %swap3A_581 = tpu.vector_load %arg7[%swap3A_579, %swap3A_580] {strides = array<i32>} : memref<2x512xi32, #tpu.memory_space<vmem>>, vector<1x16xi32>,
      %swap3A_582 = vector.shape_cast %swap3A_581 : vector<1x16xi32> to vector<16xi32>
      %swap3A_583 = vector.shape_cast %select_n3A_577 : vector<16xi32> to vector<1x16xi32>
      tpu.vector_store %arg7[%swap3A_579, %swap3A_580], %swap3A_583 {strides = array<i32>} : memref<2x512xi32, #tpu.memory_space<vmem>>, vector<1x16xi32>,
      %get3A_584 = arith.constant 0 : i32
      %get3A_585 = arith.index_cast %get3A_584 : i32 to index
      %get3A_586 = arith.constant 288 : index
      %get3A_587 = tpu.vector_load %arg6[%get3A_585, %get3A_586] {strides = array<i32>} : memref<2x512xi32, #tpu.memory_space<vmem>>, vector<1x16xi32>,
      %get3A_588 = vector.shape_cast %get3A_587 : vector<1x16xi32> to vector<16xi32>
      %convert_element_type3A_589 = arith.sitofp %get3A_588 : vector<16xi32> to vector<16xf32>
      %mul3A_590 = arith.constant 2.000000e-02 : f32
      %mul3A_591 = vector.broadcast %mul3A_590 : f32 to vector<16xf32>
      %mul3A_592 = arith.mulf %convert_element_type3A_589, %mul3A_591 : vector<16xf32>
      %convert_element_type3A_593 = arith.fptosi %mul3A_592 : vector<16xf32> to vector<16xi32>
      %mul3A_594 = arith.constant 50 : i32
      %mul3A_595 = vector.broadcast %mul3A_594 : i32 to vector<16xi32>
      %mul3A_596 = arith.muli %convert_element_type3A_593, %mul3A_595 : vector<16xi32>
      %sub3A_597 = arith.subi %get3A_588, %mul3A_596 : vector<16xi32>
      %ge3A_598 = arith.constant 50 : i32
      %ge3A_599 = vector.broadcast %ge3A_598 : i32 to vector<16xi32>
      %ge3A_600 = arith.cmpi sge, %sub3A_597, %ge3A_599 : vector<16xi32>
      %sub3A_601 = arith.constant 50 : i32
      %sub3A_602 = vector.broadcast %sub3A_601 : i32 to vector<16xi32>
      %sub3A_603 = arith.subi %sub3A_597, %sub3A_602 : vector<16xi32>
      %select_n3A_604 = arith.select %ge3A_600, %sub3A_603, %sub3A_597 : vector<16xi1>, vector<16xi32>
      %swap3A_605 = arith.constant 0 : i32
      %swap3A_606 = arith.index_cast %swap3A_605 : i32 to index
      %swap3A_607 = arith.constant 288 : index
      %swap3A_608 = tpu.vector_load %arg7[%swap3A_606, %swap3A_607] {strides = array<i32>} : memref<2x512xi32, #tpu.memory_space<vmem>>, vector<1x16xi32>,
      %swap3A_609 = vector.shape_cast %swap3A_608 : vector<1x16xi32> to vector<16xi32>
      %swap3A_610 = vector.shape_cast %select_n3A_604 : vector<16xi32> to vector<1x16xi32>
      tpu.vector_store %arg7[%swap3A_606, %swap3A_607], %swap3A_610 {strides = array<i32>} : memref<2x512xi32, #tpu.memory_space<vmem>>, vector<1x16xi32>,
      %get3A_611 = arith.constant 0 : i32
      %get3A_612 = arith.index_cast %get3A_611 : i32 to index
      %get3A_613 = arith.constant 304 : index
      %get3A_614 = tpu.vector_load %arg6[%get3A_612, %get3A_613] {strides = array<i32>} : memref<2x512xi32, #tpu.memory_space<vmem>>, vector<1x16xi32>,
      %get3A_615 = vector.shape_cast %get3A_614 : vector<1x16xi32> to vector<16xi32>
      %convert_element_type3A_616 = arith.sitofp %get3A_615 : vector<16xi32> to vector<16xf32>
      %mul3A_617 = arith.constant 2.000000e-02 : f32
      %mul3A_618 = vector.broadcast %mul3A_617 : f32 to vector<16xf32>
      %mul3A_619 = arith.mulf %convert_element_type3A_616, %mul3A_618 : vector<16xf32>
      %convert_element_type3A_620 = arith.fptosi %mul3A_619 : vector<16xf32> to vector<16xi32>
      %mul3A_621 = arith.constant 50 : i32
      %mul3A_622 = vector.broadcast %mul3A_621 : i32 to vector<16xi32>
      %mul3A_623 = arith.muli %convert_element_type3A_620, %mul3A_622 : vector<16xi32>
      %sub3A_624 = arith.subi %get3A_615, %mul3A_623 : vector<16xi32>
      %ge3A_625 = arith.constant 50 : i32
      %ge3A_626 = vector.broadcast %ge3A_625 : i32 to vector<16xi32>
      %ge3A_627 = arith.cmpi sge, %sub3A_624, %ge3A_626 : vector<16xi32>
      %sub3A_628 = arith.constant 50 : i32
      %sub3A_629 = vector.broadcast %sub3A_628 : i32 to vector<16xi32>
      %sub3A_630 = arith.subi %sub3A_624, %sub3A_629 : vector<16xi32>
      %select_n3A_631 = arith.select %ge3A_627, %sub3A_630, %sub3A_624 : vector<16xi1>, vector<16xi32>
      %swap3A_632 = arith.constant 0 : i32
      %swap3A_633 = arith.index_cast %swap3A_632 : i32 to index
      %swap3A_634 = arith.constant 304 : index
      %swap3A_635 = tpu.vector_load %arg7[%swap3A_633, %swap3A_634] {strides = array<i32>} : memref<2x512xi32, #tpu.memory_space<vmem>>, vector<1x16xi32>,
      %swap3A_636 = vector.shape_cast %swap3A_635 : vector<1x16xi32> to vector<16xi32>
      %swap3A_637 = vector.shape_cast %select_n3A_631 : vector<16xi32> to vector<1x16xi32>
      tpu.vector_store %arg7[%swap3A_633, %swap3A_634], %swap3A_637 {strides = array<i32>} : memref<2x512xi32, #tpu.memory_space<vmem>>, vector<1x16xi32>,
      %get3A_638 = arith.constant 0 : i32
      %get3A_639 = arith.index_cast %get3A_638 : i32 to index
      %get3A_640 = arith.constant 320 : index
      %get3A_641 = tpu.vector_load %arg6[%get3A_639, %get3A_640] {strides = array<i32>} : memref<2x512xi32, #tpu.memory_space<vmem>>, vector<1x16xi32>,
      %get3A_642 = vector.shape_cast %get3A_641 : vector<1x16xi32> to vector<16xi32>
      %convert_element_type3A_643 = arith.sitofp %get3A_642 : vector<16xi32> to vector<16xf32>
      %mul3A_644 = arith.constant 2.000000e-02 : f32
      %mul3A_645 = vector.broadcast %mul3A_644 : f32 to vector<16xf32>
      %mul3A_646 = arith.mulf %convert_element_type3A_643, %mul3A_645 : vector<16xf32>
      %convert_element_type3A_647 = arith.fptosi %mul3A_646 : vector<16xf32> to vector<16xi32>
      %mul3A_648 = arith.constant 50 : i32
      %mul3A_649 = vector.broadcast %mul3A_648 : i32 to vector<16xi32>
      %mul3A_650 = arith.muli %convert_element_type3A_647, %mul3A_649 : vector<16xi32>
      %sub3A_651 = arith.subi %get3A_642, %mul3A_650 : vector<16xi32>
      %ge3A_652 = arith.constant 50 : i32
      %ge3A_653 = vector.broadcast %ge3A_652 : i32 to vector<16xi32>
      %ge3A_654 = arith.cmpi sge, %sub3A_651, %ge3A_653 : vector<16xi32>
      %sub3A_655 = arith.constant 50 : i32
      %sub3A_656 = vector.broadcast %sub3A_655 : i32 to vector<16xi32>
      %sub3A_657 = arith.subi %sub3A_651, %sub3A_656 : vector<16xi32>
      %select_n3A_658 = arith.select %ge3A_654, %sub3A_657, %sub3A_651 : vector<16xi1>, vector<16xi32>
      %swap3A_659 = arith.constant 0 : i32
      %swap3A_660 = arith.index_cast %swap3A_659 : i32 to index
      %swap3A_661 = arith.constant 320 : index
      %swap3A_662 = tpu.vector_load %arg7[%swap3A_660, %swap3A_661] {strides = array<i32>} : memref<2x512xi32, #tpu.memory_space<vmem>>, vector<1x16xi32>,
      %swap3A_663 = vector.shape_cast %swap3A_662 : vector<1x16xi32> to vector<16xi32>
      %swap3A_664 = vector.shape_cast %select_n3A_658 : vector<16xi32> to vector<1x16xi32>
      tpu.vector_store %arg7[%swap3A_660, %swap3A_661], %swap3A_664 {strides = array<i32>} : memref<2x512xi32, #tpu.memory_space<vmem>>, vector<1x16xi32>,
      %get3A_665 = arith.constant 0 : i32
      %get3A_666 = arith.index_cast %get3A_665 : i32 to index
      %get3A_667 = arith.constant 336 : index
      %get3A_668 = tpu.vector_load %arg6[%get3A_666, %get3A_667] {strides = array<i32>} : memref<2x512xi32, #tpu.memory_space<vmem>>, vector<1x16xi32>,
      %get3A_669 = vector.shape_cast %get3A_668 : vector<1x16xi32> to vector<16xi32>
      %convert_element_type3A_670 = arith.sitofp %get3A_669 : vector<16xi32> to vector<16xf32>
      %mul3A_671 = arith.constant 2.000000e-02 : f32
      %mul3A_672 = vector.broadcast %mul3A_671 : f32 to vector<16xf32>
      %mul3A_673 = arith.mulf %convert_element_type3A_670, %mul3A_672 : vector<16xf32>
      %convert_element_type3A_674 = arith.fptosi %mul3A_673 : vector<16xf32> to vector<16xi32>
      %mul3A_675 = arith.constant 50 : i32
      %mul3A_676 = vector.broadcast %mul3A_675 : i32 to vector<16xi32>
      %mul3A_677 = arith.muli %convert_element_type3A_674, %mul3A_676 : vector<16xi32>
      %sub3A_678 = arith.subi %get3A_669, %mul3A_677 : vector<16xi32>
      %ge3A_679 = arith.constant 50 : i32
      %ge3A_680 = vector.broadcast %ge3A_679 : i32 to vector<16xi32>
      %ge3A_681 = arith.cmpi sge, %sub3A_678, %ge3A_680 : vector<16xi32>
      %sub3A_682 = arith.constant 50 : i32
      %sub3A_683 = vector.broadcast %sub3A_682 : i32 to vector<16xi32>
      %sub3A_684 = arith.subi %sub3A_678, %sub3A_683 : vector<16xi32>
      %select_n3A_685 = arith.select %ge3A_681, %sub3A_684, %sub3A_678 : vector<16xi1>, vector<16xi32>
      %swap3A_686 = arith.constant 0 : i32
      %swap3A_687 = arith.index_cast %swap3A_686 : i32 to index
      %swap3A_688 = arith.constant 336 : index
      %swap3A_689 = tpu.vector_load %arg7[%swap3A_687, %swap3A_688] {strides = array<i32>} : memref<2x512xi32, #tpu.memory_space<vmem>>, vector<1x16xi32>,
      %swap3A_690 = vector.shape_cast %swap3A_689 : vector<1x16xi32> to vector<16xi32>
      %swap3A_691 = vector.shape_cast %select_n3A_685 : vector<16xi32> to vector<1x16xi32>
      tpu.vector_store %arg7[%swap3A_687, %swap3A_688], %swap3A_691 {strides = array<i32>} : memref<2x512xi32, #tpu.memory_space<vmem>>, vector<1x16xi32>,
      %get3A_692 = arith.constant 0 : i32
      %get3A_693 = arith.index_cast %get3A_692 : i32 to index
      %get3A_694 = arith.constant 352 : index
      %get3A_695 = tpu.vector_load %arg6[%get3A_693, %get3A_694] {strides = array<i32>} : memref<2x512xi32, #tpu.memory_space<vmem>>, vector<1x16xi32>,
      %get3A_696 = vector.shape_cast %get3A_695 : vector<1x16xi32> to vector<16xi32>
      %convert_element_type3A_697 = arith.sitofp %get3A_696 : vector<16xi32> to vector<16xf32>
      %mul3A_698 = arith.constant 2.000000e-02 : f32
      %mul3A_699 = vector.broadcast %mul3A_698 : f32 to vector<16xf32>
      %mul3A_700 = arith.mulf %convert_element_type3A_697, %mul3A_699 : vector<16xf32>
      %convert_element_type3A_701 = arith.fptosi %mul3A_700 : vector<16xf32> to vector<16xi32>
      %mul3A_702 = arith.constant 50 : i32
      %mul3A_703 = vector.broadcast %mul3A_702 : i32 to vector<16xi32>
      %mul3A_704 = arith.muli %convert_element_type3A_701, %mul3A_703 : vector<16xi32>
      %sub3A_705 = arith.subi %get3A_696, %mul3A_704 : vector<16xi32>
      %ge3A_706 = arith.constant 50 : i32
      %ge3A_707 = vector.broadcast %ge3A_706 : i32 to vector<16xi32>
      %ge3A_708 = arith.cmpi sge, %sub3A_705, %ge3A_707 : vector<16xi32>
      %sub3A_709 = arith.constant 50 : i32
      %sub3A_710 = vector.broadcast %sub3A_709 : i32 to vector<16xi32>
      %sub3A_711 = arith.subi %sub3A_705, %sub3A_710 : vector<16xi32>
      %select_n3A_712 = arith.select %ge3A_708, %sub3A_711, %sub3A_705 : vector<16xi1>, vector<16xi32>
      %swap3A_713 = arith.constant 0 : i32
      %swap3A_714 = arith.index_cast %swap3A_713 : i32 to index
      %swap3A_715 = arith.constant 352 : index
      %swap3A_716 = tpu.vector_load %arg7[%swap3A_714, %swap3A_715] {strides = array<i32>} : memref<2x512xi32, #tpu.memory_space<vmem>>, vector<1x16xi32>,
      %swap3A_717 = vector.shape_cast %swap3A_716 : vector<1x16xi32> to vector<16xi32>
      %swap3A_718 = vector.shape_cast %select_n3A_712 : vector<16xi32> to vector<1x16xi32>
      tpu.vector_store %arg7[%swap3A_714, %swap3A_715], %swap3A_718 {strides = array<i32>} : memref<2x512xi32, #tpu.memory_space<vmem>>, vector<1x16xi32>,
      %get3A_719 = arith.constant 0 : i32
      %get3A_720 = arith.index_cast %get3A_719 : i32 to index
      %get3A_721 = arith.constant 368 : index
      %get3A_722 = tpu.vector_load %arg6[%get3A_720, %get3A_721] {strides = array<i32>} : memref<2x512xi32, #tpu.memory_space<vmem>>, vector<1x16xi32>,
      %get3A_723 = vector.shape_cast %get3A_722 : vector<1x16xi32> to vector<16xi32>
      %convert_element_type3A_724 = arith.sitofp %get3A_723 : vector<16xi32> to vector<16xf32>
      %mul3A_725 = arith.constant 2.000000e-02 : f32
      %mul3A_726 = vector.broadcast %mul3A_725 : f32 to vector<16xf32>
      %mul3A_727 = arith.mulf %convert_element_type3A_724, %mul3A_726 : vector<16xf32>
      %convert_element_type3A_728 = arith.fptosi %mul3A_727 : vector<16xf32> to vector<16xi32>
      %mul3A_729 = arith.constant 50 : i32
      %mul3A_730 = vector.broadcast %mul3A_729 : i32 to vector<16xi32>
      %mul3A_731 = arith.muli %convert_element_type3A_728, %mul3A_730 : vector<16xi32>
      %sub3A_732 = arith.subi %get3A_723, %mul3A_731 : vector<16xi32>
      %ge3A_733 = arith.constant 50 : i32
      %ge3A_734 = vector.broadcast %ge3A_733 : i32 to vector<16xi32>
      %ge3A_735 = arith.cmpi sge, %sub3A_732, %ge3A_734 : vector<16xi32>
      %sub3A_736 = arith.constant 50 : i32
      %sub3A_737 = vector.broadcast %sub3A_736 : i32 to vector<16xi32>
      %sub3A_738 = arith.subi %sub3A_732, %sub3A_737 : vector<16xi32>
      %select_n3A_739 = arith.select %ge3A_735, %sub3A_738, %sub3A_732 : vector<16xi1>, vector<16xi32>
      %swap3A_740 = arith.constant 0 : i32
      %swap3A_741 = arith.index_cast %swap3A_740 : i32 to index
      %swap3A_742 = arith.constant 368 : index
      %swap3A_743 = tpu.vector_load %arg7[%swap3A_741, %swap3A_742] {strides = array<i32>} : memref<2x512xi32, #tpu.memory_space<vmem>>, vector<1x16xi32>,
      %swap3A_744 = vector.shape_cast %swap3A_743 : vector<1x16xi32> to vector<16xi32>
      %swap3A_745 = vector.shape_cast %select_n3A_739 : vector<16xi32> to vector<1x16xi32>
      tpu.vector_store %arg7[%swap3A_741, %swap3A_742], %swap3A_745 {strides = array<i32>} : memref<2x512xi32, #tpu.memory_space<vmem>>, vector<1x16xi32>,
      %get3A_746 = arith.constant 0 : i32
      %get3A_747 = arith.index_cast %get3A_746 : i32 to index
      %get3A_748 = arith.constant 384 : index
      %get3A_749 = tpu.vector_load %arg6[%get3A_747, %get3A_748] {strides = array<i32>} : memref<2x512xi32, #tpu.memory_space<vmem>>, vector<1x16xi32>,
      %get3A_750 = vector.shape_cast %get3A_749 : vector<1x16xi32> to vector<16xi32>
      %convert_element_type3A_751 = arith.sitofp %get3A_750 : vector<16xi32> to vector<16xf32>
      %mul3A_752 = arith.constant 2.000000e-02 : f32
      %mul3A_753 = vector.broadcast %mul3A_752 : f32 to vector<16xf32>
      %mul3A_754 = arith.mulf %convert_element_type3A_751, %mul3A_753 : vector<16xf32>
      %convert_element_type3A_755 = arith.fptosi %mul3A_754 : vector<16xf32> to vector<16xi32>
      %mul3A_756 = arith.constant 50 : i32
      %mul3A_757 = vector.broadcast %mul3A_756 : i32 to vector<16xi32>
      %mul3A_758 = arith.muli %convert_element_type3A_755, %mul3A_757 : vector<16xi32>
      %sub3A_759 = arith.subi %get3A_750, %mul3A_758 : vector<16xi32>
      %ge3A_760 = arith.constant 50 : i32
      %ge3A_761 = vector.broadcast %ge3A_760 : i32 to vector<16xi32>
      %ge3A_762 = arith.cmpi sge, %sub3A_759, %ge3A_761 : vector<16xi32>
      %sub3A_763 = arith.constant 50 : i32
      %sub3A_764 = vector.broadcast %sub3A_763 : i32 to vector<16xi32>
      %sub3A_765 = arith.subi %sub3A_759, %sub3A_764 : vector<16xi32>
      %select_n3A_766 = arith.select %ge3A_762, %sub3A_765, %sub3A_759 : vector<16xi1>, vector<16xi32>
      %swap3A_767 = arith.constant 0 : i32
      %swap3A_768 = arith.index_cast %swap3A_767 : i32 to index
      %swap3A_769 = arith.constant 384 : index
      %swap3A_770 = tpu.vector_load %arg7[%swap3A_768, %swap3A_769] {strides = array<i32>} : memref<2x512xi32, #tpu.memory_space<vmem>>, vector<1x16xi32>,
      %swap3A_771 = vector.shape_cast %swap3A_770 : vector<1x16xi32> to vector<16xi32>
      %swap3A_772 = vector.shape_cast %select_n3A_766 : vector<16xi32> to vector<1x16xi32>
      tpu.vector_store %arg7[%swap3A_768, %swap3A_769], %swap3A_772 {strides = array<i32>} : memref<2x512xi32, #tpu.memory_space<vmem>>, vector<1x16xi32>,
      %get3A_773 = arith.constant 0 : i32
      %get3A_774 = arith.index_cast %get3A_773 : i32 to index
      %get3A_775 = arith.constant 400 : index
      %get3A_776 = tpu.vector_load %arg6[%get3A_774, %get3A_775] {strides = array<i32>} : memref<2x512xi32, #tpu.memory_space<vmem>>, vector<1x16xi32>,
      %get3A_777 = vector.shape_cast %get3A_776 : vector<1x16xi32> to vector<16xi32>
      %convert_element_type3A_778 = arith.sitofp %get3A_777 : vector<16xi32> to vector<16xf32>
      %mul3A_779 = arith.constant 2.000000e-02 : f32
      %mul3A_780 = vector.broadcast %mul3A_779 : f32 to vector<16xf32>
      %mul3A_781 = arith.mulf %convert_element_type3A_778, %mul3A_780 : vector<16xf32>
      %convert_element_type3A_782 = arith.fptosi %mul3A_781 : vector<16xf32> to vector<16xi32>
      %mul3A_783 = arith.constant 50 : i32
      %mul3A_784 = vector.broadcast %mul3A_783 : i32 to vector<16xi32>
      %mul3A_785 = arith.muli %convert_element_type3A_782, %mul3A_784 : vector<16xi32>
      %sub3A_786 = arith.subi %get3A_777, %mul3A_785 : vector<16xi32>
      %ge3A_787 = arith.constant 50 : i32
      %ge3A_788 = vector.broadcast %ge3A_787 : i32 to vector<16xi32>
      %ge3A_789 = arith.cmpi sge, %sub3A_786, %ge3A_788 : vector<16xi32>
      %sub3A_790 = arith.constant 50 : i32
      %sub3A_791 = vector.broadcast %sub3A_790 : i32 to vector<16xi32>
      %sub3A_792 = arith.subi %sub3A_786, %sub3A_791 : vector<16xi32>
      %select_n3A_793 = arith.select %ge3A_789, %sub3A_792, %sub3A_786 : vector<16xi1>, vector<16xi32>
      %swap3A_794 = arith.constant 0 : i32
      %swap3A_795 = arith.index_cast %swap3A_794 : i32 to index
      %swap3A_796 = arith.constant 400 : index
      %swap3A_797 = tpu.vector_load %arg7[%swap3A_795, %swap3A_796] {strides = array<i32>} : memref<2x512xi32, #tpu.memory_space<vmem>>, vector<1x16xi32>,
      %swap3A_798 = vector.shape_cast %swap3A_797 : vector<1x16xi32> to vector<16xi32>
      %swap3A_799 = vector.shape_cast %select_n3A_793 : vector<16xi32> to vector<1x16xi32>
      tpu.vector_store %arg7[%swap3A_795, %swap3A_796], %swap3A_799 {strides = array<i32>} : memref<2x512xi32, #tpu.memory_space<vmem>>, vector<1x16xi32>,
      %get3A_800 = arith.constant 0 : i32
      %get3A_801 = arith.index_cast %get3A_800 : i32 to index
      %get3A_802 = arith.constant 416 : index
      %get3A_803 = tpu.vector_load %arg6[%get3A_801, %get3A_802] {strides = array<i32>} : memref<2x512xi32, #tpu.memory_space<vmem>>, vector<1x16xi32>,
      %get3A_804 = vector.shape_cast %get3A_803 : vector<1x16xi32> to vector<16xi32>
      %convert_element_type3A_805 = arith.sitofp %get3A_804 : vector<16xi32> to vector<16xf32>
      %mul3A_806 = arith.constant 2.000000e-02 : f32
      %mul3A_807 = vector.broadcast %mul3A_806 : f32 to vector<16xf32>
      %mul3A_808 = arith.mulf %convert_element_type3A_805, %mul3A_807 : vector<16xf32>
      %convert_element_type3A_809 = arith.fptosi %mul3A_808 : vector<16xf32> to vector<16xi32>
      %mul3A_810 = arith.constant 50 : i32
      %mul3A_811 = vector.broadcast %mul3A_810 : i32 to vector<16xi32>
      %mul3A_812 = arith.muli %convert_element_type3A_809, %mul3A_811 : vector<16xi32>
      %sub3A_813 = arith.subi %get3A_804, %mul3A_812 : vector<16xi32>
      %ge3A_814 = arith.constant 50 : i32
      %ge3A_815 = vector.broadcast %ge3A_814 : i32 to vector<16xi32>
      %ge3A_816 = arith.cmpi sge, %sub3A_813, %ge3A_815 : vector<16xi32>
      %sub3A_817 = arith.constant 50 : i32
      %sub3A_818 = vector.broadcast %sub3A_817 : i32 to vector<16xi32>
      %sub3A_819 = arith.subi %sub3A_813, %sub3A_818 : vector<16xi32>
      %select_n3A_820 = arith.select %ge3A_816, %sub3A_819, %sub3A_813 : vector<16xi1>, vector<16xi32>
      %swap3A_821 = arith.constant 0 : i32
      %swap3A_822 = arith.index_cast %swap3A_821 : i32 to index
      %swap3A_823 = arith.constant 416 : index
      %swap3A_824 = tpu.vector_load %arg7[%swap3A_822, %swap3A_823] {strides = array<i32>} : memref<2x512xi32, #tpu.memory_space<vmem>>, vector<1x16xi32>,
      %swap3A_825 = vector.shape_cast %swap3A_824 : vector<1x16xi32> to vector<16xi32>
      %swap3A_826 = vector.shape_cast %select_n3A_820 : vector<16xi32> to vector<1x16xi32>
      tpu.vector_store %arg7[%swap3A_822, %swap3A_823], %swap3A_826 {strides = array<i32>} : memref<2x512xi32, #tpu.memory_space<vmem>>, vector<1x16xi32>,
      %get3A_827 = arith.constant 0 : i32
      %get3A_828 = arith.index_cast %get3A_827 : i32 to index
      %get3A_829 = arith.constant 432 : index
      %get3A_830 = tpu.vector_load %arg6[%get3A_828, %get3A_829] {strides = array<i32>} : memref<2x512xi32, #tpu.memory_space<vmem>>, vector<1x16xi32>,
      %get3A_831 = vector.shape_cast %get3A_830 : vector<1x16xi32> to vector<16xi32>
      %convert_element_type3A_832 = arith.sitofp %get3A_831 : vector<16xi32> to vector<16xf32>
      %mul3A_833 = arith.constant 2.000000e-02 : f32
      %mul3A_834 = vector.broadcast %mul3A_833 : f32 to vector<16xf32>
      %mul3A_835 = arith.mulf %convert_element_type3A_832, %mul3A_834 : vector<16xf32>
      %convert_element_type3A_836 = arith.fptosi %mul3A_835 : vector<16xf32> to vector<16xi32>
      %mul3A_837 = arith.constant 50 : i32
      %mul3A_838 = vector.broadcast %mul3A_837 : i32 to vector<16xi32>
      %mul3A_839 = arith.muli %convert_element_type3A_836, %mul3A_838 : vector<16xi32>
      %sub3A_840 = arith.subi %get3A_831, %mul3A_839 : vector<16xi32>
      %ge3A_841 = arith.constant 50 : i32
      %ge3A_842 = vector.broadcast %ge3A_841 : i32 to vector<16xi32>
      %ge3A_843 = arith.cmpi sge, %sub3A_840, %ge3A_842 : vector<16xi32>
      %sub3A_844 = arith.constant 50 : i32
      %sub3A_845 = vector.broadcast %sub3A_844 : i32 to vector<16xi32>
      %sub3A_846 = arith.subi %sub3A_840, %sub3A_845 : vector<16xi32>
      %select_n3A_847 = arith.select %ge3A_843, %sub3A_846, %sub3A_840 : vector<16xi1>, vector<16xi32>
      %swap3A_848 = arith.constant 0 : i32
      %swap3A_849 = arith.index_cast %swap3A_848 : i32 to index
      %swap3A_850 = arith.constant 432 : index
      %swap3A_851 = tpu.vector_load %arg7[%swap3A_849, %swap3A_850] {strides = array<i32>} : memref<2x512xi32, #tpu.memory_space<vmem>>, vector<1x16xi32>,
      %swap3A_852 = vector.shape_cast %swap3A_851 : vector<1x16xi32> to vector<16xi32>
      %swap3A_853 = vector.shape_cast %select_n3A_847 : vector<16xi32> to vector<1x16xi32>
      tpu.vector_store %arg7[%swap3A_849, %swap3A_850], %swap3A_853 {strides = array<i32>} : memref<2x512xi32, #tpu.memory_space<vmem>>, vector<1x16xi32>,
      %get3A_854 = arith.constant 0 : i32
      %get3A_855 = arith.index_cast %get3A_854 : i32 to index
      %get3A_856 = arith.constant 448 : index
      %get3A_857 = tpu.vector_load %arg6[%get3A_855, %get3A_856] {strides = array<i32>} : memref<2x512xi32, #tpu.memory_space<vmem>>, vector<1x16xi32>,
      %get3A_858 = vector.shape_cast %get3A_857 : vector<1x16xi32> to vector<16xi32>
      %convert_element_type3A_859 = arith.sitofp %get3A_858 : vector<16xi32> to vector<16xf32>
      %mul3A_860 = arith.constant 2.000000e-02 : f32
      %mul3A_861 = vector.broadcast %mul3A_860 : f32 to vector<16xf32>
      %mul3A_862 = arith.mulf %convert_element_type3A_859, %mul3A_861 : vector<16xf32>
      %convert_element_type3A_863 = arith.fptosi %mul3A_862 : vector<16xf32> to vector<16xi32>
      %mul3A_864 = arith.constant 50 : i32
      %mul3A_865 = vector.broadcast %mul3A_864 : i32 to vector<16xi32>
      %mul3A_866 = arith.muli %convert_element_type3A_863, %mul3A_865 : vector<16xi32>
      %sub3A_867 = arith.subi %get3A_858, %mul3A_866 : vector<16xi32>
      %ge3A_868 = arith.constant 50 : i32
      %ge3A_869 = vector.broadcast %ge3A_868 : i32 to vector<16xi32>
      %ge3A_870 = arith.cmpi sge, %sub3A_867, %ge3A_869 : vector<16xi32>
      %sub3A_871 = arith.constant 50 : i32
      %sub3A_872 = vector.broadcast %sub3A_871 : i32 to vector<16xi32>
      %sub3A_873 = arith.subi %sub3A_867, %sub3A_872 : vector<16xi32>
      %select_n3A_874 = arith.select %ge3A_870, %sub3A_873, %sub3A_867 : vector<16xi1>, vector<16xi32>
      %swap3A_875 = arith.constant 0 : i32
      %swap3A_876 = arith.index_cast %swap3A_875 : i32 to index
      %swap3A_877 = arith.constant 448 : index
      %swap3A_878 = tpu.vector_load %arg7[%swap3A_876, %swap3A_877] {strides = array<i32>} : memref<2x512xi32, #tpu.memory_space<vmem>>, vector<1x16xi32>,
      %swap3A_879 = vector.shape_cast %swap3A_878 : vector<1x16xi32> to vector<16xi32>
      %swap3A_880 = vector.shape_cast %select_n3A_874 : vector<16xi32> to vector<1x16xi32>
      tpu.vector_store %arg7[%swap3A_876, %swap3A_877], %swap3A_880 {strides = array<i32>} : memref<2x512xi32, #tpu.memory_space<vmem>>, vector<1x16xi32>,
      %get3A_881 = arith.constant 0 : i32
      %get3A_882 = arith.index_cast %get3A_881 : i32 to index
      %get3A_883 = arith.constant 464 : index
      %get3A_884 = tpu.vector_load %arg6[%get3A_882, %get3A_883] {strides = array<i32>} : memref<2x512xi32, #tpu.memory_space<vmem>>, vector<1x16xi32>,
      %get3A_885 = vector.shape_cast %get3A_884 : vector<1x16xi32> to vector<16xi32>
      %convert_element_type3A_886 = arith.sitofp %get3A_885 : vector<16xi32> to vector<16xf32>
      %mul3A_887 = arith.constant 2.000000e-02 : f32
      %mul3A_888 = vector.broadcast %mul3A_887 : f32 to vector<16xf32>
      %mul3A_889 = arith.mulf %convert_element_type3A_886, %mul3A_888 : vector<16xf32>
      %convert_element_type3A_890 = arith.fptosi %mul3A_889 : vector<16xf32> to vector<16xi32>
      %mul3A_891 = arith.constant 50 : i32
      %mul3A_892 = vector.broadcast %mul3A_891 : i32 to vector<16xi32>
      %mul3A_893 = arith.muli %convert_element_type3A_890, %mul3A_892 : vector<16xi32>
      %sub3A_894 = arith.subi %get3A_885, %mul3A_893 : vector<16xi32>
      %ge3A_895 = arith.constant 50 : i32
      %ge3A_896 = vector.broadcast %ge3A_895 : i32 to vector<16xi32>
      %ge3A_897 = arith.cmpi sge, %sub3A_894, %ge3A_896 : vector<16xi32>
      %sub3A_898 = arith.constant 50 : i32
      %sub3A_899 = vector.broadcast %sub3A_898 : i32 to vector<16xi32>
      %sub3A_900 = arith.subi %sub3A_894, %sub3A_899 : vector<16xi32>
      %select_n3A_901 = arith.select %ge3A_897, %sub3A_900, %sub3A_894 : vector<16xi1>, vector<16xi32>
      %swap3A_902 = arith.constant 0 : i32
      %swap3A_903 = arith.index_cast %swap3A_902 : i32 to index
      %swap3A_904 = arith.constant 464 : index
      %swap3A_905 = tpu.vector_load %arg7[%swap3A_903, %swap3A_904] {strides = array<i32>} : memref<2x512xi32, #tpu.memory_space<vmem>>, vector<1x16xi32>,
      %swap3A_906 = vector.shape_cast %swap3A_905 : vector<1x16xi32> to vector<16xi32>
      %swap3A_907 = vector.shape_cast %select_n3A_901 : vector<16xi32> to vector<1x16xi32>
      tpu.vector_store %arg7[%swap3A_903, %swap3A_904], %swap3A_907 {strides = array<i32>} : memref<2x512xi32, #tpu.memory_space<vmem>>, vector<1x16xi32>,
      %get3A_908 = arith.constant 0 : i32
      %get3A_909 = arith.index_cast %get3A_908 : i32 to index
      %get3A_910 = arith.constant 480 : index
      %get3A_911 = tpu.vector_load %arg6[%get3A_909, %get3A_910] {strides = array<i32>} : memref<2x512xi32, #tpu.memory_space<vmem>>, vector<1x16xi32>,
      %get3A_912 = vector.shape_cast %get3A_911 : vector<1x16xi32> to vector<16xi32>
      %convert_element_type3A_913 = arith.sitofp %get3A_912 : vector<16xi32> to vector<16xf32>
      %mul3A_914 = arith.constant 2.000000e-02 : f32
      %mul3A_915 = vector.broadcast %mul3A_914 : f32 to vector<16xf32>
      %mul3A_916 = arith.mulf %convert_element_type3A_913, %mul3A_915 : vector<16xf32>
      %convert_element_type3A_917 = arith.fptosi %mul3A_916 : vector<16xf32> to vector<16xi32>
      %mul3A_918 = arith.constant 50 : i32
      %mul3A_919 = vector.broadcast %mul3A_918 : i32 to vector<16xi32>
      %mul3A_920 = arith.muli %convert_element_type3A_917, %mul3A_919 : vector<16xi32>
      %sub3A_921 = arith.subi %get3A_912, %mul3A_920 : vector<16xi32>
      %ge3A_922 = arith.constant 50 : i32
      %ge3A_923 = vector.broadcast %ge3A_922 : i32 to vector<16xi32>
      %ge3A_924 = arith.cmpi sge, %sub3A_921, %ge3A_923 : vector<16xi32>
      %sub3A_925 = arith.constant 50 : i32
      %sub3A_926 = vector.broadcast %sub3A_925 : i32 to vector<16xi32>
      %sub3A_927 = arith.subi %sub3A_921, %sub3A_926 : vector<16xi32>
      %select_n3A_928 = arith.select %ge3A_924, %sub3A_927, %sub3A_921 : vector<16xi1>, vector<16xi32>
      %swap3A_929 = arith.constant 0 : i32
      %swap3A_930 = arith.index_cast %swap3A_929 : i32 to index
      %swap3A_931 = arith.constant 480 : index
      %swap3A_932 = tpu.vector_load %arg7[%swap3A_930, %swap3A_931] {strides = array<i32>} : memref<2x512xi32, #tpu.memory_space<vmem>>, vector<1x16xi32>,
      %swap3A_933 = vector.shape_cast %swap3A_932 : vector<1x16xi32> to vector<16xi32>
      %swap3A_934 = vector.shape_cast %select_n3A_928 : vector<16xi32> to vector<1x16xi32>
      tpu.vector_store %arg7[%swap3A_930, %swap3A_931], %swap3A_934 {strides = array<i32>} : memref<2x512xi32, #tpu.memory_space<vmem>>, vector<1x16xi32>,
      %get3A_935 = arith.constant 0 : i32
      %get3A_936 = arith.index_cast %get3A_935 : i32 to index
      %get3A_937 = arith.constant 496 : index
      %get3A_938 = tpu.vector_load %arg6[%get3A_936, %get3A_937] {strides = array<i32>} : memref<2x512xi32, #tpu.memory_space<vmem>>, vector<1x16xi32>,
      %get3A_939 = vector.shape_cast %get3A_938 : vector<1x16xi32> to vector<16xi32>
      %convert_element_type3A_940 = arith.sitofp %get3A_939 : vector<16xi32> to vector<16xf32>
      %mul3A_941 = arith.constant 2.000000e-02 : f32
      %mul3A_942 = vector.broadcast %mul3A_941 : f32 to vector<16xf32>
      %mul3A_943 = arith.mulf %convert_element_type3A_940, %mul3A_942 : vector<16xf32>
      %convert_element_type3A_944 = arith.fptosi %mul3A_943 : vector<16xf32> to vector<16xi32>
      %mul3A_945 = arith.constant 50 : i32
      %mul3A_946 = vector.broadcast %mul3A_945 : i32 to vector<16xi32>
      %mul3A_947 = arith.muli %convert_element_type3A_944, %mul3A_946 : vector<16xi32>
      %sub3A_948 = arith.subi %get3A_939, %mul3A_947 : vector<16xi32>
      %ge3A_949 = arith.constant 50 : i32
      %ge3A_950 = vector.broadcast %ge3A_949 : i32 to vector<16xi32>
      %ge3A_951 = arith.cmpi sge, %sub3A_948, %ge3A_950 : vector<16xi32>
      %sub3A_952 = arith.constant 50 : i32
      %sub3A_953 = vector.broadcast %sub3A_952 : i32 to vector<16xi32>
      %sub3A_954 = arith.subi %sub3A_948, %sub3A_953 : vector<16xi32>
      %select_n3A_955 = arith.select %ge3A_951, %sub3A_954, %sub3A_948 : vector<16xi1>, vector<16xi32>
      %swap3A_956 = arith.constant 0 : i32
      %swap3A_957 = arith.index_cast %swap3A_956 : i32 to index
      %swap3A_958 = arith.constant 496 : index
      %swap3A_959 = tpu.vector_load %arg7[%swap3A_957, %swap3A_958] {strides = array<i32>} : memref<2x512xi32, #tpu.memory_space<vmem>>, vector<1x16xi32>,
      %swap3A_960 = vector.shape_cast %swap3A_959 : vector<1x16xi32> to vector<16xi32>
      %swap3A_961 = vector.shape_cast %select_n3A_955 : vector<16xi32> to vector<1x16xi32>
      tpu.vector_store %arg7[%swap3A_957, %swap3A_958], %swap3A_961 {strides = array<i32>} : memref<2x512xi32, #tpu.memory_space<vmem>>, vector<1x16xi32>,
      %dma_start3A_962 = arith.constant 0 : i32
      %dma_start3A_963 = arith.constant 0 : i32
      %dma_start3A_964 = arith.constant 0 : i32
      %dma_start3A_965 = arith.constant 0 : i32
      %dma_start3A_966 = tpu.memref_slice %arg8[%dma_start3A_963, %dma_start3A_964, %dma_start3A_965] : memref<2x512x64xf32, #tpu.memory_space<vmem>> -> memref<1x512x64xf32, #tpu.memory_space<vmem>>
      %dma_start3A_967 = tpu.memref_squeeze %dma_start3A_966 : memref<1x512x64xf32, #tpu.memory_space<vmem>> -> memref<512x64xf32, #tpu.memory_space<vmem>>
      %dma_start3A_968 = arith.constant 0 : i32
      %dma_start3A_969 = tpu.memref_slice %arg6[%dma_start3A_962, %dma_start3A_968] : memref<2x512xi32, #tpu.memory_space<vmem>> -> memref<1x512xi32, #tpu.memory_space<vmem>>
      %dma_start3A_970 = tpu.memref_squeeze %dma_start3A_969 : memref<1x512xi32, #tpu.memory_space<vmem>> -> memref<512xi32, #tpu.memory_space<vmem>>
      %dma_start3A_971 = arith.constant 0 : i32
      %dma_start3A_972 = arith.constant 0 : i32
      %dma_start3A_973 = tpu.memref_slice %arg3[%dma_start3A_971, %dma_start3A_972] : memref<1000000x64xf32, #tpu.memory_space<hbm>> -> memref<1000000x64xf32, #tpu.memory_space<hbm>>
      tpu.enqueue_indirect_dma source(%dma_start3A_973 : memref<1000000x64xf32, #tpu.memory_space<hbm>>) target(%dma_start3A_967 : memref<512x64xf32, #tpu.memory_space<vmem>>) offsets(%dma_start3A_970 : memref<512xi32, #tpu.memory_space<vmem>>) semaphore(%arg12 : memref<!tpu.dma_semaphore, #tpu.memory_space<semaphore_mem>>)
      %dma_start3A_974 = arith.constant 0 : i32
      %dma_start3A_975 = arith.constant 0 : i32
      %dma_start3A_976 = arith.constant 0 : i32
      %dma_start3A_977 = arith.constant 0 : i32
      %dma_start3A_978 = tpu.memref_slice %arg9[%dma_start3A_975, %dma_start3A_976, %dma_start3A_977] : memref<2x512x32xf32, #tpu.memory_space<vmem>> -> memref<1x512x32xf32, #tpu.memory_space<vmem>>
      %dma_start3A_979 = tpu.memref_squeeze %dma_start3A_978 : memref<1x512x32xf32, #tpu.memory_space<vmem>> -> memref<512x32xf32, #tpu.memory_space<vmem>>
      %dma_start3A_980 = arith.constant 0 : i32
      %dma_start3A_981 = tpu.memref_slice %arg7[%dma_start3A_974, %dma_start3A_980] : memref<2x512xi32, #tpu.memory_space<vmem>> -> memref<1x512xi32, #tpu.memory_space<vmem>>
      %dma_start3A_982 = tpu.memref_squeeze %dma_start3A_981 : memref<1x512xi32, #tpu.memory_space<vmem>> -> memref<512xi32, #tpu.memory_space<vmem>>
      %dma_start3A_983 = arith.constant 0 : i32
      %dma_start3A_984 = arith.constant 0 : i32
      %dma_start3A_985 = tpu.memref_slice %arg4[%dma_start3A_983, %dma_start3A_984] : memref<50x32xf32, #tpu.memory_space<hbm>> -> memref<50x32xf32, #tpu.memory_space<hbm>>
      tpu.enqueue_indirect_dma source(%dma_start3A_985 : memref<50x32xf32, #tpu.memory_space<hbm>>) target(%dma_start3A_979 : memref<512x32xf32, #tpu.memory_space<vmem>>) offsets(%dma_start3A_982 : memref<512xi32, #tpu.memory_space<vmem>>) semaphore(%arg12 : memref<!tpu.dma_semaphore, #tpu.memory_space<semaphore_mem>>)
      %mul3A_986 = arith.constant 2 : i32
      %mul3A_987 = arith.muli %mul3A_986, %scan3A_84 : i32
      %add3A_988 = arith.constant 1 : i32
      %add3A_989 = arith.addi %mul3A_987, %add3A_988 : i32
      %mul3A_990 = arith.constant 512 : i32
      %mul3A_991 = arith.muli %add3A_989, %mul3A_990 : i32
      %add3A_992 = arith.addi %mul3A_2, %mul3A_991 : i32
      %gt3A_993 = arith.constant 0 : i32
      %gt3A_994 = arith.cmpi sgt, %scan3A_84, %gt3A_993 : i32
      %convert_element_type3A_995 = arith.extui %gt3A_994 : i1 to i32
      %cond3A_996 = arith.constant 0 : i32
      %cond3A_997 = arith.cmpi ne, %convert_element_type3A_995, %cond3A_996 : i32
      scf.if %cond3A_997 {
        %dma_wait3A_2018 = arith.constant 1 : i32
        %dma_wait3A_2019 = arith.constant 0 : i32
        %dma_wait3A_2020 = arith.constant 0 : i32
        %dma_wait3A_2021 = tpu.memref_slice %arg8[%dma_wait3A_2018, %dma_wait3A_2019, %dma_wait3A_2020] : memref<2x512x64xf32, #tpu.memory_space<vmem>> -> memref<1x512x64xf32, #tpu.memory_space<vmem>>
        %dma_wait3A_2022 = tpu.memref_squeeze %dma_wait3A_2021 : memref<1x512x64xf32, #tpu.memory_space<vmem>> -> memref<512x64xf32, #tpu.memory_space<vmem>>
        %dma_wait3A_2023 = arith.constant 0 : i32
        %dma_wait3A_2024 = tpu.memref_slice %arg5[%add3A_992, %dma_wait3A_2023] : memref<819200x96xf32, #tpu.memory_space<hbm>> -> memref<512x64xf32, #tpu.memory_space<hbm>>
        %dma_wait3A_2025 = arith.constant 0 : i32
        %dma_wait3A_2026 = tpu.memref_slice %arg5[%add3A_992, %dma_wait3A_2025] : memref<819200x96xf32, #tpu.memory_space<hbm>> -> memref<512x64xf32, #tpu.memory_space<hbm>>
        %dma_wait3A_2027 = arith.constant 0 : i32
        %dma_wait3A_2028 = arith.constant 0 : i32
        %dma_wait3A_2029 = tpu.memref_slice %arg8[%dma_wait3A_2018, %dma_wait3A_2027, %dma_wait3A_2028] : memref<2x512x64xf32, #tpu.memory_space<vmem>> -> memref<1x512x64xf32, #tpu.memory_space<vmem>>
        %dma_wait3A_2030 = tpu.memref_squeeze %dma_wait3A_2029 : memref<1x512x64xf32, #tpu.memory_space<vmem>> -> memref<512x64xf32, #tpu.memory_space<vmem>>
        tpu.wait_dma2 semaphore(%arg15 : memref<!tpu.dma_semaphore, #tpu.memory_space<semaphore_mem>>) src(%dma_wait3A_2030 : memref<512x64xf32, #tpu.memory_space<vmem>>) dst(%dma_wait3A_2026 : memref<512x64xf32, #tpu.memory_space<hbm>>)
        %dma_wait3A_2031 = arith.constant 1 : i32
        %dma_wait3A_2032 = arith.constant 0 : i32
        %dma_wait3A_2033 = arith.constant 0 : i32
        %dma_wait3A_2034 = tpu.memref_slice %arg9[%dma_wait3A_2031, %dma_wait3A_2032, %dma_wait3A_2033] : memref<2x512x32xf32, #tpu.memory_space<vmem>> -> memref<1x512x32xf32, #tpu.memory_space<vmem>>
        %dma_wait3A_2035 = tpu.memref_squeeze %dma_wait3A_2034 : memref<1x512x32xf32, #tpu.memory_space<vmem>> -> memref<512x32xf32, #tpu.memory_space<vmem>>
        %dma_wait3A_2036 = arith.constant 64 : i32
        %dma_wait3A_2037 = tpu.memref_slice %arg5[%add3A_992, %dma_wait3A_2036] : memref<819200x96xf32, #tpu.memory_space<hbm>> -> memref<512x32xf32, #tpu.memory_space<hbm>>
        %dma_wait3A_2038 = arith.constant 64 : i32
        %dma_wait3A_2039 = tpu.memref_slice %arg5[%add3A_992, %dma_wait3A_2038] : memref<819200x96xf32, #tpu.memory_space<hbm>> -> memref<512x32xf32, #tpu.memory_space<hbm>>
        %dma_wait3A_2040 = arith.constant 0 : i32
        %dma_wait3A_2041 = arith.constant 0 : i32
        %dma_wait3A_2042 = tpu.memref_slice %arg9[%dma_wait3A_2031, %dma_wait3A_2040, %dma_wait3A_2041] : memref<2x512x32xf32, #tpu.memory_space<vmem>> -> memref<1x512x32xf32, #tpu.memory_space<vmem>>
        %dma_wait3A_2043 = tpu.memref_squeeze %dma_wait3A_2042 : memref<1x512x32xf32, #tpu.memory_space<vmem>> -> memref<512x32xf32, #tpu.memory_space<vmem>>
        tpu.wait_dma2 semaphore(%arg15 : memref<!tpu.dma_semaphore, #tpu.memory_space<semaphore_mem>>) src(%dma_wait3A_2043 : memref<512x32xf32, #tpu.memory_space<vmem>>) dst(%dma_wait3A_2039 : memref<512x32xf32, #tpu.memory_space<hbm>>)
      } else {
      }
      %dma_wait3A_998 = arith.constant 1 : i32
      %dma_wait3A_999 = arith.constant 0 : i32
      %dma_wait3A_1000 = tpu.memref_slice %arg6[%dma_wait3A_998, %dma_wait3A_999] : memref<2x512xi32, #tpu.memory_space<vmem>> -> memref<1x512xi32, #tpu.memory_space<vmem>>
      %dma_wait3A_1001 = tpu.memref_squeeze %dma_wait3A_1000 : memref<1x512xi32, #tpu.memory_space<vmem>> -> memref<512xi32, #tpu.memory_space<vmem>>
      %dma_wait3A_1002 = tpu.memref_slice %arg2[%add3A_992] : memref<819200xi32, #tpu.memory_space<hbm>> -> memref<512xi32, #tpu.memory_space<hbm>>
      %dma_wait3A_1003 = arith.constant 0 : i32
      %dma_wait3A_1004 = tpu.memref_slice %arg6[%dma_wait3A_998, %dma_wait3A_1003] : memref<2x512xi32, #tpu.memory_space<vmem>> -> memref<1x512xi32, #tpu.memory_space<vmem>>
      %dma_wait3A_1005 = tpu.memref_squeeze %dma_wait3A_1004 : memref<1x512xi32, #tpu.memory_space<vmem>> -> memref<512xi32, #tpu.memory_space<vmem>>
      %dma_wait3A_1006 = tpu.memref_slice %arg2[%add3A_992] : memref<819200xi32, #tpu.memory_space<hbm>> -> memref<512xi32, #tpu.memory_space<hbm>>
      tpu.wait_dma2 semaphore(%arg11 : memref<!tpu.dma_semaphore, #tpu.memory_space<semaphore_mem>>) src(%dma_wait3A_1006 : memref<512xi32, #tpu.memory_space<hbm>>) dst(%dma_wait3A_1005 : memref<512xi32, #tpu.memory_space<vmem>>)
      %get3A_1007 = arith.constant 1 : i32
      %get3A_1008 = arith.index_cast %get3A_1007 : i32 to index
      %get3A_1009 = arith.constant 0 : index
      %get3A_1010 = tpu.vector_load %arg6[%get3A_1008, %get3A_1009] {strides = array<i32>} : memref<2x512xi32, #tpu.memory_space<vmem>>, vector<1x16xi32>,
      %get3A_1011 = vector.shape_cast %get3A_1010 : vector<1x16xi32> to vector<16xi32>
      %convert_element_type3A_1012 = arith.sitofp %get3A_1011 : vector<16xi32> to vector<16xf32>
      %mul3A_1013 = arith.constant 2.000000e-02 : f32
      %mul3A_1014 = vector.broadcast %mul3A_1013 : f32 to vector<16xf32>
      %mul3A_1015 = arith.mulf %convert_element_type3A_1012, %mul3A_1014 : vector<16xf32>
      %convert_element_type3A_1016 = arith.fptosi %mul3A_1015 : vector<16xf32> to vector<16xi32>
      %mul3A_1017 = arith.constant 50 : i32
      %mul3A_1018 = vector.broadcast %mul3A_1017 : i32 to vector<16xi32>
      %mul3A_1019 = arith.muli %convert_element_type3A_1016, %mul3A_1018 : vector<16xi32>
      %sub3A_1020 = arith.subi %get3A_1011, %mul3A_1019 : vector<16xi32>
      %ge3A_1021 = arith.constant 50 : i32
      %ge3A_1022 = vector.broadcast %ge3A_1021 : i32 to vector<16xi32>
      %ge3A_1023 = arith.cmpi sge, %sub3A_1020, %ge3A_1022 : vector<16xi32>
      %sub3A_1024 = arith.constant 50 : i32
      %sub3A_1025 = vector.broadcast %sub3A_1024 : i32 to vector<16xi32>
      %sub3A_1026 = arith.subi %sub3A_1020, %sub3A_1025 : vector<16xi32>
      %select_n3A_1027 = arith.select %ge3A_1023, %sub3A_1026, %sub3A_1020 : vector<16xi1>, vector<16xi32>
      %swap3A_1028 = arith.constant 1 : i32
      %swap3A_1029 = arith.index_cast %swap3A_1028 : i32 to index
      %swap3A_1030 = arith.constant 0 : index
      %swap3A_1031 = tpu.vector_load %arg7[%swap3A_1029, %swap3A_1030] {strides = array<i32>} : memref<2x512xi32, #tpu.memory_space<vmem>>, vector<1x16xi32>,
      %swap3A_1032 = vector.shape_cast %swap3A_1031 : vector<1x16xi32> to vector<16xi32>
      %swap3A_1033 = vector.shape_cast %select_n3A_1027 : vector<16xi32> to vector<1x16xi32>
      tpu.vector_store %arg7[%swap3A_1029, %swap3A_1030], %swap3A_1033 {strides = array<i32>} : memref<2x512xi32, #tpu.memory_space<vmem>>, vector<1x16xi32>,
      %get3A_1034 = arith.constant 1 : i32
      %get3A_1035 = arith.index_cast %get3A_1034 : i32 to index
      %get3A_1036 = arith.constant 16 : index
      %get3A_1037 = tpu.vector_load %arg6[%get3A_1035, %get3A_1036] {strides = array<i32>} : memref<2x512xi32, #tpu.memory_space<vmem>>, vector<1x16xi32>,
      %get3A_1038 = vector.shape_cast %get3A_1037 : vector<1x16xi32> to vector<16xi32>
      %convert_element_type3A_1039 = arith.sitofp %get3A_1038 : vector<16xi32> to vector<16xf32>
      %mul3A_1040 = arith.constant 2.000000e-02 : f32
      %mul3A_1041 = vector.broadcast %mul3A_1040 : f32 to vector<16xf32>
      %mul3A_1042 = arith.mulf %convert_element_type3A_1039, %mul3A_1041 : vector<16xf32>
      %convert_element_type3A_1043 = arith.fptosi %mul3A_1042 : vector<16xf32> to vector<16xi32>
      %mul3A_1044 = arith.constant 50 : i32
      %mul3A_1045 = vector.broadcast %mul3A_1044 : i32 to vector<16xi32>
      %mul3A_1046 = arith.muli %convert_element_type3A_1043, %mul3A_1045 : vector<16xi32>
      %sub3A_1047 = arith.subi %get3A_1038, %mul3A_1046 : vector<16xi32>
      %ge3A_1048 = arith.constant 50 : i32
      %ge3A_1049 = vector.broadcast %ge3A_1048 : i32 to vector<16xi32>
      %ge3A_1050 = arith.cmpi sge, %sub3A_1047, %ge3A_1049 : vector<16xi32>
      %sub3A_1051 = arith.constant 50 : i32
      %sub3A_1052 = vector.broadcast %sub3A_1051 : i32 to vector<16xi32>
      %sub3A_1053 = arith.subi %sub3A_1047, %sub3A_1052 : vector<16xi32>
      %select_n3A_1054 = arith.select %ge3A_1050, %sub3A_1053, %sub3A_1047 : vector<16xi1>, vector<16xi32>
      %swap3A_1055 = arith.constant 1 : i32
      %swap3A_1056 = arith.index_cast %swap3A_1055 : i32 to index
      %swap3A_1057 = arith.constant 16 : index
      %swap3A_1058 = tpu.vector_load %arg7[%swap3A_1056, %swap3A_1057] {strides = array<i32>} : memref<2x512xi32, #tpu.memory_space<vmem>>, vector<1x16xi32>,
      %swap3A_1059 = vector.shape_cast %swap3A_1058 : vector<1x16xi32> to vector<16xi32>
      %swap3A_1060 = vector.shape_cast %select_n3A_1054 : vector<16xi32> to vector<1x16xi32>
      tpu.vector_store %arg7[%swap3A_1056, %swap3A_1057], %swap3A_1060 {strides = array<i32>} : memref<2x512xi32, #tpu.memory_space<vmem>>, vector<1x16xi32>,
      %get3A_1061 = arith.constant 1 : i32
      %get3A_1062 = arith.index_cast %get3A_1061 : i32 to index
      %get3A_1063 = arith.constant 32 : index
      %get3A_1064 = tpu.vector_load %arg6[%get3A_1062, %get3A_1063] {strides = array<i32>} : memref<2x512xi32, #tpu.memory_space<vmem>>, vector<1x16xi32>,
      %get3A_1065 = vector.shape_cast %get3A_1064 : vector<1x16xi32> to vector<16xi32>
      %convert_element_type3A_1066 = arith.sitofp %get3A_1065 : vector<16xi32> to vector<16xf32>
      %mul3A_1067 = arith.constant 2.000000e-02 : f32
      %mul3A_1068 = vector.broadcast %mul3A_1067 : f32 to vector<16xf32>
      %mul3A_1069 = arith.mulf %convert_element_type3A_1066, %mul3A_1068 : vector<16xf32>
      %convert_element_type3A_1070 = arith.fptosi %mul3A_1069 : vector<16xf32> to vector<16xi32>
      %mul3A_1071 = arith.constant 50 : i32
      %mul3A_1072 = vector.broadcast %mul3A_1071 : i32 to vector<16xi32>
      %mul3A_1073 = arith.muli %convert_element_type3A_1070, %mul3A_1072 : vector<16xi32>
      %sub3A_1074 = arith.subi %get3A_1065, %mul3A_1073 : vector<16xi32>
      %ge3A_1075 = arith.constant 50 : i32
      %ge3A_1076 = vector.broadcast %ge3A_1075 : i32 to vector<16xi32>
      %ge3A_1077 = arith.cmpi sge, %sub3A_1074, %ge3A_1076 : vector<16xi32>
      %sub3A_1078 = arith.constant 50 : i32
      %sub3A_1079 = vector.broadcast %sub3A_1078 : i32 to vector<16xi32>
      %sub3A_1080 = arith.subi %sub3A_1074, %sub3A_1079 : vector<16xi32>
      %select_n3A_1081 = arith.select %ge3A_1077, %sub3A_1080, %sub3A_1074 : vector<16xi1>, vector<16xi32>
      %swap3A_1082 = arith.constant 1 : i32
      %swap3A_1083 = arith.index_cast %swap3A_1082 : i32 to index
      %swap3A_1084 = arith.constant 32 : index
      %swap3A_1085 = tpu.vector_load %arg7[%swap3A_1083, %swap3A_1084] {strides = array<i32>} : memref<2x512xi32, #tpu.memory_space<vmem>>, vector<1x16xi32>,
      %swap3A_1086 = vector.shape_cast %swap3A_1085 : vector<1x16xi32> to vector<16xi32>
      %swap3A_1087 = vector.shape_cast %select_n3A_1081 : vector<16xi32> to vector<1x16xi32>
      tpu.vector_store %arg7[%swap3A_1083, %swap3A_1084], %swap3A_1087 {strides = array<i32>} : memref<2x512xi32, #tpu.memory_space<vmem>>, vector<1x16xi32>,
      %get3A_1088 = arith.constant 1 : i32
      %get3A_1089 = arith.index_cast %get3A_1088 : i32 to index
      %get3A_1090 = arith.constant 48 : index
      %get3A_1091 = tpu.vector_load %arg6[%get3A_1089, %get3A_1090] {strides = array<i32>} : memref<2x512xi32, #tpu.memory_space<vmem>>, vector<1x16xi32>,
      %get3A_1092 = vector.shape_cast %get3A_1091 : vector<1x16xi32> to vector<16xi32>
      %convert_element_type3A_1093 = arith.sitofp %get3A_1092 : vector<16xi32> to vector<16xf32>
      %mul3A_1094 = arith.constant 2.000000e-02 : f32
      %mul3A_1095 = vector.broadcast %mul3A_1094 : f32 to vector<16xf32>
      %mul3A_1096 = arith.mulf %convert_element_type3A_1093, %mul3A_1095 : vector<16xf32>
      %convert_element_type3A_1097 = arith.fptosi %mul3A_1096 : vector<16xf32> to vector<16xi32>
      %mul3A_1098 = arith.constant 50 : i32
      %mul3A_1099 = vector.broadcast %mul3A_1098 : i32 to vector<16xi32>
      %mul3A_1100 = arith.muli %convert_element_type3A_1097, %mul3A_1099 : vector<16xi32>
      %sub3A_1101 = arith.subi %get3A_1092, %mul3A_1100 : vector<16xi32>
      %ge3A_1102 = arith.constant 50 : i32
      %ge3A_1103 = vector.broadcast %ge3A_1102 : i32 to vector<16xi32>
      %ge3A_1104 = arith.cmpi sge, %sub3A_1101, %ge3A_1103 : vector<16xi32>
      %sub3A_1105 = arith.constant 50 : i32
      %sub3A_1106 = vector.broadcast %sub3A_1105 : i32 to vector<16xi32>
      %sub3A_1107 = arith.subi %sub3A_1101, %sub3A_1106 : vector<16xi32>
      %select_n3A_1108 = arith.select %ge3A_1104, %sub3A_1107, %sub3A_1101 : vector<16xi1>, vector<16xi32>
      %swap3A_1109 = arith.constant 1 : i32
      %swap3A_1110 = arith.index_cast %swap3A_1109 : i32 to index
      %swap3A_1111 = arith.constant 48 : index
      %swap3A_1112 = tpu.vector_load %arg7[%swap3A_1110, %swap3A_1111] {strides = array<i32>} : memref<2x512xi32, #tpu.memory_space<vmem>>, vector<1x16xi32>,
      %swap3A_1113 = vector.shape_cast %swap3A_1112 : vector<1x16xi32> to vector<16xi32>
      %swap3A_1114 = vector.shape_cast %select_n3A_1108 : vector<16xi32> to vector<1x16xi32>
      tpu.vector_store %arg7[%swap3A_1110, %swap3A_1111], %swap3A_1114 {strides = array<i32>} : memref<2x512xi32, #tpu.memory_space<vmem>>, vector<1x16xi32>,
      %get3A_1115 = arith.constant 1 : i32
      %get3A_1116 = arith.index_cast %get3A_1115 : i32 to index
      %get3A_1117 = arith.constant 64 : index
      %get3A_1118 = tpu.vector_load %arg6[%get3A_1116, %get3A_1117] {strides = array<i32>} : memref<2x512xi32, #tpu.memory_space<vmem>>, vector<1x16xi32>,
      %get3A_1119 = vector.shape_cast %get3A_1118 : vector<1x16xi32> to vector<16xi32>
      %convert_element_type3A_1120 = arith.sitofp %get3A_1119 : vector<16xi32> to vector<16xf32>
      %mul3A_1121 = arith.constant 2.000000e-02 : f32
      %mul3A_1122 = vector.broadcast %mul3A_1121 : f32 to vector<16xf32>
      %mul3A_1123 = arith.mulf %convert_element_type3A_1120, %mul3A_1122 : vector<16xf32>
      %convert_element_type3A_1124 = arith.fptosi %mul3A_1123 : vector<16xf32> to vector<16xi32>
      %mul3A_1125 = arith.constant 50 : i32
      %mul3A_1126 = vector.broadcast %mul3A_1125 : i32 to vector<16xi32>
      %mul3A_1127 = arith.muli %convert_element_type3A_1124, %mul3A_1126 : vector<16xi32>
      %sub3A_1128 = arith.subi %get3A_1119, %mul3A_1127 : vector<16xi32>
      %ge3A_1129 = arith.constant 50 : i32
      %ge3A_1130 = vector.broadcast %ge3A_1129 : i32 to vector<16xi32>
      %ge3A_1131 = arith.cmpi sge, %sub3A_1128, %ge3A_1130 : vector<16xi32>
      %sub3A_1132 = arith.constant 50 : i32
      %sub3A_1133 = vector.broadcast %sub3A_1132 : i32 to vector<16xi32>
      %sub3A_1134 = arith.subi %sub3A_1128, %sub3A_1133 : vector<16xi32>
      %select_n3A_1135 = arith.select %ge3A_1131, %sub3A_1134, %sub3A_1128 : vector<16xi1>, vector<16xi32>
      %swap3A_1136 = arith.constant 1 : i32
      %swap3A_1137 = arith.index_cast %swap3A_1136 : i32 to index
      %swap3A_1138 = arith.constant 64 : index
      %swap3A_1139 = tpu.vector_load %arg7[%swap3A_1137, %swap3A_1138] {strides = array<i32>} : memref<2x512xi32, #tpu.memory_space<vmem>>, vector<1x16xi32>,
      %swap3A_1140 = vector.shape_cast %swap3A_1139 : vector<1x16xi32> to vector<16xi32>
      %swap3A_1141 = vector.shape_cast %select_n3A_1135 : vector<16xi32> to vector<1x16xi32>
      tpu.vector_store %arg7[%swap3A_1137, %swap3A_1138], %swap3A_1141 {strides = array<i32>} : memref<2x512xi32, #tpu.memory_space<vmem>>, vector<1x16xi32>,
      %get3A_1142 = arith.constant 1 : i32
      %get3A_1143 = arith.index_cast %get3A_1142 : i32 to index
      %get3A_1144 = arith.constant 80 : index
      %get3A_1145 = tpu.vector_load %arg6[%get3A_1143, %get3A_1144] {strides = array<i32>} : memref<2x512xi32, #tpu.memory_space<vmem>>, vector<1x16xi32>,
      %get3A_1146 = vector.shape_cast %get3A_1145 : vector<1x16xi32> to vector<16xi32>
      %convert_element_type3A_1147 = arith.sitofp %get3A_1146 : vector<16xi32> to vector<16xf32>
      %mul3A_1148 = arith.constant 2.000000e-02 : f32
      %mul3A_1149 = vector.broadcast %mul3A_1148 : f32 to vector<16xf32>
      %mul3A_1150 = arith.mulf %convert_element_type3A_1147, %mul3A_1149 : vector<16xf32>
      %convert_element_type3A_1151 = arith.fptosi %mul3A_1150 : vector<16xf32> to vector<16xi32>
      %mul3A_1152 = arith.constant 50 : i32
      %mul3A_1153 = vector.broadcast %mul3A_1152 : i32 to vector<16xi32>
      %mul3A_1154 = arith.muli %convert_element_type3A_1151, %mul3A_1153 : vector<16xi32>
      %sub3A_1155 = arith.subi %get3A_1146, %mul3A_1154 : vector<16xi32>
      %ge3A_1156 = arith.constant 50 : i32
      %ge3A_1157 = vector.broadcast %ge3A_1156 : i32 to vector<16xi32>
      %ge3A_1158 = arith.cmpi sge, %sub3A_1155, %ge3A_1157 : vector<16xi32>
      %sub3A_1159 = arith.constant 50 : i32
      %sub3A_1160 = vector.broadcast %sub3A_1159 : i32 to vector<16xi32>
      %sub3A_1161 = arith.subi %sub3A_1155, %sub3A_1160 : vector<16xi32>
      %select_n3A_1162 = arith.select %ge3A_1158, %sub3A_1161, %sub3A_1155 : vector<16xi1>, vector<16xi32>
      %swap3A_1163 = arith.constant 1 : i32
      %swap3A_1164 = arith.index_cast %swap3A_1163 : i32 to index
      %swap3A_1165 = arith.constant 80 : index
      %swap3A_1166 = tpu.vector_load %arg7[%swap3A_1164, %swap3A_1165] {strides = array<i32>} : memref<2x512xi32, #tpu.memory_space<vmem>>, vector<1x16xi32>,
      %swap3A_1167 = vector.shape_cast %swap3A_1166 : vector<1x16xi32> to vector<16xi32>
      %swap3A_1168 = vector.shape_cast %select_n3A_1162 : vector<16xi32> to vector<1x16xi32>
      tpu.vector_store %arg7[%swap3A_1164, %swap3A_1165], %swap3A_1168 {strides = array<i32>} : memref<2x512xi32, #tpu.memory_space<vmem>>, vector<1x16xi32>,
      %get3A_1169 = arith.constant 1 : i32
      %get3A_1170 = arith.index_cast %get3A_1169 : i32 to index
      %get3A_1171 = arith.constant 96 : index
      %get3A_1172 = tpu.vector_load %arg6[%get3A_1170, %get3A_1171] {strides = array<i32>} : memref<2x512xi32, #tpu.memory_space<vmem>>, vector<1x16xi32>,
      %get3A_1173 = vector.shape_cast %get3A_1172 : vector<1x16xi32> to vector<16xi32>
      %convert_element_type3A_1174 = arith.sitofp %get3A_1173 : vector<16xi32> to vector<16xf32>
      %mul3A_1175 = arith.constant 2.000000e-02 : f32
      %mul3A_1176 = vector.broadcast %mul3A_1175 : f32 to vector<16xf32>
      %mul3A_1177 = arith.mulf %convert_element_type3A_1174, %mul3A_1176 : vector<16xf32>
      %convert_element_type3A_1178 = arith.fptosi %mul3A_1177 : vector<16xf32> to vector<16xi32>
      %mul3A_1179 = arith.constant 50 : i32
      %mul3A_1180 = vector.broadcast %mul3A_1179 : i32 to vector<16xi32>
      %mul3A_1181 = arith.muli %convert_element_type3A_1178, %mul3A_1180 : vector<16xi32>
      %sub3A_1182 = arith.subi %get3A_1173, %mul3A_1181 : vector<16xi32>
      %ge3A_1183 = arith.constant 50 : i32
      %ge3A_1184 = vector.broadcast %ge3A_1183 : i32 to vector<16xi32>
      %ge3A_1185 = arith.cmpi sge, %sub3A_1182, %ge3A_1184 : vector<16xi32>
      %sub3A_1186 = arith.constant 50 : i32
      %sub3A_1187 = vector.broadcast %sub3A_1186 : i32 to vector<16xi32>
      %sub3A_1188 = arith.subi %sub3A_1182, %sub3A_1187 : vector<16xi32>
      %select_n3A_1189 = arith.select %ge3A_1185, %sub3A_1188, %sub3A_1182 : vector<16xi1>, vector<16xi32>
      %swap3A_1190 = arith.constant 1 : i32
      %swap3A_1191 = arith.index_cast %swap3A_1190 : i32 to index
      %swap3A_1192 = arith.constant 96 : index
      %swap3A_1193 = tpu.vector_load %arg7[%swap3A_1191, %swap3A_1192] {strides = array<i32>} : memref<2x512xi32, #tpu.memory_space<vmem>>, vector<1x16xi32>,
      %swap3A_1194 = vector.shape_cast %swap3A_1193 : vector<1x16xi32> to vector<16xi32>
      %swap3A_1195 = vector.shape_cast %select_n3A_1189 : vector<16xi32> to vector<1x16xi32>
      tpu.vector_store %arg7[%swap3A_1191, %swap3A_1192], %swap3A_1195 {strides = array<i32>} : memref<2x512xi32, #tpu.memory_space<vmem>>, vector<1x16xi32>,
      %get3A_1196 = arith.constant 1 : i32
      %get3A_1197 = arith.index_cast %get3A_1196 : i32 to index
      %get3A_1198 = arith.constant 112 : index
      %get3A_1199 = tpu.vector_load %arg6[%get3A_1197, %get3A_1198] {strides = array<i32>} : memref<2x512xi32, #tpu.memory_space<vmem>>, vector<1x16xi32>,
      %get3A_1200 = vector.shape_cast %get3A_1199 : vector<1x16xi32> to vector<16xi32>
      %convert_element_type3A_1201 = arith.sitofp %get3A_1200 : vector<16xi32> to vector<16xf32>
      %mul3A_1202 = arith.constant 2.000000e-02 : f32
      %mul3A_1203 = vector.broadcast %mul3A_1202 : f32 to vector<16xf32>
      %mul3A_1204 = arith.mulf %convert_element_type3A_1201, %mul3A_1203 : vector<16xf32>
      %convert_element_type3A_1205 = arith.fptosi %mul3A_1204 : vector<16xf32> to vector<16xi32>
      %mul3A_1206 = arith.constant 50 : i32
      %mul3A_1207 = vector.broadcast %mul3A_1206 : i32 to vector<16xi32>
      %mul3A_1208 = arith.muli %convert_element_type3A_1205, %mul3A_1207 : vector<16xi32>
      %sub3A_1209 = arith.subi %get3A_1200, %mul3A_1208 : vector<16xi32>
      %ge3A_1210 = arith.constant 50 : i32
      %ge3A_1211 = vector.broadcast %ge3A_1210 : i32 to vector<16xi32>
      %ge3A_1212 = arith.cmpi sge, %sub3A_1209, %ge3A_1211 : vector<16xi32>
      %sub3A_1213 = arith.constant 50 : i32
      %sub3A_1214 = vector.broadcast %sub3A_1213 : i32 to vector<16xi32>
      %sub3A_1215 = arith.subi %sub3A_1209, %sub3A_1214 : vector<16xi32>
      %select_n3A_1216 = arith.select %ge3A_1212, %sub3A_1215, %sub3A_1209 : vector<16xi1>, vector<16xi32>
      %swap3A_1217 = arith.constant 1 : i32
      %swap3A_1218 = arith.index_cast %swap3A_1217 : i32 to index
      %swap3A_1219 = arith.constant 112 : index
      %swap3A_1220 = tpu.vector_load %arg7[%swap3A_1218, %swap3A_1219] {strides = array<i32>} : memref<2x512xi32, #tpu.memory_space<vmem>>, vector<1x16xi32>,
      %swap3A_1221 = vector.shape_cast %swap3A_1220 : vector<1x16xi32> to vector<16xi32>
      %swap3A_1222 = vector.shape_cast %select_n3A_1216 : vector<16xi32> to vector<1x16xi32>
      tpu.vector_store %arg7[%swap3A_1218, %swap3A_1219], %swap3A_1222 {strides = array<i32>} : memref<2x512xi32, #tpu.memory_space<vmem>>, vector<1x16xi32>,
      %get3A_1223 = arith.constant 1 : i32
      %get3A_1224 = arith.index_cast %get3A_1223 : i32 to index
      %get3A_1225 = arith.constant 128 : index
      %get3A_1226 = tpu.vector_load %arg6[%get3A_1224, %get3A_1225] {strides = array<i32>} : memref<2x512xi32, #tpu.memory_space<vmem>>, vector<1x16xi32>,
      %get3A_1227 = vector.shape_cast %get3A_1226 : vector<1x16xi32> to vector<16xi32>
      %convert_element_type3A_1228 = arith.sitofp %get3A_1227 : vector<16xi32> to vector<16xf32>
      %mul3A_1229 = arith.constant 2.000000e-02 : f32
      %mul3A_1230 = vector.broadcast %mul3A_1229 : f32 to vector<16xf32>
      %mul3A_1231 = arith.mulf %convert_element_type3A_1228, %mul3A_1230 : vector<16xf32>
      %convert_element_type3A_1232 = arith.fptosi %mul3A_1231 : vector<16xf32> to vector<16xi32>
      %mul3A_1233 = arith.constant 50 : i32
      %mul3A_1234 = vector.broadcast %mul3A_1233 : i32 to vector<16xi32>
      %mul3A_1235 = arith.muli %convert_element_type3A_1232, %mul3A_1234 : vector<16xi32>
      %sub3A_1236 = arith.subi %get3A_1227, %mul3A_1235 : vector<16xi32>
      %ge3A_1237 = arith.constant 50 : i32
      %ge3A_1238 = vector.broadcast %ge3A_1237 : i32 to vector<16xi32>
      %ge3A_1239 = arith.cmpi sge, %sub3A_1236, %ge3A_1238 : vector<16xi32>
      %sub3A_1240 = arith.constant 50 : i32
      %sub3A_1241 = vector.broadcast %sub3A_1240 : i32 to vector<16xi32>
      %sub3A_1242 = arith.subi %sub3A_1236, %sub3A_1241 : vector<16xi32>
      %select_n3A_1243 = arith.select %ge3A_1239, %sub3A_1242, %sub3A_1236 : vector<16xi1>, vector<16xi32>
      %swap3A_1244 = arith.constant 1 : i32
      %swap3A_1245 = arith.index_cast %swap3A_1244 : i32 to index
      %swap3A_1246 = arith.constant 128 : index
      %swap3A_1247 = tpu.vector_load %arg7[%swap3A_1245, %swap3A_1246] {strides = array<i32>} : memref<2x512xi32, #tpu.memory_space<vmem>>, vector<1x16xi32>,
      %swap3A_1248 = vector.shape_cast %swap3A_1247 : vector<1x16xi32> to vector<16xi32>
      %swap3A_1249 = vector.shape_cast %select_n3A_1243 : vector<16xi32> to vector<1x16xi32>
      tpu.vector_store %arg7[%swap3A_1245, %swap3A_1246], %swap3A_1249 {strides = array<i32>} : memref<2x512xi32, #tpu.memory_space<vmem>>, vector<1x16xi32>,
      %get3A_1250 = arith.constant 1 : i32
      %get3A_1251 = arith.index_cast %get3A_1250 : i32 to index
      %get3A_1252 = arith.constant 144 : index
      %get3A_1253 = tpu.vector_load %arg6[%get3A_1251, %get3A_1252] {strides = array<i32>} : memref<2x512xi32, #tpu.memory_space<vmem>>, vector<1x16xi32>,
      %get3A_1254 = vector.shape_cast %get3A_1253 : vector<1x16xi32> to vector<16xi32>
      %convert_element_type3A_1255 = arith.sitofp %get3A_1254 : vector<16xi32> to vector<16xf32>
      %mul3A_1256 = arith.constant 2.000000e-02 : f32
      %mul3A_1257 = vector.broadcast %mul3A_1256 : f32 to vector<16xf32>
      %mul3A_1258 = arith.mulf %convert_element_type3A_1255, %mul3A_1257 : vector<16xf32>
      %convert_element_type3A_1259 = arith.fptosi %mul3A_1258 : vector<16xf32> to vector<16xi32>
      %mul3A_1260 = arith.constant 50 : i32
      %mul3A_1261 = vector.broadcast %mul3A_1260 : i32 to vector<16xi32>
      %mul3A_1262 = arith.muli %convert_element_type3A_1259, %mul3A_1261 : vector<16xi32>
      %sub3A_1263 = arith.subi %get3A_1254, %mul3A_1262 : vector<16xi32>
      %ge3A_1264 = arith.constant 50 : i32
      %ge3A_1265 = vector.broadcast %ge3A_1264 : i32 to vector<16xi32>
      %ge3A_1266 = arith.cmpi sge, %sub3A_1263, %ge3A_1265 : vector<16xi32>
      %sub3A_1267 = arith.constant 50 : i32
      %sub3A_1268 = vector.broadcast %sub3A_1267 : i32 to vector<16xi32>
      %sub3A_1269 = arith.subi %sub3A_1263, %sub3A_1268 : vector<16xi32>
      %select_n3A_1270 = arith.select %ge3A_1266, %sub3A_1269, %sub3A_1263 : vector<16xi1>, vector<16xi32>
      %swap3A_1271 = arith.constant 1 : i32
      %swap3A_1272 = arith.index_cast %swap3A_1271 : i32 to index
      %swap3A_1273 = arith.constant 144 : index
      %swap3A_1274 = tpu.vector_load %arg7[%swap3A_1272, %swap3A_1273] {strides = array<i32>} : memref<2x512xi32, #tpu.memory_space<vmem>>, vector<1x16xi32>,
      %swap3A_1275 = vector.shape_cast %swap3A_1274 : vector<1x16xi32> to vector<16xi32>
      %swap3A_1276 = vector.shape_cast %select_n3A_1270 : vector<16xi32> to vector<1x16xi32>
      tpu.vector_store %arg7[%swap3A_1272, %swap3A_1273], %swap3A_1276 {strides = array<i32>} : memref<2x512xi32, #tpu.memory_space<vmem>>, vector<1x16xi32>,
      %get3A_1277 = arith.constant 1 : i32
      %get3A_1278 = arith.index_cast %get3A_1277 : i32 to index
      %get3A_1279 = arith.constant 160 : index
      %get3A_1280 = tpu.vector_load %arg6[%get3A_1278, %get3A_1279] {strides = array<i32>} : memref<2x512xi32, #tpu.memory_space<vmem>>, vector<1x16xi32>,
      %get3A_1281 = vector.shape_cast %get3A_1280 : vector<1x16xi32> to vector<16xi32>
      %convert_element_type3A_1282 = arith.sitofp %get3A_1281 : vector<16xi32> to vector<16xf32>
      %mul3A_1283 = arith.constant 2.000000e-02 : f32
      %mul3A_1284 = vector.broadcast %mul3A_1283 : f32 to vector<16xf32>
      %mul3A_1285 = arith.mulf %convert_element_type3A_1282, %mul3A_1284 : vector<16xf32>
      %convert_element_type3A_1286 = arith.fptosi %mul3A_1285 : vector<16xf32> to vector<16xi32>
      %mul3A_1287 = arith.constant 50 : i32
      %mul3A_1288 = vector.broadcast %mul3A_1287 : i32 to vector<16xi32>
      %mul3A_1289 = arith.muli %convert_element_type3A_1286, %mul3A_1288 : vector<16xi32>
      %sub3A_1290 = arith.subi %get3A_1281, %mul3A_1289 : vector<16xi32>
      %ge3A_1291 = arith.constant 50 : i32
      %ge3A_1292 = vector.broadcast %ge3A_1291 : i32 to vector<16xi32>
      %ge3A_1293 = arith.cmpi sge, %sub3A_1290, %ge3A_1292 : vector<16xi32>
      %sub3A_1294 = arith.constant 50 : i32
      %sub3A_1295 = vector.broadcast %sub3A_1294 : i32 to vector<16xi32>
      %sub3A_1296 = arith.subi %sub3A_1290, %sub3A_1295 : vector<16xi32>
      %select_n3A_1297 = arith.select %ge3A_1293, %sub3A_1296, %sub3A_1290 : vector<16xi1>, vector<16xi32>
      %swap3A_1298 = arith.constant 1 : i32
      %swap3A_1299 = arith.index_cast %swap3A_1298 : i32 to index
      %swap3A_1300 = arith.constant 160 : index
      %swap3A_1301 = tpu.vector_load %arg7[%swap3A_1299, %swap3A_1300] {strides = array<i32>} : memref<2x512xi32, #tpu.memory_space<vmem>>, vector<1x16xi32>,
      %swap3A_1302 = vector.shape_cast %swap3A_1301 : vector<1x16xi32> to vector<16xi32>
      %swap3A_1303 = vector.shape_cast %select_n3A_1297 : vector<16xi32> to vector<1x16xi32>
      tpu.vector_store %arg7[%swap3A_1299, %swap3A_1300], %swap3A_1303 {strides = array<i32>} : memref<2x512xi32, #tpu.memory_space<vmem>>, vector<1x16xi32>,
      %get3A_1304 = arith.constant 1 : i32
      %get3A_1305 = arith.index_cast %get3A_1304 : i32 to index
      %get3A_1306 = arith.constant 176 : index
      %get3A_1307 = tpu.vector_load %arg6[%get3A_1305, %get3A_1306] {strides = array<i32>} : memref<2x512xi32, #tpu.memory_space<vmem>>, vector<1x16xi32>,
      %get3A_1308 = vector.shape_cast %get3A_1307 : vector<1x16xi32> to vector<16xi32>
      %convert_element_type3A_1309 = arith.sitofp %get3A_1308 : vector<16xi32> to vector<16xf32>
      %mul3A_1310 = arith.constant 2.000000e-02 : f32
      %mul3A_1311 = vector.broadcast %mul3A_1310 : f32 to vector<16xf32>
      %mul3A_1312 = arith.mulf %convert_element_type3A_1309, %mul3A_1311 : vector<16xf32>
      %convert_element_type3A_1313 = arith.fptosi %mul3A_1312 : vector<16xf32> to vector<16xi32>
      %mul3A_1314 = arith.constant 50 : i32
      %mul3A_1315 = vector.broadcast %mul3A_1314 : i32 to vector<16xi32>
      %mul3A_1316 = arith.muli %convert_element_type3A_1313, %mul3A_1315 : vector<16xi32>
      %sub3A_1317 = arith.subi %get3A_1308, %mul3A_1316 : vector<16xi32>
      %ge3A_1318 = arith.constant 50 : i32
      %ge3A_1319 = vector.broadcast %ge3A_1318 : i32 to vector<16xi32>
      %ge3A_1320 = arith.cmpi sge, %sub3A_1317, %ge3A_1319 : vector<16xi32>
      %sub3A_1321 = arith.constant 50 : i32
      %sub3A_1322 = vector.broadcast %sub3A_1321 : i32 to vector<16xi32>
      %sub3A_1323 = arith.subi %sub3A_1317, %sub3A_1322 : vector<16xi32>
      %select_n3A_1324 = arith.select %ge3A_1320, %sub3A_1323, %sub3A_1317 : vector<16xi1>, vector<16xi32>
      %swap3A_1325 = arith.constant 1 : i32
      %swap3A_1326 = arith.index_cast %swap3A_1325 : i32 to index
      %swap3A_1327 = arith.constant 176 : index
      %swap3A_1328 = tpu.vector_load %arg7[%swap3A_1326, %swap3A_1327] {strides = array<i32>} : memref<2x512xi32, #tpu.memory_space<vmem>>, vector<1x16xi32>,
      %swap3A_1329 = vector.shape_cast %swap3A_1328 : vector<1x16xi32> to vector<16xi32>
      %swap3A_1330 = vector.shape_cast %select_n3A_1324 : vector<16xi32> to vector<1x16xi32>
      tpu.vector_store %arg7[%swap3A_1326, %swap3A_1327], %swap3A_1330 {strides = array<i32>} : memref<2x512xi32, #tpu.memory_space<vmem>>, vector<1x16xi32>,
      %get3A_1331 = arith.constant 1 : i32
      %get3A_1332 = arith.index_cast %get3A_1331 : i32 to index
      %get3A_1333 = arith.constant 192 : index
      %get3A_1334 = tpu.vector_load %arg6[%get3A_1332, %get3A_1333] {strides = array<i32>} : memref<2x512xi32, #tpu.memory_space<vmem>>, vector<1x16xi32>,
      %get3A_1335 = vector.shape_cast %get3A_1334 : vector<1x16xi32> to vector<16xi32>
      %convert_element_type3A_1336 = arith.sitofp %get3A_1335 : vector<16xi32> to vector<16xf32>
      %mul3A_1337 = arith.constant 2.000000e-02 : f32
      %mul3A_1338 = vector.broadcast %mul3A_1337 : f32 to vector<16xf32>
      %mul3A_1339 = arith.mulf %convert_element_type3A_1336, %mul3A_1338 : vector<16xf32>
      %convert_element_type3A_1340 = arith.fptosi %mul3A_1339 : vector<16xf32> to vector<16xi32>
      %mul3A_1341 = arith.constant 50 : i32
      %mul3A_1342 = vector.broadcast %mul3A_1341 : i32 to vector<16xi32>
      %mul3A_1343 = arith.muli %convert_element_type3A_1340, %mul3A_1342 : vector<16xi32>
      %sub3A_1344 = arith.subi %get3A_1335, %mul3A_1343 : vector<16xi32>
      %ge3A_1345 = arith.constant 50 : i32
      %ge3A_1346 = vector.broadcast %ge3A_1345 : i32 to vector<16xi32>
      %ge3A_1347 = arith.cmpi sge, %sub3A_1344, %ge3A_1346 : vector<16xi32>
      %sub3A_1348 = arith.constant 50 : i32
      %sub3A_1349 = vector.broadcast %sub3A_1348 : i32 to vector<16xi32>
      %sub3A_1350 = arith.subi %sub3A_1344, %sub3A_1349 : vector<16xi32>
      %select_n3A_1351 = arith.select %ge3A_1347, %sub3A_1350, %sub3A_1344 : vector<16xi1>, vector<16xi32>
      %swap3A_1352 = arith.constant 1 : i32
      %swap3A_1353 = arith.index_cast %swap3A_1352 : i32 to index
      %swap3A_1354 = arith.constant 192 : index
      %swap3A_1355 = tpu.vector_load %arg7[%swap3A_1353, %swap3A_1354] {strides = array<i32>} : memref<2x512xi32, #tpu.memory_space<vmem>>, vector<1x16xi32>,
      %swap3A_1356 = vector.shape_cast %swap3A_1355 : vector<1x16xi32> to vector<16xi32>
      %swap3A_1357 = vector.shape_cast %select_n3A_1351 : vector<16xi32> to vector<1x16xi32>
      tpu.vector_store %arg7[%swap3A_1353, %swap3A_1354], %swap3A_1357 {strides = array<i32>} : memref<2x512xi32, #tpu.memory_space<vmem>>, vector<1x16xi32>,
      %get3A_1358 = arith.constant 1 : i32
      %get3A_1359 = arith.index_cast %get3A_1358 : i32 to index
      %get3A_1360 = arith.constant 208 : index
      %get3A_1361 = tpu.vector_load %arg6[%get3A_1359, %get3A_1360] {strides = array<i32>} : memref<2x512xi32, #tpu.memory_space<vmem>>, vector<1x16xi32>,
      %get3A_1362 = vector.shape_cast %get3A_1361 : vector<1x16xi32> to vector<16xi32>
      %convert_element_type3A_1363 = arith.sitofp %get3A_1362 : vector<16xi32> to vector<16xf32>
      %mul3A_1364 = arith.constant 2.000000e-02 : f32
      %mul3A_1365 = vector.broadcast %mul3A_1364 : f32 to vector<16xf32>
      %mul3A_1366 = arith.mulf %convert_element_type3A_1363, %mul3A_1365 : vector<16xf32>
      %convert_element_type3A_1367 = arith.fptosi %mul3A_1366 : vector<16xf32> to vector<16xi32>
      %mul3A_1368 = arith.constant 50 : i32
      %mul3A_1369 = vector.broadcast %mul3A_1368 : i32 to vector<16xi32>
      %mul3A_1370 = arith.muli %convert_element_type3A_1367, %mul3A_1369 : vector<16xi32>
      %sub3A_1371 = arith.subi %get3A_1362, %mul3A_1370 : vector<16xi32>
      %ge3A_1372 = arith.constant 50 : i32
      %ge3A_1373 = vector.broadcast %ge3A_1372 : i32 to vector<16xi32>
      %ge3A_1374 = arith.cmpi sge, %sub3A_1371, %ge3A_1373 : vector<16xi32>
      %sub3A_1375 = arith.constant 50 : i32
      %sub3A_1376 = vector.broadcast %sub3A_1375 : i32 to vector<16xi32>
      %sub3A_1377 = arith.subi %sub3A_1371, %sub3A_1376 : vector<16xi32>
      %select_n3A_1378 = arith.select %ge3A_1374, %sub3A_1377, %sub3A_1371 : vector<16xi1>, vector<16xi32>
      %swap3A_1379 = arith.constant 1 : i32
      %swap3A_1380 = arith.index_cast %swap3A_1379 : i32 to index
      %swap3A_1381 = arith.constant 208 : index
      %swap3A_1382 = tpu.vector_load %arg7[%swap3A_1380, %swap3A_1381] {strides = array<i32>} : memref<2x512xi32, #tpu.memory_space<vmem>>, vector<1x16xi32>,
      %swap3A_1383 = vector.shape_cast %swap3A_1382 : vector<1x16xi32> to vector<16xi32>
      %swap3A_1384 = vector.shape_cast %select_n3A_1378 : vector<16xi32> to vector<1x16xi32>
      tpu.vector_store %arg7[%swap3A_1380, %swap3A_1381], %swap3A_1384 {strides = array<i32>} : memref<2x512xi32, #tpu.memory_space<vmem>>, vector<1x16xi32>,
      %get3A_1385 = arith.constant 1 : i32
      %get3A_1386 = arith.index_cast %get3A_1385 : i32 to index
      %get3A_1387 = arith.constant 224 : index
      %get3A_1388 = tpu.vector_load %arg6[%get3A_1386, %get3A_1387] {strides = array<i32>} : memref<2x512xi32, #tpu.memory_space<vmem>>, vector<1x16xi32>,
      %get3A_1389 = vector.shape_cast %get3A_1388 : vector<1x16xi32> to vector<16xi32>
      %convert_element_type3A_1390 = arith.sitofp %get3A_1389 : vector<16xi32> to vector<16xf32>
      %mul3A_1391 = arith.constant 2.000000e-02 : f32
      %mul3A_1392 = vector.broadcast %mul3A_1391 : f32 to vector<16xf32>
      %mul3A_1393 = arith.mulf %convert_element_type3A_1390, %mul3A_1392 : vector<16xf32>
      %convert_element_type3A_1394 = arith.fptosi %mul3A_1393 : vector<16xf32> to vector<16xi32>
      %mul3A_1395 = arith.constant 50 : i32
      %mul3A_1396 = vector.broadcast %mul3A_1395 : i32 to vector<16xi32>
      %mul3A_1397 = arith.muli %convert_element_type3A_1394, %mul3A_1396 : vector<16xi32>
      %sub3A_1398 = arith.subi %get3A_1389, %mul3A_1397 : vector<16xi32>
      %ge3A_1399 = arith.constant 50 : i32
      %ge3A_1400 = vector.broadcast %ge3A_1399 : i32 to vector<16xi32>
      %ge3A_1401 = arith.cmpi sge, %sub3A_1398, %ge3A_1400 : vector<16xi32>
      %sub3A_1402 = arith.constant 50 : i32
      %sub3A_1403 = vector.broadcast %sub3A_1402 : i32 to vector<16xi32>
      %sub3A_1404 = arith.subi %sub3A_1398, %sub3A_1403 : vector<16xi32>
      %select_n3A_1405 = arith.select %ge3A_1401, %sub3A_1404, %sub3A_1398 : vector<16xi1>, vector<16xi32>
      %swap3A_1406 = arith.constant 1 : i32
      %swap3A_1407 = arith.index_cast %swap3A_1406 : i32 to index
      %swap3A_1408 = arith.constant 224 : index
      %swap3A_1409 = tpu.vector_load %arg7[%swap3A_1407, %swap3A_1408] {strides = array<i32>} : memref<2x512xi32, #tpu.memory_space<vmem>>, vector<1x16xi32>,
      %swap3A_1410 = vector.shape_cast %swap3A_1409 : vector<1x16xi32> to vector<16xi32>
      %swap3A_1411 = vector.shape_cast %select_n3A_1405 : vector<16xi32> to vector<1x16xi32>
      tpu.vector_store %arg7[%swap3A_1407, %swap3A_1408], %swap3A_1411 {strides = array<i32>} : memref<2x512xi32, #tpu.memory_space<vmem>>, vector<1x16xi32>,
      %get3A_1412 = arith.constant 1 : i32
      %get3A_1413 = arith.index_cast %get3A_1412 : i32 to index
      %get3A_1414 = arith.constant 240 : index
      %get3A_1415 = tpu.vector_load %arg6[%get3A_1413, %get3A_1414] {strides = array<i32>} : memref<2x512xi32, #tpu.memory_space<vmem>>, vector<1x16xi32>,
      %get3A_1416 = vector.shape_cast %get3A_1415 : vector<1x16xi32> to vector<16xi32>
      %convert_element_type3A_1417 = arith.sitofp %get3A_1416 : vector<16xi32> to vector<16xf32>
      %mul3A_1418 = arith.constant 2.000000e-02 : f32
      %mul3A_1419 = vector.broadcast %mul3A_1418 : f32 to vector<16xf32>
      %mul3A_1420 = arith.mulf %convert_element_type3A_1417, %mul3A_1419 : vector<16xf32>
      %convert_element_type3A_1421 = arith.fptosi %mul3A_1420 : vector<16xf32> to vector<16xi32>
      %mul3A_1422 = arith.constant 50 : i32
      %mul3A_1423 = vector.broadcast %mul3A_1422 : i32 to vector<16xi32>
      %mul3A_1424 = arith.muli %convert_element_type3A_1421, %mul3A_1423 : vector<16xi32>
      %sub3A_1425 = arith.subi %get3A_1416, %mul3A_1424 : vector<16xi32>
      %ge3A_1426 = arith.constant 50 : i32
      %ge3A_1427 = vector.broadcast %ge3A_1426 : i32 to vector<16xi32>
      %ge3A_1428 = arith.cmpi sge, %sub3A_1425, %ge3A_1427 : vector<16xi32>
      %sub3A_1429 = arith.constant 50 : i32
      %sub3A_1430 = vector.broadcast %sub3A_1429 : i32 to vector<16xi32>
      %sub3A_1431 = arith.subi %sub3A_1425, %sub3A_1430 : vector<16xi32>
      %select_n3A_1432 = arith.select %ge3A_1428, %sub3A_1431, %sub3A_1425 : vector<16xi1>, vector<16xi32>
      %swap3A_1433 = arith.constant 1 : i32
      %swap3A_1434 = arith.index_cast %swap3A_1433 : i32 to index
      %swap3A_1435 = arith.constant 240 : index
      %swap3A_1436 = tpu.vector_load %arg7[%swap3A_1434, %swap3A_1435] {strides = array<i32>} : memref<2x512xi32, #tpu.memory_space<vmem>>, vector<1x16xi32>,
      %swap3A_1437 = vector.shape_cast %swap3A_1436 : vector<1x16xi32> to vector<16xi32>
      %swap3A_1438 = vector.shape_cast %select_n3A_1432 : vector<16xi32> to vector<1x16xi32>
      tpu.vector_store %arg7[%swap3A_1434, %swap3A_1435], %swap3A_1438 {strides = array<i32>} : memref<2x512xi32, #tpu.memory_space<vmem>>, vector<1x16xi32>,
      %get3A_1439 = arith.constant 1 : i32
      %get3A_1440 = arith.index_cast %get3A_1439 : i32 to index
      %get3A_1441 = arith.constant 256 : index
      %get3A_1442 = tpu.vector_load %arg6[%get3A_1440, %get3A_1441] {strides = array<i32>} : memref<2x512xi32, #tpu.memory_space<vmem>>, vector<1x16xi32>,
      %get3A_1443 = vector.shape_cast %get3A_1442 : vector<1x16xi32> to vector<16xi32>
      %convert_element_type3A_1444 = arith.sitofp %get3A_1443 : vector<16xi32> to vector<16xf32>
      %mul3A_1445 = arith.constant 2.000000e-02 : f32
      %mul3A_1446 = vector.broadcast %mul3A_1445 : f32 to vector<16xf32>
      %mul3A_1447 = arith.mulf %convert_element_type3A_1444, %mul3A_1446 : vector<16xf32>
      %convert_element_type3A_1448 = arith.fptosi %mul3A_1447 : vector<16xf32> to vector<16xi32>
      %mul3A_1449 = arith.constant 50 : i32
      %mul3A_1450 = vector.broadcast %mul3A_1449 : i32 to vector<16xi32>
      %mul3A_1451 = arith.muli %convert_element_type3A_1448, %mul3A_1450 : vector<16xi32>
      %sub3A_1452 = arith.subi %get3A_1443, %mul3A_1451 : vector<16xi32>
      %ge3A_1453 = arith.constant 50 : i32
      %ge3A_1454 = vector.broadcast %ge3A_1453 : i32 to vector<16xi32>
      %ge3A_1455 = arith.cmpi sge, %sub3A_1452, %ge3A_1454 : vector<16xi32>
      %sub3A_1456 = arith.constant 50 : i32
      %sub3A_1457 = vector.broadcast %sub3A_1456 : i32 to vector<16xi32>
      %sub3A_1458 = arith.subi %sub3A_1452, %sub3A_1457 : vector<16xi32>
      %select_n3A_1459 = arith.select %ge3A_1455, %sub3A_1458, %sub3A_1452 : vector<16xi1>, vector<16xi32>
      %swap3A_1460 = arith.constant 1 : i32
      %swap3A_1461 = arith.index_cast %swap3A_1460 : i32 to index
      %swap3A_1462 = arith.constant 256 : index
      %swap3A_1463 = tpu.vector_load %arg7[%swap3A_1461, %swap3A_1462] {strides = array<i32>} : memref<2x512xi32, #tpu.memory_space<vmem>>, vector<1x16xi32>,
      %swap3A_1464 = vector.shape_cast %swap3A_1463 : vector<1x16xi32> to vector<16xi32>
      %swap3A_1465 = vector.shape_cast %select_n3A_1459 : vector<16xi32> to vector<1x16xi32>
      tpu.vector_store %arg7[%swap3A_1461, %swap3A_1462], %swap3A_1465 {strides = array<i32>} : memref<2x512xi32, #tpu.memory_space<vmem>>, vector<1x16xi32>,
      %get3A_1466 = arith.constant 1 : i32
      %get3A_1467 = arith.index_cast %get3A_1466 : i32 to index
      %get3A_1468 = arith.constant 272 : index
      %get3A_1469 = tpu.vector_load %arg6[%get3A_1467, %get3A_1468] {strides = array<i32>} : memref<2x512xi32, #tpu.memory_space<vmem>>, vector<1x16xi32>,
      %get3A_1470 = vector.shape_cast %get3A_1469 : vector<1x16xi32> to vector<16xi32>
      %convert_element_type3A_1471 = arith.sitofp %get3A_1470 : vector<16xi32> to vector<16xf32>
      %mul3A_1472 = arith.constant 2.000000e-02 : f32
      %mul3A_1473 = vector.broadcast %mul3A_1472 : f32 to vector<16xf32>
      %mul3A_1474 = arith.mulf %convert_element_type3A_1471, %mul3A_1473 : vector<16xf32>
      %convert_element_type3A_1475 = arith.fptosi %mul3A_1474 : vector<16xf32> to vector<16xi32>
      %mul3A_1476 = arith.constant 50 : i32
      %mul3A_1477 = vector.broadcast %mul3A_1476 : i32 to vector<16xi32>
      %mul3A_1478 = arith.muli %convert_element_type3A_1475, %mul3A_1477 : vector<16xi32>
      %sub3A_1479 = arith.subi %get3A_1470, %mul3A_1478 : vector<16xi32>
      %ge3A_1480 = arith.constant 50 : i32
      %ge3A_1481 = vector.broadcast %ge3A_1480 : i32 to vector<16xi32>
      %ge3A_1482 = arith.cmpi sge, %sub3A_1479, %ge3A_1481 : vector<16xi32>
      %sub3A_1483 = arith.constant 50 : i32
      %sub3A_1484 = vector.broadcast %sub3A_1483 : i32 to vector<16xi32>
      %sub3A_1485 = arith.subi %sub3A_1479, %sub3A_1484 : vector<16xi32>
      %select_n3A_1486 = arith.select %ge3A_1482, %sub3A_1485, %sub3A_1479 : vector<16xi1>, vector<16xi32>
      %swap3A_1487 = arith.constant 1 : i32
      %swap3A_1488 = arith.index_cast %swap3A_1487 : i32 to index
      %swap3A_1489 = arith.constant 272 : index
      %swap3A_1490 = tpu.vector_load %arg7[%swap3A_1488, %swap3A_1489] {strides = array<i32>} : memref<2x512xi32, #tpu.memory_space<vmem>>, vector<1x16xi32>,
      %swap3A_1491 = vector.shape_cast %swap3A_1490 : vector<1x16xi32> to vector<16xi32>
      %swap3A_1492 = vector.shape_cast %select_n3A_1486 : vector<16xi32> to vector<1x16xi32>
      tpu.vector_store %arg7[%swap3A_1488, %swap3A_1489], %swap3A_1492 {strides = array<i32>} : memref<2x512xi32, #tpu.memory_space<vmem>>, vector<1x16xi32>,
      %get3A_1493 = arith.constant 1 : i32
      %get3A_1494 = arith.index_cast %get3A_1493 : i32 to index
      %get3A_1495 = arith.constant 288 : index
      %get3A_1496 = tpu.vector_load %arg6[%get3A_1494, %get3A_1495] {strides = array<i32>} : memref<2x512xi32, #tpu.memory_space<vmem>>, vector<1x16xi32>,
      %get3A_1497 = vector.shape_cast %get3A_1496 : vector<1x16xi32> to vector<16xi32>
      %convert_element_type3A_1498 = arith.sitofp %get3A_1497 : vector<16xi32> to vector<16xf32>
      %mul3A_1499 = arith.constant 2.000000e-02 : f32
      %mul3A_1500 = vector.broadcast %mul3A_1499 : f32 to vector<16xf32>
      %mul3A_1501 = arith.mulf %convert_element_type3A_1498, %mul3A_1500 : vector<16xf32>
      %convert_element_type3A_1502 = arith.fptosi %mul3A_1501 : vector<16xf32> to vector<16xi32>
      %mul3A_1503 = arith.constant 50 : i32
      %mul3A_1504 = vector.broadcast %mul3A_1503 : i32 to vector<16xi32>
      %mul3A_1505 = arith.muli %convert_element_type3A_1502, %mul3A_1504 : vector<16xi32>
      %sub3A_1506 = arith.subi %get3A_1497, %mul3A_1505 : vector<16xi32>
      %ge3A_1507 = arith.constant 50 : i32
      %ge3A_1508 = vector.broadcast %ge3A_1507 : i32 to vector<16xi32>
      %ge3A_1509 = arith.cmpi sge, %sub3A_1506, %ge3A_1508 : vector<16xi32>
      %sub3A_1510 = arith.constant 50 : i32
      %sub3A_1511 = vector.broadcast %sub3A_1510 : i32 to vector<16xi32>
      %sub3A_1512 = arith.subi %sub3A_1506, %sub3A_1511 : vector<16xi32>
      %select_n3A_1513 = arith.select %ge3A_1509, %sub3A_1512, %sub3A_1506 : vector<16xi1>, vector<16xi32>
      %swap3A_1514 = arith.constant 1 : i32
      %swap3A_1515 = arith.index_cast %swap3A_1514 : i32 to index
      %swap3A_1516 = arith.constant 288 : index
      %swap3A_1517 = tpu.vector_load %arg7[%swap3A_1515, %swap3A_1516] {strides = array<i32>} : memref<2x512xi32, #tpu.memory_space<vmem>>, vector<1x16xi32>,
      %swap3A_1518 = vector.shape_cast %swap3A_1517 : vector<1x16xi32> to vector<16xi32>
      %swap3A_1519 = vector.shape_cast %select_n3A_1513 : vector<16xi32> to vector<1x16xi32>
      tpu.vector_store %arg7[%swap3A_1515, %swap3A_1516], %swap3A_1519 {strides = array<i32>} : memref<2x512xi32, #tpu.memory_space<vmem>>, vector<1x16xi32>,
      %get3A_1520 = arith.constant 1 : i32
      %get3A_1521 = arith.index_cast %get3A_1520 : i32 to index
      %get3A_1522 = arith.constant 304 : index
      %get3A_1523 = tpu.vector_load %arg6[%get3A_1521, %get3A_1522] {strides = array<i32>} : memref<2x512xi32, #tpu.memory_space<vmem>>, vector<1x16xi32>,
      %get3A_1524 = vector.shape_cast %get3A_1523 : vector<1x16xi32> to vector<16xi32>
      %convert_element_type3A_1525 = arith.sitofp %get3A_1524 : vector<16xi32> to vector<16xf32>
      %mul3A_1526 = arith.constant 2.000000e-02 : f32
      %mul3A_1527 = vector.broadcast %mul3A_1526 : f32 to vector<16xf32>
      %mul3A_1528 = arith.mulf %convert_element_type3A_1525, %mul3A_1527 : vector<16xf32>
      %convert_element_type3A_1529 = arith.fptosi %mul3A_1528 : vector<16xf32> to vector<16xi32>
      %mul3A_1530 = arith.constant 50 : i32
      %mul3A_1531 = vector.broadcast %mul3A_1530 : i32 to vector<16xi32>
      %mul3A_1532 = arith.muli %convert_element_type3A_1529, %mul3A_1531 : vector<16xi32>
      %sub3A_1533 = arith.subi %get3A_1524, %mul3A_1532 : vector<16xi32>
      %ge3A_1534 = arith.constant 50 : i32
      %ge3A_1535 = vector.broadcast %ge3A_1534 : i32 to vector<16xi32>
      %ge3A_1536 = arith.cmpi sge, %sub3A_1533, %ge3A_1535 : vector<16xi32>
      %sub3A_1537 = arith.constant 50 : i32
      %sub3A_1538 = vector.broadcast %sub3A_1537 : i32 to vector<16xi32>
      %sub3A_1539 = arith.subi %sub3A_1533, %sub3A_1538 : vector<16xi32>
      %select_n3A_1540 = arith.select %ge3A_1536, %sub3A_1539, %sub3A_1533 : vector<16xi1>, vector<16xi32>
      %swap3A_1541 = arith.constant 1 : i32
      %swap3A_1542 = arith.index_cast %swap3A_1541 : i32 to index
      %swap3A_1543 = arith.constant 304 : index
      %swap3A_1544 = tpu.vector_load %arg7[%swap3A_1542, %swap3A_1543] {strides = array<i32>} : memref<2x512xi32, #tpu.memory_space<vmem>>, vector<1x16xi32>,
      %swap3A_1545 = vector.shape_cast %swap3A_1544 : vector<1x16xi32> to vector<16xi32>
      %swap3A_1546 = vector.shape_cast %select_n3A_1540 : vector<16xi32> to vector<1x16xi32>
      tpu.vector_store %arg7[%swap3A_1542, %swap3A_1543], %swap3A_1546 {strides = array<i32>} : memref<2x512xi32, #tpu.memory_space<vmem>>, vector<1x16xi32>,
      %get3A_1547 = arith.constant 1 : i32
      %get3A_1548 = arith.index_cast %get3A_1547 : i32 to index
      %get3A_1549 = arith.constant 320 : index
      %get3A_1550 = tpu.vector_load %arg6[%get3A_1548, %get3A_1549] {strides = array<i32>} : memref<2x512xi32, #tpu.memory_space<vmem>>, vector<1x16xi32>,
      %get3A_1551 = vector.shape_cast %get3A_1550 : vector<1x16xi32> to vector<16xi32>
      %convert_element_type3A_1552 = arith.sitofp %get3A_1551 : vector<16xi32> to vector<16xf32>
      %mul3A_1553 = arith.constant 2.000000e-02 : f32
      %mul3A_1554 = vector.broadcast %mul3A_1553 : f32 to vector<16xf32>
      %mul3A_1555 = arith.mulf %convert_element_type3A_1552, %mul3A_1554 : vector<16xf32>
      %convert_element_type3A_1556 = arith.fptosi %mul3A_1555 : vector<16xf32> to vector<16xi32>
      %mul3A_1557 = arith.constant 50 : i32
      %mul3A_1558 = vector.broadcast %mul3A_1557 : i32 to vector<16xi32>
      %mul3A_1559 = arith.muli %convert_element_type3A_1556, %mul3A_1558 : vector<16xi32>
      %sub3A_1560 = arith.subi %get3A_1551, %mul3A_1559 : vector<16xi32>
      %ge3A_1561 = arith.constant 50 : i32
      %ge3A_1562 = vector.broadcast %ge3A_1561 : i32 to vector<16xi32>
      %ge3A_1563 = arith.cmpi sge, %sub3A_1560, %ge3A_1562 : vector<16xi32>
      %sub3A_1564 = arith.constant 50 : i32
      %sub3A_1565 = vector.broadcast %sub3A_1564 : i32 to vector<16xi32>
      %sub3A_1566 = arith.subi %sub3A_1560, %sub3A_1565 : vector<16xi32>
      %select_n3A_1567 = arith.select %ge3A_1563, %sub3A_1566, %sub3A_1560 : vector<16xi1>, vector<16xi32>
      %swap3A_1568 = arith.constant 1 : i32
      %swap3A_1569 = arith.index_cast %swap3A_1568 : i32 to index
      %swap3A_1570 = arith.constant 320 : index
      %swap3A_1571 = tpu.vector_load %arg7[%swap3A_1569, %swap3A_1570] {strides = array<i32>} : memref<2x512xi32, #tpu.memory_space<vmem>>, vector<1x16xi32>,
      %swap3A_1572 = vector.shape_cast %swap3A_1571 : vector<1x16xi32> to vector<16xi32>
      %swap3A_1573 = vector.shape_cast %select_n3A_1567 : vector<16xi32> to vector<1x16xi32>
      tpu.vector_store %arg7[%swap3A_1569, %swap3A_1570], %swap3A_1573 {strides = array<i32>} : memref<2x512xi32, #tpu.memory_space<vmem>>, vector<1x16xi32>,
      %get3A_1574 = arith.constant 1 : i32
      %get3A_1575 = arith.index_cast %get3A_1574 : i32 to index
      %get3A_1576 = arith.constant 336 : index
      %get3A_1577 = tpu.vector_load %arg6[%get3A_1575, %get3A_1576] {strides = array<i32>} : memref<2x512xi32, #tpu.memory_space<vmem>>, vector<1x16xi32>,
      %get3A_1578 = vector.shape_cast %get3A_1577 : vector<1x16xi32> to vector<16xi32>
      %convert_element_type3A_1579 = arith.sitofp %get3A_1578 : vector<16xi32> to vector<16xf32>
      %mul3A_1580 = arith.constant 2.000000e-02 : f32
      %mul3A_1581 = vector.broadcast %mul3A_1580 : f32 to vector<16xf32>
      %mul3A_1582 = arith.mulf %convert_element_type3A_1579, %mul3A_1581 : vector<16xf32>
      %convert_element_type3A_1583 = arith.fptosi %mul3A_1582 : vector<16xf32> to vector<16xi32>
      %mul3A_1584 = arith.constant 50 : i32
      %mul3A_1585 = vector.broadcast %mul3A_1584 : i32 to vector<16xi32>
      %mul3A_1586 = arith.muli %convert_element_type3A_1583, %mul3A_1585 : vector<16xi32>
      %sub3A_1587 = arith.subi %get3A_1578, %mul3A_1586 : vector<16xi32>
      %ge3A_1588 = arith.constant 50 : i32
      %ge3A_1589 = vector.broadcast %ge3A_1588 : i32 to vector<16xi32>
      %ge3A_1590 = arith.cmpi sge, %sub3A_1587, %ge3A_1589 : vector<16xi32>
      %sub3A_1591 = arith.constant 50 : i32
      %sub3A_1592 = vector.broadcast %sub3A_1591 : i32 to vector<16xi32>
      %sub3A_1593 = arith.subi %sub3A_1587, %sub3A_1592 : vector<16xi32>
      %select_n3A_1594 = arith.select %ge3A_1590, %sub3A_1593, %sub3A_1587 : vector<16xi1>, vector<16xi32>
      %swap3A_1595 = arith.constant 1 : i32
      %swap3A_1596 = arith.index_cast %swap3A_1595 : i32 to index
      %swap3A_1597 = arith.constant 336 : index
      %swap3A_1598 = tpu.vector_load %arg7[%swap3A_1596, %swap3A_1597] {strides = array<i32>} : memref<2x512xi32, #tpu.memory_space<vmem>>, vector<1x16xi32>,
      %swap3A_1599 = vector.shape_cast %swap3A_1598 : vector<1x16xi32> to vector<16xi32>
      %swap3A_1600 = vector.shape_cast %select_n3A_1594 : vector<16xi32> to vector<1x16xi32>
      tpu.vector_store %arg7[%swap3A_1596, %swap3A_1597], %swap3A_1600 {strides = array<i32>} : memref<2x512xi32, #tpu.memory_space<vmem>>, vector<1x16xi32>,
      %get3A_1601 = arith.constant 1 : i32
      %get3A_1602 = arith.index_cast %get3A_1601 : i32 to index
      %get3A_1603 = arith.constant 352 : index
      %get3A_1604 = tpu.vector_load %arg6[%get3A_1602, %get3A_1603] {strides = array<i32>} : memref<2x512xi32, #tpu.memory_space<vmem>>, vector<1x16xi32>,
      %get3A_1605 = vector.shape_cast %get3A_1604 : vector<1x16xi32> to vector<16xi32>
      %convert_element_type3A_1606 = arith.sitofp %get3A_1605 : vector<16xi32> to vector<16xf32>
      %mul3A_1607 = arith.constant 2.000000e-02 : f32
      %mul3A_1608 = vector.broadcast %mul3A_1607 : f32 to vector<16xf32>
      %mul3A_1609 = arith.mulf %convert_element_type3A_1606, %mul3A_1608 : vector<16xf32>
      %convert_element_type3A_1610 = arith.fptosi %mul3A_1609 : vector<16xf32> to vector<16xi32>
      %mul3A_1611 = arith.constant 50 : i32
      %mul3A_1612 = vector.broadcast %mul3A_1611 : i32 to vector<16xi32>
      %mul3A_1613 = arith.muli %convert_element_type3A_1610, %mul3A_1612 : vector<16xi32>
      %sub3A_1614 = arith.subi %get3A_1605, %mul3A_1613 : vector<16xi32>
      %ge3A_1615 = arith.constant 50 : i32
      %ge3A_1616 = vector.broadcast %ge3A_1615 : i32 to vector<16xi32>
      %ge3A_1617 = arith.cmpi sge, %sub3A_1614, %ge3A_1616 : vector<16xi32>
      %sub3A_1618 = arith.constant 50 : i32
      %sub3A_1619 = vector.broadcast %sub3A_1618 : i32 to vector<16xi32>
      %sub3A_1620 = arith.subi %sub3A_1614, %sub3A_1619 : vector<16xi32>
      %select_n3A_1621 = arith.select %ge3A_1617, %sub3A_1620, %sub3A_1614 : vector<16xi1>, vector<16xi32>
      %swap3A_1622 = arith.constant 1 : i32
      %swap3A_1623 = arith.index_cast %swap3A_1622 : i32 to index
      %swap3A_1624 = arith.constant 352 : index
      %swap3A_1625 = tpu.vector_load %arg7[%swap3A_1623, %swap3A_1624] {strides = array<i32>} : memref<2x512xi32, #tpu.memory_space<vmem>>, vector<1x16xi32>,
      %swap3A_1626 = vector.shape_cast %swap3A_1625 : vector<1x16xi32> to vector<16xi32>
      %swap3A_1627 = vector.shape_cast %select_n3A_1621 : vector<16xi32> to vector<1x16xi32>
      tpu.vector_store %arg7[%swap3A_1623, %swap3A_1624], %swap3A_1627 {strides = array<i32>} : memref<2x512xi32, #tpu.memory_space<vmem>>, vector<1x16xi32>,
      %get3A_1628 = arith.constant 1 : i32
      %get3A_1629 = arith.index_cast %get3A_1628 : i32 to index
      %get3A_1630 = arith.constant 368 : index
      %get3A_1631 = tpu.vector_load %arg6[%get3A_1629, %get3A_1630] {strides = array<i32>} : memref<2x512xi32, #tpu.memory_space<vmem>>, vector<1x16xi32>,
      %get3A_1632 = vector.shape_cast %get3A_1631 : vector<1x16xi32> to vector<16xi32>
      %convert_element_type3A_1633 = arith.sitofp %get3A_1632 : vector<16xi32> to vector<16xf32>
      %mul3A_1634 = arith.constant 2.000000e-02 : f32
      %mul3A_1635 = vector.broadcast %mul3A_1634 : f32 to vector<16xf32>
      %mul3A_1636 = arith.mulf %convert_element_type3A_1633, %mul3A_1635 : vector<16xf32>
      %convert_element_type3A_1637 = arith.fptosi %mul3A_1636 : vector<16xf32> to vector<16xi32>
      %mul3A_1638 = arith.constant 50 : i32
      %mul3A_1639 = vector.broadcast %mul3A_1638 : i32 to vector<16xi32>
      %mul3A_1640 = arith.muli %convert_element_type3A_1637, %mul3A_1639 : vector<16xi32>
      %sub3A_1641 = arith.subi %get3A_1632, %mul3A_1640 : vector<16xi32>
      %ge3A_1642 = arith.constant 50 : i32
      %ge3A_1643 = vector.broadcast %ge3A_1642 : i32 to vector<16xi32>
      %ge3A_1644 = arith.cmpi sge, %sub3A_1641, %ge3A_1643 : vector<16xi32>
      %sub3A_1645 = arith.constant 50 : i32
      %sub3A_1646 = vector.broadcast %sub3A_1645 : i32 to vector<16xi32>
      %sub3A_1647 = arith.subi %sub3A_1641, %sub3A_1646 : vector<16xi32>
      %select_n3A_1648 = arith.select %ge3A_1644, %sub3A_1647, %sub3A_1641 : vector<16xi1>, vector<16xi32>
      %swap3A_1649 = arith.constant 1 : i32
      %swap3A_1650 = arith.index_cast %swap3A_1649 : i32 to index
      %swap3A_1651 = arith.constant 368 : index
      %swap3A_1652 = tpu.vector_load %arg7[%swap3A_1650, %swap3A_1651] {strides = array<i32>} : memref<2x512xi32, #tpu.memory_space<vmem>>, vector<1x16xi32>,
      %swap3A_1653 = vector.shape_cast %swap3A_1652 : vector<1x16xi32> to vector<16xi32>
      %swap3A_1654 = vector.shape_cast %select_n3A_1648 : vector<16xi32> to vector<1x16xi32>
      tpu.vector_store %arg7[%swap3A_1650, %swap3A_1651], %swap3A_1654 {strides = array<i32>} : memref<2x512xi32, #tpu.memory_space<vmem>>, vector<1x16xi32>,
      %get3A_1655 = arith.constant 1 : i32
      %get3A_1656 = arith.index_cast %get3A_1655 : i32 to index
      %get3A_1657 = arith.constant 384 : index
      %get3A_1658 = tpu.vector_load %arg6[%get3A_1656, %get3A_1657] {strides = array<i32>} : memref<2x512xi32, #tpu.memory_space<vmem>>, vector<1x16xi32>,
      %get3A_1659 = vector.shape_cast %get3A_1658 : vector<1x16xi32> to vector<16xi32>
      %convert_element_type3A_1660 = arith.sitofp %get3A_1659 : vector<16xi32> to vector<16xf32>
      %mul3A_1661 = arith.constant 2.000000e-02 : f32
      %mul3A_1662 = vector.broadcast %mul3A_1661 : f32 to vector<16xf32>
      %mul3A_1663 = arith.mulf %convert_element_type3A_1660, %mul3A_1662 : vector<16xf32>
      %convert_element_type3A_1664 = arith.fptosi %mul3A_1663 : vector<16xf32> to vector<16xi32>
      %mul3A_1665 = arith.constant 50 : i32
      %mul3A_1666 = vector.broadcast %mul3A_1665 : i32 to vector<16xi32>
      %mul3A_1667 = arith.muli %convert_element_type3A_1664, %mul3A_1666 : vector<16xi32>
      %sub3A_1668 = arith.subi %get3A_1659, %mul3A_1667 : vector<16xi32>
      %ge3A_1669 = arith.constant 50 : i32
      %ge3A_1670 = vector.broadcast %ge3A_1669 : i32 to vector<16xi32>
      %ge3A_1671 = arith.cmpi sge, %sub3A_1668, %ge3A_1670 : vector<16xi32>
      %sub3A_1672 = arith.constant 50 : i32
      %sub3A_1673 = vector.broadcast %sub3A_1672 : i32 to vector<16xi32>
      %sub3A_1674 = arith.subi %sub3A_1668, %sub3A_1673 : vector<16xi32>
      %select_n3A_1675 = arith.select %ge3A_1671, %sub3A_1674, %sub3A_1668 : vector<16xi1>, vector<16xi32>
      %swap3A_1676 = arith.constant 1 : i32
      %swap3A_1677 = arith.index_cast %swap3A_1676 : i32 to index
      %swap3A_1678 = arith.constant 384 : index
      %swap3A_1679 = tpu.vector_load %arg7[%swap3A_1677, %swap3A_1678] {strides = array<i32>} : memref<2x512xi32, #tpu.memory_space<vmem>>, vector<1x16xi32>,
      %swap3A_1680 = vector.shape_cast %swap3A_1679 : vector<1x16xi32> to vector<16xi32>
      %swap3A_1681 = vector.shape_cast %select_n3A_1675 : vector<16xi32> to vector<1x16xi32>
      tpu.vector_store %arg7[%swap3A_1677, %swap3A_1678], %swap3A_1681 {strides = array<i32>} : memref<2x512xi32, #tpu.memory_space<vmem>>, vector<1x16xi32>,
      %get3A_1682 = arith.constant 1 : i32
      %get3A_1683 = arith.index_cast %get3A_1682 : i32 to index
      %get3A_1684 = arith.constant 400 : index
      %get3A_1685 = tpu.vector_load %arg6[%get3A_1683, %get3A_1684] {strides = array<i32>} : memref<2x512xi32, #tpu.memory_space<vmem>>, vector<1x16xi32>,
      %get3A_1686 = vector.shape_cast %get3A_1685 : vector<1x16xi32> to vector<16xi32>
      %convert_element_type3A_1687 = arith.sitofp %get3A_1686 : vector<16xi32> to vector<16xf32>
      %mul3A_1688 = arith.constant 2.000000e-02 : f32
      %mul3A_1689 = vector.broadcast %mul3A_1688 : f32 to vector<16xf32>
      %mul3A_1690 = arith.mulf %convert_element_type3A_1687, %mul3A_1689 : vector<16xf32>
      %convert_element_type3A_1691 = arith.fptosi %mul3A_1690 : vector<16xf32> to vector<16xi32>
      %mul3A_1692 = arith.constant 50 : i32
      %mul3A_1693 = vector.broadcast %mul3A_1692 : i32 to vector<16xi32>
      %mul3A_1694 = arith.muli %convert_element_type3A_1691, %mul3A_1693 : vector<16xi32>
      %sub3A_1695 = arith.subi %get3A_1686, %mul3A_1694 : vector<16xi32>
      %ge3A_1696 = arith.constant 50 : i32
      %ge3A_1697 = vector.broadcast %ge3A_1696 : i32 to vector<16xi32>
      %ge3A_1698 = arith.cmpi sge, %sub3A_1695, %ge3A_1697 : vector<16xi32>
      %sub3A_1699 = arith.constant 50 : i32
      %sub3A_1700 = vector.broadcast %sub3A_1699 : i32 to vector<16xi32>
      %sub3A_1701 = arith.subi %sub3A_1695, %sub3A_1700 : vector<16xi32>
      %select_n3A_1702 = arith.select %ge3A_1698, %sub3A_1701, %sub3A_1695 : vector<16xi1>, vector<16xi32>
      %swap3A_1703 = arith.constant 1 : i32
      %swap3A_1704 = arith.index_cast %swap3A_1703 : i32 to index
      %swap3A_1705 = arith.constant 400 : index
      %swap3A_1706 = tpu.vector_load %arg7[%swap3A_1704, %swap3A_1705] {strides = array<i32>} : memref<2x512xi32, #tpu.memory_space<vmem>>, vector<1x16xi32>,
      %swap3A_1707 = vector.shape_cast %swap3A_1706 : vector<1x16xi32> to vector<16xi32>
      %swap3A_1708 = vector.shape_cast %select_n3A_1702 : vector<16xi32> to vector<1x16xi32>
      tpu.vector_store %arg7[%swap3A_1704, %swap3A_1705], %swap3A_1708 {strides = array<i32>} : memref<2x512xi32, #tpu.memory_space<vmem>>, vector<1x16xi32>,
      %get3A_1709 = arith.constant 1 : i32
      %get3A_1710 = arith.index_cast %get3A_1709 : i32 to index
      %get3A_1711 = arith.constant 416 : index
      %get3A_1712 = tpu.vector_load %arg6[%get3A_1710, %get3A_1711] {strides = array<i32>} : memref<2x512xi32, #tpu.memory_space<vmem>>, vector<1x16xi32>,
      %get3A_1713 = vector.shape_cast %get3A_1712 : vector<1x16xi32> to vector<16xi32>
      %convert_element_type3A_1714 = arith.sitofp %get3A_1713 : vector<16xi32> to vector<16xf32>
      %mul3A_1715 = arith.constant 2.000000e-02 : f32
      %mul3A_1716 = vector.broadcast %mul3A_1715 : f32 to vector<16xf32>
      %mul3A_1717 = arith.mulf %convert_element_type3A_1714, %mul3A_1716 : vector<16xf32>
      %convert_element_type3A_1718 = arith.fptosi %mul3A_1717 : vector<16xf32> to vector<16xi32>
      %mul3A_1719 = arith.constant 50 : i32
      %mul3A_1720 = vector.broadcast %mul3A_1719 : i32 to vector<16xi32>
      %mul3A_1721 = arith.muli %convert_element_type3A_1718, %mul3A_1720 : vector<16xi32>
      %sub3A_1722 = arith.subi %get3A_1713, %mul3A_1721 : vector<16xi32>
      %ge3A_1723 = arith.constant 50 : i32
      %ge3A_1724 = vector.broadcast %ge3A_1723 : i32 to vector<16xi32>
      %ge3A_1725 = arith.cmpi sge, %sub3A_1722, %ge3A_1724 : vector<16xi32>
      %sub3A_1726 = arith.constant 50 : i32
      %sub3A_1727 = vector.broadcast %sub3A_1726 : i32 to vector<16xi32>
      %sub3A_1728 = arith.subi %sub3A_1722, %sub3A_1727 : vector<16xi32>
      %select_n3A_1729 = arith.select %ge3A_1725, %sub3A_1728, %sub3A_1722 : vector<16xi1>, vector<16xi32>
      %swap3A_1730 = arith.constant 1 : i32
      %swap3A_1731 = arith.index_cast %swap3A_1730 : i32 to index
      %swap3A_1732 = arith.constant 416 : index
      %swap3A_1733 = tpu.vector_load %arg7[%swap3A_1731, %swap3A_1732] {strides = array<i32>} : memref<2x512xi32, #tpu.memory_space<vmem>>, vector<1x16xi32>,
      %swap3A_1734 = vector.shape_cast %swap3A_1733 : vector<1x16xi32> to vector<16xi32>
      %swap3A_1735 = vector.shape_cast %select_n3A_1729 : vector<16xi32> to vector<1x16xi32>
      tpu.vector_store %arg7[%swap3A_1731, %swap3A_1732], %swap3A_1735 {strides = array<i32>} : memref<2x512xi32, #tpu.memory_space<vmem>>, vector<1x16xi32>,
      %get3A_1736 = arith.constant 1 : i32
      %get3A_1737 = arith.index_cast %get3A_1736 : i32 to index
      %get3A_1738 = arith.constant 432 : index
      %get3A_1739 = tpu.vector_load %arg6[%get3A_1737, %get3A_1738] {strides = array<i32>} : memref<2x512xi32, #tpu.memory_space<vmem>>, vector<1x16xi32>,
      %get3A_1740 = vector.shape_cast %get3A_1739 : vector<1x16xi32> to vector<16xi32>
      %convert_element_type3A_1741 = arith.sitofp %get3A_1740 : vector<16xi32> to vector<16xf32>
      %mul3A_1742 = arith.constant 2.000000e-02 : f32
      %mul3A_1743 = vector.broadcast %mul3A_1742 : f32 to vector<16xf32>
      %mul3A_1744 = arith.mulf %convert_element_type3A_1741, %mul3A_1743 : vector<16xf32>
      %convert_element_type3A_1745 = arith.fptosi %mul3A_1744 : vector<16xf32> to vector<16xi32>
      %mul3A_1746 = arith.constant 50 : i32
      %mul3A_1747 = vector.broadcast %mul3A_1746 : i32 to vector<16xi32>
      %mul3A_1748 = arith.muli %convert_element_type3A_1745, %mul3A_1747 : vector<16xi32>
      %sub3A_1749 = arith.subi %get3A_1740, %mul3A_1748 : vector<16xi32>
      %ge3A_1750 = arith.constant 50 : i32
      %ge3A_1751 = vector.broadcast %ge3A_1750 : i32 to vector<16xi32>
      %ge3A_1752 = arith.cmpi sge, %sub3A_1749, %ge3A_1751 : vector<16xi32>
      %sub3A_1753 = arith.constant 50 : i32
      %sub3A_1754 = vector.broadcast %sub3A_1753 : i32 to vector<16xi32>
      %sub3A_1755 = arith.subi %sub3A_1749, %sub3A_1754 : vector<16xi32>
      %select_n3A_1756 = arith.select %ge3A_1752, %sub3A_1755, %sub3A_1749 : vector<16xi1>, vector<16xi32>
      %swap3A_1757 = arith.constant 1 : i32
      %swap3A_1758 = arith.index_cast %swap3A_1757 : i32 to index
      %swap3A_1759 = arith.constant 432 : index
      %swap3A_1760 = tpu.vector_load %arg7[%swap3A_1758, %swap3A_1759] {strides = array<i32>} : memref<2x512xi32, #tpu.memory_space<vmem>>, vector<1x16xi32>,
      %swap3A_1761 = vector.shape_cast %swap3A_1760 : vector<1x16xi32> to vector<16xi32>
      %swap3A_1762 = vector.shape_cast %select_n3A_1756 : vector<16xi32> to vector<1x16xi32>
      tpu.vector_store %arg7[%swap3A_1758, %swap3A_1759], %swap3A_1762 {strides = array<i32>} : memref<2x512xi32, #tpu.memory_space<vmem>>, vector<1x16xi32>,
      %get3A_1763 = arith.constant 1 : i32
      %get3A_1764 = arith.index_cast %get3A_1763 : i32 to index
      %get3A_1765 = arith.constant 448 : index
      %get3A_1766 = tpu.vector_load %arg6[%get3A_1764, %get3A_1765] {strides = array<i32>} : memref<2x512xi32, #tpu.memory_space<vmem>>, vector<1x16xi32>,
      %get3A_1767 = vector.shape_cast %get3A_1766 : vector<1x16xi32> to vector<16xi32>
      %convert_element_type3A_1768 = arith.sitofp %get3A_1767 : vector<16xi32> to vector<16xf32>
      %mul3A_1769 = arith.constant 2.000000e-02 : f32
      %mul3A_1770 = vector.broadcast %mul3A_1769 : f32 to vector<16xf32>
      %mul3A_1771 = arith.mulf %convert_element_type3A_1768, %mul3A_1770 : vector<16xf32>
      %convert_element_type3A_1772 = arith.fptosi %mul3A_1771 : vector<16xf32> to vector<16xi32>
      %mul3A_1773 = arith.constant 50 : i32
      %mul3A_1774 = vector.broadcast %mul3A_1773 : i32 to vector<16xi32>
      %mul3A_1775 = arith.muli %convert_element_type3A_1772, %mul3A_1774 : vector<16xi32>
      %sub3A_1776 = arith.subi %get3A_1767, %mul3A_1775 : vector<16xi32>
      %ge3A_1777 = arith.constant 50 : i32
      %ge3A_1778 = vector.broadcast %ge3A_1777 : i32 to vector<16xi32>
      %ge3A_1779 = arith.cmpi sge, %sub3A_1776, %ge3A_1778 : vector<16xi32>
      %sub3A_1780 = arith.constant 50 : i32
      %sub3A_1781 = vector.broadcast %sub3A_1780 : i32 to vector<16xi32>
      %sub3A_1782 = arith.subi %sub3A_1776, %sub3A_1781 : vector<16xi32>
      %select_n3A_1783 = arith.select %ge3A_1779, %sub3A_1782, %sub3A_1776 : vector<16xi1>, vector<16xi32>
      %swap3A_1784 = arith.constant 1 : i32
      %swap3A_1785 = arith.index_cast %swap3A_1784 : i32 to index
      %swap3A_1786 = arith.constant 448 : index
      %swap3A_1787 = tpu.vector_load %arg7[%swap3A_1785, %swap3A_1786] {strides = array<i32>} : memref<2x512xi32, #tpu.memory_space<vmem>>, vector<1x16xi32>,
      %swap3A_1788 = vector.shape_cast %swap3A_1787 : vector<1x16xi32> to vector<16xi32>
      %swap3A_1789 = vector.shape_cast %select_n3A_1783 : vector<16xi32> to vector<1x16xi32>
      tpu.vector_store %arg7[%swap3A_1785, %swap3A_1786], %swap3A_1789 {strides = array<i32>} : memref<2x512xi32, #tpu.memory_space<vmem>>, vector<1x16xi32>,
      %get3A_1790 = arith.constant 1 : i32
      %get3A_1791 = arith.index_cast %get3A_1790 : i32 to index
      %get3A_1792 = arith.constant 464 : index
      %get3A_1793 = tpu.vector_load %arg6[%get3A_1791, %get3A_1792] {strides = array<i32>} : memref<2x512xi32, #tpu.memory_space<vmem>>, vector<1x16xi32>,
      %get3A_1794 = vector.shape_cast %get3A_1793 : vector<1x16xi32> to vector<16xi32>
      %convert_element_type3A_1795 = arith.sitofp %get3A_1794 : vector<16xi32> to vector<16xf32>
      %mul3A_1796 = arith.constant 2.000000e-02 : f32
      %mul3A_1797 = vector.broadcast %mul3A_1796 : f32 to vector<16xf32>
      %mul3A_1798 = arith.mulf %convert_element_type3A_1795, %mul3A_1797 : vector<16xf32>
      %convert_element_type3A_1799 = arith.fptosi %mul3A_1798 : vector<16xf32> to vector<16xi32>
      %mul3A_1800 = arith.constant 50 : i32
      %mul3A_1801 = vector.broadcast %mul3A_1800 : i32 to vector<16xi32>
      %mul3A_1802 = arith.muli %convert_element_type3A_1799, %mul3A_1801 : vector<16xi32>
      %sub3A_1803 = arith.subi %get3A_1794, %mul3A_1802 : vector<16xi32>
      %ge3A_1804 = arith.constant 50 : i32
      %ge3A_1805 = vector.broadcast %ge3A_1804 : i32 to vector<16xi32>
      %ge3A_1806 = arith.cmpi sge, %sub3A_1803, %ge3A_1805 : vector<16xi32>
      %sub3A_1807 = arith.constant 50 : i32
      %sub3A_1808 = vector.broadcast %sub3A_1807 : i32 to vector<16xi32>
      %sub3A_1809 = arith.subi %sub3A_1803, %sub3A_1808 : vector<16xi32>
      %select_n3A_1810 = arith.select %ge3A_1806, %sub3A_1809, %sub3A_1803 : vector<16xi1>, vector<16xi32>
      %swap3A_1811 = arith.constant 1 : i32
      %swap3A_1812 = arith.index_cast %swap3A_1811 : i32 to index
      %swap3A_1813 = arith.constant 464 : index
      %swap3A_1814 = tpu.vector_load %arg7[%swap3A_1812, %swap3A_1813] {strides = array<i32>} : memref<2x512xi32, #tpu.memory_space<vmem>>, vector<1x16xi32>,
      %swap3A_1815 = vector.shape_cast %swap3A_1814 : vector<1x16xi32> to vector<16xi32>
      %swap3A_1816 = vector.shape_cast %select_n3A_1810 : vector<16xi32> to vector<1x16xi32>
      tpu.vector_store %arg7[%swap3A_1812, %swap3A_1813], %swap3A_1816 {strides = array<i32>} : memref<2x512xi32, #tpu.memory_space<vmem>>, vector<1x16xi32>,
      %get3A_1817 = arith.constant 1 : i32
      %get3A_1818 = arith.index_cast %get3A_1817 : i32 to index
      %get3A_1819 = arith.constant 480 : index
      %get3A_1820 = tpu.vector_load %arg6[%get3A_1818, %get3A_1819] {strides = array<i32>} : memref<2x512xi32, #tpu.memory_space<vmem>>, vector<1x16xi32>,
      %get3A_1821 = vector.shape_cast %get3A_1820 : vector<1x16xi32> to vector<16xi32>
      %convert_element_type3A_1822 = arith.sitofp %get3A_1821 : vector<16xi32> to vector<16xf32>
      %mul3A_1823 = arith.constant 2.000000e-02 : f32
      %mul3A_1824 = vector.broadcast %mul3A_1823 : f32 to vector<16xf32>
      %mul3A_1825 = arith.mulf %convert_element_type3A_1822, %mul3A_1824 : vector<16xf32>
      %convert_element_type3A_1826 = arith.fptosi %mul3A_1825 : vector<16xf32> to vector<16xi32>
      %mul3A_1827 = arith.constant 50 : i32
      %mul3A_1828 = vector.broadcast %mul3A_1827 : i32 to vector<16xi32>
      %mul3A_1829 = arith.muli %convert_element_type3A_1826, %mul3A_1828 : vector<16xi32>
      %sub3A_1830 = arith.subi %get3A_1821, %mul3A_1829 : vector<16xi32>
      %ge3A_1831 = arith.constant 50 : i32
      %ge3A_1832 = vector.broadcast %ge3A_1831 : i32 to vector<16xi32>
      %ge3A_1833 = arith.cmpi sge, %sub3A_1830, %ge3A_1832 : vector<16xi32>
      %sub3A_1834 = arith.constant 50 : i32
      %sub3A_1835 = vector.broadcast %sub3A_1834 : i32 to vector<16xi32>
      %sub3A_1836 = arith.subi %sub3A_1830, %sub3A_1835 : vector<16xi32>
      %select_n3A_1837 = arith.select %ge3A_1833, %sub3A_1836, %sub3A_1830 : vector<16xi1>, vector<16xi32>
      %swap3A_1838 = arith.constant 1 : i32
      %swap3A_1839 = arith.index_cast %swap3A_1838 : i32 to index
      %swap3A_1840 = arith.constant 480 : index
      %swap3A_1841 = tpu.vector_load %arg7[%swap3A_1839, %swap3A_1840] {strides = array<i32>} : memref<2x512xi32, #tpu.memory_space<vmem>>, vector<1x16xi32>,
      %swap3A_1842 = vector.shape_cast %swap3A_1841 : vector<1x16xi32> to vector<16xi32>
      %swap3A_1843 = vector.shape_cast %select_n3A_1837 : vector<16xi32> to vector<1x16xi32>
      tpu.vector_store %arg7[%swap3A_1839, %swap3A_1840], %swap3A_1843 {strides = array<i32>} : memref<2x512xi32, #tpu.memory_space<vmem>>, vector<1x16xi32>,
      %get3A_1844 = arith.constant 1 : i32
      %get3A_1845 = arith.index_cast %get3A_1844 : i32 to index
      %get3A_1846 = arith.constant 496 : index
      %get3A_1847 = tpu.vector_load %arg6[%get3A_1845, %get3A_1846] {strides = array<i32>} : memref<2x512xi32, #tpu.memory_space<vmem>>, vector<1x16xi32>,
      %get3A_1848 = vector.shape_cast %get3A_1847 : vector<1x16xi32> to vector<16xi32>
      %convert_element_type3A_1849 = arith.sitofp %get3A_1848 : vector<16xi32> to vector<16xf32>
      %mul3A_1850 = arith.constant 2.000000e-02 : f32
      %mul3A_1851 = vector.broadcast %mul3A_1850 : f32 to vector<16xf32>
      %mul3A_1852 = arith.mulf %convert_element_type3A_1849, %mul3A_1851 : vector<16xf32>
      %convert_element_type3A_1853 = arith.fptosi %mul3A_1852 : vector<16xf32> to vector<16xi32>
      %mul3A_1854 = arith.constant 50 : i32
      %mul3A_1855 = vector.broadcast %mul3A_1854 : i32 to vector<16xi32>
      %mul3A_1856 = arith.muli %convert_element_type3A_1853, %mul3A_1855 : vector<16xi32>
      %sub3A_1857 = arith.subi %get3A_1848, %mul3A_1856 : vector<16xi32>
      %ge3A_1858 = arith.constant 50 : i32
      %ge3A_1859 = vector.broadcast %ge3A_1858 : i32 to vector<16xi32>
      %ge3A_1860 = arith.cmpi sge, %sub3A_1857, %ge3A_1859 : vector<16xi32>
      %sub3A_1861 = arith.constant 50 : i32
      %sub3A_1862 = vector.broadcast %sub3A_1861 : i32 to vector<16xi32>
      %sub3A_1863 = arith.subi %sub3A_1857, %sub3A_1862 : vector<16xi32>
      %select_n3A_1864 = arith.select %ge3A_1860, %sub3A_1863, %sub3A_1857 : vector<16xi1>, vector<16xi32>
      %swap3A_1865 = arith.constant 1 : i32
      %swap3A_1866 = arith.index_cast %swap3A_1865 : i32 to index
      %swap3A_1867 = arith.constant 496 : index
      %swap3A_1868 = tpu.vector_load %arg7[%swap3A_1866, %swap3A_1867] {strides = array<i32>} : memref<2x512xi32, #tpu.memory_space<vmem>>, vector<1x16xi32>,
      %swap3A_1869 = vector.shape_cast %swap3A_1868 : vector<1x16xi32> to vector<16xi32>
      %swap3A_1870 = vector.shape_cast %select_n3A_1864 : vector<16xi32> to vector<1x16xi32>
      tpu.vector_store %arg7[%swap3A_1866, %swap3A_1867], %swap3A_1870 {strides = array<i32>} : memref<2x512xi32, #tpu.memory_space<vmem>>, vector<1x16xi32>,
      %dma_start3A_1871 = arith.constant 1 : i32
      %dma_start3A_1872 = arith.constant 1 : i32
      %dma_start3A_1873 = arith.constant 0 : i32
      %dma_start3A_1874 = arith.constant 0 : i32
      %dma_start3A_1875 = tpu.memref_slice %arg8[%dma_start3A_1872, %dma_start3A_1873, %dma_start3A_1874] : memref<2x512x64xf32, #tpu.memory_space<vmem>> -> memref<1x512x64xf32, #tpu.memory_space<vmem>>
      %dma_start3A_1876 = tpu.memref_squeeze %dma_start3A_1875 : memref<1x512x64xf32, #tpu.memory_space<vmem>> -> memref<512x64xf32, #tpu.memory_space<vmem>>
      %dma_start3A_1877 = arith.constant 0 : i32
      %dma_start3A_1878 = tpu.memref_slice %arg6[%dma_start3A_1871, %dma_start3A_1877] : memref<2x512xi32, #tpu.memory_space<vmem>> -> memref<1x512xi32, #tpu.memory_space<vmem>>
      %dma_start3A_1879 = tpu.memref_squeeze %dma_start3A_1878 : memref<1x512xi32, #tpu.memory_space<vmem>> -> memref<512xi32, #tpu.memory_space<vmem>>
      %dma_start3A_1880 = arith.constant 0 : i32
      %dma_start3A_1881 = arith.constant 0 : i32
      %dma_start3A_1882 = tpu.memref_slice %arg3[%dma_start3A_1880, %dma_start3A_1881] : memref<1000000x64xf32, #tpu.memory_space<hbm>> -> memref<1000000x64xf32, #tpu.memory_space<hbm>>
      tpu.enqueue_indirect_dma source(%dma_start3A_1882 : memref<1000000x64xf32, #tpu.memory_space<hbm>>) target(%dma_start3A_1876 : memref<512x64xf32, #tpu.memory_space<vmem>>) offsets(%dma_start3A_1879 : memref<512xi32, #tpu.memory_space<vmem>>) semaphore(%arg13 : memref<!tpu.dma_semaphore, #tpu.memory_space<semaphore_mem>>)
      %dma_start3A_1883 = arith.constant 1 : i32
      %dma_start3A_1884 = arith.constant 1 : i32
      %dma_start3A_1885 = arith.constant 0 : i32
      %dma_start3A_1886 = arith.constant 0 : i32
      %dma_start3A_1887 = tpu.memref_slice %arg9[%dma_start3A_1884, %dma_start3A_1885, %dma_start3A_1886] : memref<2x512x32xf32, #tpu.memory_space<vmem>> -> memref<1x512x32xf32, #tpu.memory_space<vmem>>
      %dma_start3A_1888 = tpu.memref_squeeze %dma_start3A_1887 : memref<1x512x32xf32, #tpu.memory_space<vmem>> -> memref<512x32xf32, #tpu.memory_space<vmem>>
      %dma_start3A_1889 = arith.constant 0 : i32
      %dma_start3A_1890 = tpu.memref_slice %arg7[%dma_start3A_1883, %dma_start3A_1889] : memref<2x512xi32, #tpu.memory_space<vmem>> -> memref<1x512xi32, #tpu.memory_space<vmem>>
      %dma_start3A_1891 = tpu.memref_squeeze %dma_start3A_1890 : memref<1x512xi32, #tpu.memory_space<vmem>> -> memref<512xi32, #tpu.memory_space<vmem>>
      %dma_start3A_1892 = arith.constant 0 : i32
      %dma_start3A_1893 = arith.constant 0 : i32
      %dma_start3A_1894 = tpu.memref_slice %arg4[%dma_start3A_1892, %dma_start3A_1893] : memref<50x32xf32, #tpu.memory_space<hbm>> -> memref<50x32xf32, #tpu.memory_space<hbm>>
      tpu.enqueue_indirect_dma source(%dma_start3A_1894 : memref<50x32xf32, #tpu.memory_space<hbm>>) target(%dma_start3A_1888 : memref<512x32xf32, #tpu.memory_space<vmem>>) offsets(%dma_start3A_1891 : memref<512xi32, #tpu.memory_space<vmem>>) semaphore(%arg13 : memref<!tpu.dma_semaphore, #tpu.memory_space<semaphore_mem>>)
      %mul3A_1895 = arith.constant 2 : i32
      %mul3A_1896 = arith.muli %mul3A_1895, %scan3A_84 : i32
      %add3A_1897 = arith.constant 0 : i32
      %add3A_1898 = arith.addi %mul3A_1896, %add3A_1897 : i32
      %mul3A_1899 = arith.constant 512 : i32
      %mul3A_1900 = arith.muli %add3A_1898, %mul3A_1899 : i32
      %add3A_1901 = arith.addi %mul3A_2, %mul3A_1900 : i32
      %dma_wait3A_1902 = arith.constant 0 : i32
      %dma_wait3A_1903 = arith.constant 0 : i32
      %dma_wait3A_1904 = arith.constant 0 : i32
      %dma_wait3A_1905 = arith.constant 0 : i32
      %dma_wait3A_1906 = tpu.memref_slice %arg8[%dma_wait3A_1903, %dma_wait3A_1904, %dma_wait3A_1905] : memref<2x512x64xf32, #tpu.memory_space<vmem>> -> memref<1x512x64xf32, #tpu.memory_space<vmem>>
      %dma_wait3A_1907 = tpu.memref_squeeze %dma_wait3A_1906 : memref<1x512x64xf32, #tpu.memory_space<vmem>> -> memref<512x64xf32, #tpu.memory_space<vmem>>
      %dma_wait3A_1908 = arith.constant 0 : i32
      %dma_wait3A_1909 = tpu.memref_slice %arg6[%dma_wait3A_1902, %dma_wait3A_1908] : memref<2x512xi32, #tpu.memory_space<vmem>> -> memref<1x512xi32, #tpu.memory_space<vmem>>
      %dma_wait3A_1910 = tpu.memref_squeeze %dma_wait3A_1909 : memref<1x512xi32, #tpu.memory_space<vmem>> -> memref<512xi32, #tpu.memory_space<vmem>>
      %dma_wait3A_1911 = arith.constant 0 : i32
      %dma_wait3A_1912 = arith.constant 0 : i32
      %dma_wait3A_1913 = tpu.memref_slice %arg3[%dma_wait3A_1911, %dma_wait3A_1912] : memref<1000000x64xf32, #tpu.memory_space<hbm>> -> memref<1000000x64xf32, #tpu.memory_space<hbm>>
      tpu.wait_indirect_dma semaphore(%arg12 : memref<!tpu.dma_semaphore, #tpu.memory_space<semaphore_mem>>) src(%dma_wait3A_1913 : memref<1000000x64xf32, #tpu.memory_space<hbm>>) dst(%dma_wait3A_1907 : memref<512x64xf32, #tpu.memory_space<vmem>>)
      %dma_wait3A_1914 = arith.constant 0 : i32
      %dma_wait3A_1915 = arith.constant 0 : i32
      %dma_wait3A_1916 = arith.constant 0 : i32
      %dma_wait3A_1917 = arith.constant 0 : i32
      %dma_wait3A_1918 = tpu.memref_slice %arg9[%dma_wait3A_1915, %dma_wait3A_1916, %dma_wait3A_1917] : memref<2x512x32xf32, #tpu.memory_space<vmem>> -> memref<1x512x32xf32, #tpu.memory_space<vmem>>
      %dma_wait3A_1919 = tpu.memref_squeeze %dma_wait3A_1918 : memref<1x512x32xf32, #tpu.memory_space<vmem>> -> memref<512x32xf32, #tpu.memory_space<vmem>>
      %dma_wait3A_1920 = arith.constant 0 : i32
      %dma_wait3A_1921 = tpu.memref_slice %arg7[%dma_wait3A_1914, %dma_wait3A_1920] : memref<2x512xi32, #tpu.memory_space<vmem>> -> memref<1x512xi32, #tpu.memory_space<vmem>>
      %dma_wait3A_1922 = tpu.memref_squeeze %dma_wait3A_1921 : memref<1x512xi32, #tpu.memory_space<vmem>> -> memref<512xi32, #tpu.memory_space<vmem>>
      %dma_wait3A_1923 = arith.constant 0 : i32
      %dma_wait3A_1924 = arith.constant 0 : i32
      %dma_wait3A_1925 = tpu.memref_slice %arg4[%dma_wait3A_1923, %dma_wait3A_1924] : memref<50x32xf32, #tpu.memory_space<hbm>> -> memref<50x32xf32, #tpu.memory_space<hbm>>
      tpu.wait_indirect_dma semaphore(%arg12 : memref<!tpu.dma_semaphore, #tpu.memory_space<semaphore_mem>>) src(%dma_wait3A_1925 : memref<50x32xf32, #tpu.memory_space<hbm>>) dst(%dma_wait3A_1919 : memref<512x32xf32, #tpu.memory_space<vmem>>)
      %lt3A = arith.constant 24 : i32
      %lt3A_1926 = arith.cmpi slt, %scan3A_84, %lt3A : i32
      %convert_element_type3A_1927 = arith.extui %lt3A_1926 : i1 to i32
      %cond3A_1928 = arith.constant 0 : i32
      %cond3A_1929 = arith.cmpi ne, %convert_element_type3A_1927, %cond3A_1928 : i32
      scf.if %cond3A_1929 {
        %add3A_2018 = arith.constant 1024 : i32
        %add3A_2019 = arith.addi %add3A_1901, %add3A_2018 : i32
        %dma_start3A_2020 = arith.constant 0 : i32
        %dma_start3A_2021 = arith.constant 0 : i32
        %dma_start3A_2022 = tpu.memref_slice %arg6[%dma_start3A_2020, %dma_start3A_2021] : memref<2x512xi32, #tpu.memory_space<vmem>> -> memref<1x512xi32, #tpu.memory_space<vmem>>
        %dma_start3A_2023 = tpu.memref_squeeze %dma_start3A_2022 : memref<1x512xi32, #tpu.memory_space<vmem>> -> memref<512xi32, #tpu.memory_space<vmem>>
        %dma_start3A_2024 = tpu.memref_slice %arg2[%add3A_2019] : memref<819200xi32, #tpu.memory_space<hbm>> -> memref<512xi32, #tpu.memory_space<hbm>>
        %dma_start3A_2025 = arith.constant 0 : i32
        %dma_start3A_2026 = tpu.memref_slice %arg6[%dma_start3A_2020, %dma_start3A_2025] : memref<2x512xi32, #tpu.memory_space<vmem>> -> memref<1x512xi32, #tpu.memory_space<vmem>>
        %dma_start3A_2027 = tpu.memref_squeeze %dma_start3A_2026 : memref<1x512xi32, #tpu.memory_space<vmem>> -> memref<512xi32, #tpu.memory_space<vmem>>
        %dma_start3A_2028 = tpu.memref_slice %arg2[%add3A_2019] : memref<819200xi32, #tpu.memory_space<hbm>> -> memref<512xi32, #tpu.memory_space<hbm>>
        tpu.enqueue_dma source(%dma_start3A_2028 : memref<512xi32, #tpu.memory_space<hbm>>) target(%dma_start3A_2027 : memref<512xi32, #tpu.memory_space<vmem>>) target_semaphore(%arg10 : memref<!tpu.dma_semaphore, #tpu.memory_space<semaphore_mem>>)
      } else {
      }
      %dma_start3A_1930 = arith.constant 0 : i32
      %dma_start3A_1931 = arith.constant 0 : i32
      %dma_start3A_1932 = arith.constant 0 : i32
      %dma_start3A_1933 = tpu.memref_slice %arg8[%dma_start3A_1930, %dma_start3A_1931, %dma_start3A_1932] : memref<2x512x64xf32, #tpu.memory_space<vmem>> -> memref<1x512x64xf32, #tpu.memory_space<vmem>>
      %dma_start3A_1934 = tpu.memref_squeeze %dma_start3A_1933 : memref<1x512x64xf32, #tpu.memory_space<vmem>> -> memref<512x64xf32, #tpu.memory_space<vmem>>
      %dma_start3A_1935 = arith.constant 0 : i32
      %dma_start3A_1936 = tpu.memref_slice %arg5[%add3A_1901, %dma_start3A_1935] : memref<819200x96xf32, #tpu.memory_space<hbm>> -> memref<512x64xf32, #tpu.memory_space<hbm>>
      %dma_start3A_1937 = arith.constant 0 : i32
      %dma_start3A_1938 = tpu.memref_slice %arg5[%add3A_1901, %dma_start3A_1937] : memref<819200x96xf32, #tpu.memory_space<hbm>> -> memref<512x64xf32, #tpu.memory_space<hbm>>
      %dma_start3A_1939 = arith.constant 0 : i32
      %dma_start3A_1940 = arith.constant 0 : i32
      %dma_start3A_1941 = tpu.memref_slice %arg8[%dma_start3A_1930, %dma_start3A_1939, %dma_start3A_1940] : memref<2x512x64xf32, #tpu.memory_space<vmem>> -> memref<1x512x64xf32, #tpu.memory_space<vmem>>
      %dma_start3A_1942 = tpu.memref_squeeze %dma_start3A_1941 : memref<1x512x64xf32, #tpu.memory_space<vmem>> -> memref<512x64xf32, #tpu.memory_space<vmem>>
      tpu.enqueue_dma source(%dma_start3A_1942 : memref<512x64xf32, #tpu.memory_space<vmem>>) target(%dma_start3A_1938 : memref<512x64xf32, #tpu.memory_space<hbm>>) target_semaphore(%arg14 : memref<!tpu.dma_semaphore, #tpu.memory_space<semaphore_mem>>)
      %dma_start3A_1943 = arith.constant 0 : i32
      %dma_start3A_1944 = arith.constant 0 : i32
      %dma_start3A_1945 = arith.constant 0 : i32
      %dma_start3A_1946 = tpu.memref_slice %arg9[%dma_start3A_1943, %dma_start3A_1944, %dma_start3A_1945] : memref<2x512x32xf32, #tpu.memory_space<vmem>> -> memref<1x512x32xf32, #tpu.memory_space<vmem>>
      %dma_start3A_1947 = tpu.memref_squeeze %dma_start3A_1946 : memref<1x512x32xf32, #tpu.memory_space<vmem>> -> memref<512x32xf32, #tpu.memory_space<vmem>>
      %dma_start3A_1948 = arith.constant 64 : i32
      %dma_start3A_1949 = tpu.memref_slice %arg5[%add3A_1901, %dma_start3A_1948] : memref<819200x96xf32, #tpu.memory_space<hbm>> -> memref<512x32xf32, #tpu.memory_space<hbm>>
      %dma_start3A_1950 = arith.constant 64 : i32
      %dma_start3A_1951 = tpu.memref_slice %arg5[%add3A_1901, %dma_start3A_1950] : memref<819200x96xf32, #tpu.memory_space<hbm>> -> memref<512x32xf32, #tpu.memory_space<hbm>>
      %dma_start3A_1952 = arith.constant 0 : i32
      %dma_start3A_1953 = arith.constant 0 : i32
      %dma_start3A_1954 = tpu.memref_slice %arg9[%dma_start3A_1943, %dma_start3A_1952, %dma_start3A_1953] : memref<2x512x32xf32, #tpu.memory_space<vmem>> -> memref<1x512x32xf32, #tpu.memory_space<vmem>>
      %dma_start3A_1955 = tpu.memref_squeeze %dma_start3A_1954 : memref<1x512x32xf32, #tpu.memory_space<vmem>> -> memref<512x32xf32, #tpu.memory_space<vmem>>
      tpu.enqueue_dma source(%dma_start3A_1955 : memref<512x32xf32, #tpu.memory_space<vmem>>) target(%dma_start3A_1951 : memref<512x32xf32, #tpu.memory_space<hbm>>) target_semaphore(%arg14 : memref<!tpu.dma_semaphore, #tpu.memory_space<semaphore_mem>>)
      %mul3A_1956 = arith.constant 2 : i32
      %mul3A_1957 = arith.muli %mul3A_1956, %scan3A_84 : i32
      %add3A_1958 = arith.constant 1 : i32
      %add3A_1959 = arith.addi %mul3A_1957, %add3A_1958 : i32
      %mul3A_1960 = arith.constant 512 : i32
      %mul3A_1961 = arith.muli %add3A_1959, %mul3A_1960 : i32
      %add3A_1962 = arith.addi %mul3A_2, %mul3A_1961 : i32
      %dma_wait3A_1963 = arith.constant 1 : i32
      %dma_wait3A_1964 = arith.constant 1 : i32
      %dma_wait3A_1965 = arith.constant 0 : i32
      %dma_wait3A_1966 = arith.constant 0 : i32
      %dma_wait3A_1967 = tpu.memref_slice %arg8[%dma_wait3A_1964, %dma_wait3A_1965, %dma_wait3A_1966] : memref<2x512x64xf32, #tpu.memory_space<vmem>> -> memref<1x512x64xf32, #tpu.memory_space<vmem>>
      %dma_wait3A_1968 = tpu.memref_squeeze %dma_wait3A_1967 : memref<1x512x64xf32, #tpu.memory_space<vmem>> -> memref<512x64xf32, #tpu.memory_space<vmem>>
      %dma_wait3A_1969 = arith.constant 0 : i32
      %dma_wait3A_1970 = tpu.memref_slice %arg6[%dma_wait3A_1963, %dma_wait3A_1969] : memref<2x512xi32, #tpu.memory_space<vmem>> -> memref<1x512xi32, #tpu.memory_space<vmem>>
      %dma_wait3A_1971 = tpu.memref_squeeze %dma_wait3A_1970 : memref<1x512xi32, #tpu.memory_space<vmem>> -> memref<512xi32, #tpu.memory_space<vmem>>
      %dma_wait3A_1972 = arith.constant 0 : i32
      %dma_wait3A_1973 = arith.constant 0 : i32
      %dma_wait3A_1974 = tpu.memref_slice %arg3[%dma_wait3A_1972, %dma_wait3A_1973] : memref<1000000x64xf32, #tpu.memory_space<hbm>> -> memref<1000000x64xf32, #tpu.memory_space<hbm>>
      tpu.wait_indirect_dma semaphore(%arg13 : memref<!tpu.dma_semaphore, #tpu.memory_space<semaphore_mem>>) src(%dma_wait3A_1974 : memref<1000000x64xf32, #tpu.memory_space<hbm>>) dst(%dma_wait3A_1968 : memref<512x64xf32, #tpu.memory_space<vmem>>)
      %dma_wait3A_1975 = arith.constant 1 : i32
      %dma_wait3A_1976 = arith.constant 1 : i32
      %dma_wait3A_1977 = arith.constant 0 : i32
      %dma_wait3A_1978 = arith.constant 0 : i32
      %dma_wait3A_1979 = tpu.memref_slice %arg9[%dma_wait3A_1976, %dma_wait3A_1977, %dma_wait3A_1978] : memref<2x512x32xf32, #tpu.memory_space<vmem>> -> memref<1x512x32xf32, #tpu.memory_space<vmem>>
      %dma_wait3A_1980 = tpu.memref_squeeze %dma_wait3A_1979 : memref<1x512x32xf32, #tpu.memory_space<vmem>> -> memref<512x32xf32, #tpu.memory_space<vmem>>
      %dma_wait3A_1981 = arith.constant 0 : i32
      %dma_wait3A_1982 = tpu.memref_slice %arg7[%dma_wait3A_1975, %dma_wait3A_1981] : memref<2x512xi32, #tpu.memory_space<vmem>> -> memref<1x512xi32, #tpu.memory_space<vmem>>
      %dma_wait3A_1983 = tpu.memref_squeeze %dma_wait3A_1982 : memref<1x512xi32, #tpu.memory_space<vmem>> -> memref<512xi32, #tpu.memory_space<vmem>>
      %dma_wait3A_1984 = arith.constant 0 : i32
      %dma_wait3A_1985 = arith.constant 0 : i32
      %dma_wait3A_1986 = tpu.memref_slice %arg4[%dma_wait3A_1984, %dma_wait3A_1985] : memref<50x32xf32, #tpu.memory_space<hbm>> -> memref<50x32xf32, #tpu.memory_space<hbm>>
      tpu.wait_indirect_dma semaphore(%arg13 : memref<!tpu.dma_semaphore, #tpu.memory_space<semaphore_mem>>) src(%dma_wait3A_1986 : memref<50x32xf32, #tpu.memory_space<hbm>>) dst(%dma_wait3A_1980 : memref<512x32xf32, #tpu.memory_space<vmem>>)
      %lt3A_1987 = arith.constant 24 : i32
      %lt3A_1988 = arith.cmpi slt, %scan3A_84, %lt3A_1987 : i32
      %convert_element_type3A_1989 = arith.extui %lt3A_1988 : i1 to i32
      %cond3A_1990 = arith.constant 0 : i32
      %cond3A_1991 = arith.cmpi ne, %convert_element_type3A_1989, %cond3A_1990 : i32
      scf.if %cond3A_1991 {
        %add3A_2018 = arith.constant 1024 : i32
        %add3A_2019 = arith.addi %add3A_1962, %add3A_2018 : i32
        %dma_start3A_2020 = arith.constant 1 : i32
        %dma_start3A_2021 = arith.constant 0 : i32
        %dma_start3A_2022 = tpu.memref_slice %arg6[%dma_start3A_2020, %dma_start3A_2021] : memref<2x512xi32, #tpu.memory_space<vmem>> -> memref<1x512xi32, #tpu.memory_space<vmem>>
        %dma_start3A_2023 = tpu.memref_squeeze %dma_start3A_2022 : memref<1x512xi32, #tpu.memory_space<vmem>> -> memref<512xi32, #tpu.memory_space<vmem>>
        %dma_start3A_2024 = tpu.memref_slice %arg2[%add3A_2019] : memref<819200xi32, #tpu.memory_space<hbm>> -> memref<512xi32, #tpu.memory_space<hbm>>
        %dma_start3A_2025 = arith.constant 0 : i32
        %dma_start3A_2026 = tpu.memref_slice %arg6[%dma_start3A_2020, %dma_start3A_2025] : memref<2x512xi32, #tpu.memory_space<vmem>> -> memref<1x512xi32, #tpu.memory_space<vmem>>
        %dma_start3A_2027 = tpu.memref_squeeze %dma_start3A_2026 : memref<1x512xi32, #tpu.memory_space<vmem>> -> memref<512xi32, #tpu.memory_space<vmem>>
        %dma_start3A_2028 = tpu.memref_slice %arg2[%add3A_2019] : memref<819200xi32, #tpu.memory_space<hbm>> -> memref<512xi32, #tpu.memory_space<hbm>>
        tpu.enqueue_dma source(%dma_start3A_2028 : memref<512xi32, #tpu.memory_space<hbm>>) target(%dma_start3A_2027 : memref<512xi32, #tpu.memory_space<vmem>>) target_semaphore(%arg11 : memref<!tpu.dma_semaphore, #tpu.memory_space<semaphore_mem>>)
      } else {
      }
      %dma_start3A_1992 = arith.constant 1 : i32
      %dma_start3A_1993 = arith.constant 0 : i32
      %dma_start3A_1994 = arith.constant 0 : i32
      %dma_start3A_1995 = tpu.memref_slice %arg8[%dma_start3A_1992, %dma_start3A_1993, %dma_start3A_1994] : memref<2x512x64xf32, #tpu.memory_space<vmem>> -> memref<1x512x64xf32, #tpu.memory_space<vmem>>
      %dma_start3A_1996 = tpu.memref_squeeze %dma_start3A_1995 : memref<1x512x64xf32, #tpu.memory_space<vmem>> -> memref<512x64xf32, #tpu.memory_space<vmem>>
      %dma_start3A_1997 = arith.constant 0 : i32
      %dma_start3A_1998 = tpu.memref_slice %arg5[%add3A_1962, %dma_start3A_1997] : memref<819200x96xf32, #tpu.memory_space<hbm>> -> memref<512x64xf32, #tpu.memory_space<hbm>>
      %dma_start3A_1999 = arith.constant 0 : i32
      %dma_start3A_2000 = tpu.memref_slice %arg5[%add3A_1962, %dma_start3A_1999] : memref<819200x96xf32, #tpu.memory_space<hbm>> -> memref<512x64xf32, #tpu.memory_space<hbm>>
      %dma_start3A_2001 = arith.constant 0 : i32
      %dma_start3A_2002 = arith.constant 0 : i32
      %dma_start3A_2003 = tpu.memref_slice %arg8[%dma_start3A_1992, %dma_start3A_2001, %dma_start3A_2002] : memref<2x512x64xf32, #tpu.memory_space<vmem>> -> memref<1x512x64xf32, #tpu.memory_space<vmem>>
      %dma_start3A_2004 = tpu.memref_squeeze %dma_start3A_2003 : memref<1x512x64xf32, #tpu.memory_space<vmem>> -> memref<512x64xf32, #tpu.memory_space<vmem>>
      tpu.enqueue_dma source(%dma_start3A_2004 : memref<512x64xf32, #tpu.memory_space<vmem>>) target(%dma_start3A_2000 : memref<512x64xf32, #tpu.memory_space<hbm>>) target_semaphore(%arg15 : memref<!tpu.dma_semaphore, #tpu.memory_space<semaphore_mem>>)
      %dma_start3A_2005 = arith.constant 1 : i32
      %dma_start3A_2006 = arith.constant 0 : i32
      %dma_start3A_2007 = arith.constant 0 : i32
      %dma_start3A_2008 = tpu.memref_slice %arg9[%dma_start3A_2005, %dma_start3A_2006, %dma_start3A_2007] : memref<2x512x32xf32, #tpu.memory_space<vmem>> -> memref<1x512x32xf32, #tpu.memory_space<vmem>>
      %dma_start3A_2009 = tpu.memref_squeeze %dma_start3A_2008 : memref<1x512x32xf32, #tpu.memory_space<vmem>> -> memref<512x32xf32, #tpu.memory_space<vmem>>
      %dma_start3A_2010 = arith.constant 64 : i32
      %dma_start3A_2011 = tpu.memref_slice %arg5[%add3A_1962, %dma_start3A_2010] : memref<819200x96xf32, #tpu.memory_space<hbm>> -> memref<512x32xf32, #tpu.memory_space<hbm>>
      %dma_start3A_2012 = arith.constant 64 : i32
      %dma_start3A_2013 = tpu.memref_slice %arg5[%add3A_1962, %dma_start3A_2012] : memref<819200x96xf32, #tpu.memory_space<hbm>> -> memref<512x32xf32, #tpu.memory_space<hbm>>
      %dma_start3A_2014 = arith.constant 0 : i32
      %dma_start3A_2015 = arith.constant 0 : i32
      %dma_start3A_2016 = tpu.memref_slice %arg9[%dma_start3A_2005, %dma_start3A_2014, %dma_start3A_2015] : memref<2x512x32xf32, #tpu.memory_space<vmem>> -> memref<1x512x32xf32, #tpu.memory_space<vmem>>
      %dma_start3A_2017 = tpu.memref_squeeze %dma_start3A_2016 : memref<1x512x32xf32, #tpu.memory_space<vmem>> -> memref<512x32xf32, #tpu.memory_space<vmem>>
      tpu.enqueue_dma source(%dma_start3A_2017 : memref<512x32xf32, #tpu.memory_space<vmem>>) target(%dma_start3A_2013 : memref<512x32xf32, #tpu.memory_space<hbm>>) target_semaphore(%arg15 : memref<!tpu.dma_semaphore, #tpu.memory_space<semaphore_mem>>)
    }
    %scan3A_28 = arith.constant 25 : i32
    %add3A_29 = arith.constant 24576 : i32
    %add3A_30 = arith.addi %mul3A_2, %add3A_29 : i32
    %dma_wait3A = arith.constant 0 : i32
    %dma_wait3A_31 = arith.constant 0 : i32
    %dma_wait3A_32 = arith.constant 0 : i32
    %dma_wait3A_33 = tpu.memref_slice %arg8[%dma_wait3A, %dma_wait3A_31, %dma_wait3A_32] : memref<2x512x64xf32, #tpu.memory_space<vmem>> -> memref<1x512x64xf32, #tpu.memory_space<vmem>>
    %dma_wait3A_34 = tpu.memref_squeeze %dma_wait3A_33 : memref<1x512x64xf32, #tpu.memory_space<vmem>> -> memref<512x64xf32, #tpu.memory_space<vmem>>
    %dma_wait3A_35 = arith.constant 0 : i32
    %dma_wait3A_36 = tpu.memref_slice %arg5[%add3A_30, %dma_wait3A_35] : memref<819200x96xf32, #tpu.memory_space<hbm>> -> memref<512x64xf32, #tpu.memory_space<hbm>>
    %dma_wait3A_37 = arith.constant 0 : i32
    %dma_wait3A_38 = tpu.memref_slice %arg5[%add3A_30, %dma_wait3A_37] : memref<819200x96xf32, #tpu.memory_space<hbm>> -> memref<512x64xf32, #tpu.memory_space<hbm>>
    %dma_wait3A_39 = arith.constant 0 : i32
    %dma_wait3A_40 = arith.constant 0 : i32
    %dma_wait3A_41 = tpu.memref_slice %arg8[%dma_wait3A, %dma_wait3A_39, %dma_wait3A_40] : memref<2x512x64xf32, #tpu.memory_space<vmem>> -> memref<1x512x64xf32, #tpu.memory_space<vmem>>
    %dma_wait3A_42 = tpu.memref_squeeze %dma_wait3A_41 : memref<1x512x64xf32, #tpu.memory_space<vmem>> -> memref<512x64xf32, #tpu.memory_space<vmem>>
    tpu.wait_dma2 semaphore(%arg14 : memref<!tpu.dma_semaphore, #tpu.memory_space<semaphore_mem>>) src(%dma_wait3A_42 : memref<512x64xf32, #tpu.memory_space<vmem>>) dst(%dma_wait3A_38 : memref<512x64xf32, #tpu.memory_space<hbm>>)
    %dma_wait3A_43 = arith.constant 0 : i32
    %dma_wait3A_44 = arith.constant 0 : i32
    %dma_wait3A_45 = arith.constant 0 : i32
    %dma_wait3A_46 = tpu.memref_slice %arg9[%dma_wait3A_43, %dma_wait3A_44, %dma_wait3A_45] : memref<2x512x32xf32, #tpu.memory_space<vmem>> -> memref<1x512x32xf32, #tpu.memory_space<vmem>>
    %dma_wait3A_47 = tpu.memref_squeeze %dma_wait3A_46 : memref<1x512x32xf32, #tpu.memory_space<vmem>> -> memref<512x32xf32, #tpu.memory_space<vmem>>
    %dma_wait3A_48 = arith.constant 64 : i32
    %dma_wait3A_49 = tpu.memref_slice %arg5[%add3A_30, %dma_wait3A_48] : memref<819200x96xf32, #tpu.memory_space<hbm>> -> memref<512x32xf32, #tpu.memory_space<hbm>>
    %dma_wait3A_50 = arith.constant 64 : i32
    %dma_wait3A_51 = tpu.memref_slice %arg5[%add3A_30, %dma_wait3A_50] : memref<819200x96xf32, #tpu.memory_space<hbm>> -> memref<512x32xf32, #tpu.memory_space<hbm>>
    %dma_wait3A_52 = arith.constant 0 : i32
    %dma_wait3A_53 = arith.constant 0 : i32
    %dma_wait3A_54 = tpu.memref_slice %arg9[%dma_wait3A_43, %dma_wait3A_52, %dma_wait3A_53] : memref<2x512x32xf32, #tpu.memory_space<vmem>> -> memref<1x512x32xf32, #tpu.memory_space<vmem>>
    %dma_wait3A_55 = tpu.memref_squeeze %dma_wait3A_54 : memref<1x512x32xf32, #tpu.memory_space<vmem>> -> memref<512x32xf32, #tpu.memory_space<vmem>>
    tpu.wait_dma2 semaphore(%arg14 : memref<!tpu.dma_semaphore, #tpu.memory_space<semaphore_mem>>) src(%dma_wait3A_55 : memref<512x32xf32, #tpu.memory_space<vmem>>) dst(%dma_wait3A_51 : memref<512x32xf32, #tpu.memory_space<hbm>>)
    %add3A_56 = arith.constant 25088 : i32
    %add3A_57 = arith.addi %mul3A_2, %add3A_56 : i32
    %dma_wait3A_58 = arith.constant 1 : i32
    %dma_wait3A_59 = arith.constant 0 : i32
    %dma_wait3A_60 = arith.constant 0 : i32
    %dma_wait3A_61 = tpu.memref_slice %arg8[%dma_wait3A_58, %dma_wait3A_59, %dma_wait3A_60] : memref<2x512x64xf32, #tpu.memory_space<vmem>> -> memref<1x512x64xf32, #tpu.memory_space<vmem>>
    %dma_wait3A_62 = tpu.memref_squeeze %dma_wait3A_61 : memref<1x512x64xf32, #tpu.memory_space<vmem>> -> memref<512x64xf32, #tpu.memory_space<vmem>>
    %dma_wait3A_63 = arith.constant 0 : i32
    %dma_wait3A_64 = tpu.memref_slice %arg5[%add3A_57, %dma_wait3A_63] : memref<819200x96xf32, #tpu.memory_space<hbm>> -> memref<512x64xf32, #tpu.memory_space<hbm>>
    %dma_wait3A_65 = arith.constant 0 : i32
    %dma_wait3A_66 = tpu.memref_slice %arg5[%add3A_57, %dma_wait3A_65] : memref<819200x96xf32, #tpu.memory_space<hbm>> -> memref<512x64xf32, #tpu.memory_space<hbm>>
    %dma_wait3A_67 = arith.constant 0 : i32
    %dma_wait3A_68 = arith.constant 0 : i32
    %dma_wait3A_69 = tpu.memref_slice %arg8[%dma_wait3A_58, %dma_wait3A_67, %dma_wait3A_68] : memref<2x512x64xf32, #tpu.memory_space<vmem>> -> memref<1x512x64xf32, #tpu.memory_space<vmem>>
    %dma_wait3A_70 = tpu.memref_squeeze %dma_wait3A_69 : memref<1x512x64xf32, #tpu.memory_space<vmem>> -> memref<512x64xf32, #tpu.memory_space<vmem>>
    tpu.wait_dma2 semaphore(%arg15 : memref<!tpu.dma_semaphore, #tpu.memory_space<semaphore_mem>>) src(%dma_wait3A_70 : memref<512x64xf32, #tpu.memory_space<vmem>>) dst(%dma_wait3A_66 : memref<512x64xf32, #tpu.memory_space<hbm>>)
    %dma_wait3A_71 = arith.constant 1 : i32
    %dma_wait3A_72 = arith.constant 0 : i32
    %dma_wait3A_73 = arith.constant 0 : i32
    %dma_wait3A_74 = tpu.memref_slice %arg9[%dma_wait3A_71, %dma_wait3A_72, %dma_wait3A_73] : memref<2x512x32xf32, #tpu.memory_space<vmem>> -> memref<1x512x32xf32, #tpu.memory_space<vmem>>
    %dma_wait3A_75 = tpu.memref_squeeze %dma_wait3A_74 : memref<1x512x32xf32, #tpu.memory_space<vmem>> -> memref<512x32xf32, #tpu.memory_space<vmem>>
    %dma_wait3A_76 = arith.constant 64 : i32
    %dma_wait3A_77 = tpu.memref_slice %arg5[%add3A_57, %dma_wait3A_76] : memref<819200x96xf32, #tpu.memory_space<hbm>> -> memref<512x32xf32, #tpu.memory_space<hbm>>
    %dma_wait3A_78 = arith.constant 64 : i32
    %dma_wait3A_79 = tpu.memref_slice %arg5[%add3A_57, %dma_wait3A_78] : memref<819200x96xf32, #tpu.memory_space<hbm>> -> memref<512x32xf32, #tpu.memory_space<hbm>>
    %dma_wait3A_80 = arith.constant 0 : i32
    %dma_wait3A_81 = arith.constant 0 : i32
    %dma_wait3A_82 = tpu.memref_slice %arg9[%dma_wait3A_71, %dma_wait3A_80, %dma_wait3A_81] : memref<2x512x32xf32, #tpu.memory_space<vmem>> -> memref<1x512x32xf32, #tpu.memory_space<vmem>>
    %dma_wait3A_83 = tpu.memref_squeeze %dma_wait3A_82 : memref<1x512x32xf32, #tpu.memory_space<vmem>> -> memref<512x32xf32, #tpu.memory_space<vmem>>
    tpu.wait_dma2 semaphore(%arg15 : memref<!tpu.dma_semaphore, #tpu.memory_space<semaphore_mem>>) src(%dma_wait3A_83 : memref<512x32xf32, #tpu.memory_space<vmem>>) dst(%dma_wait3A_79 : memref<512x32xf32, #tpu.memory_space<hbm>>)
    return
  }
}

</mosaic_0001>

<sc_bundles>
// kernel: kernel.3.cloned.1.call-start
scs
__scs_entry_jumppad:
0x0: {  	(pc) =	sbr.rel $0x88, $3  }
0x1: {  	(tag) =	ssettag $0x0;
	lr =	simm.s32 $0x1  }
0x2: {  	[smem:$0x3F9E] =	sst lr;
	_ =	strace $0xD0000000  }
0x3: {  	_ = 	snop  }
0x4: {  	_ = 	snop  }
0x5: {  	_ = 	snop  }
0x6: {  	_ = 	snop  }
0x7: {  	_ = 	snop  }
__scs_overlays_trampoline_lowered:
0x8: {  	[smem:$0x3FAD] =	sst s0  }
0x9: {  	[smem:$0x3FAE] =	sst s1  }
0xa: {  	[smem:$0x3FAF] =	sst s2  }
0xb: {  	[smem:$0x3FB0] =	sst s3  }
0xc: {  	[smem:$0x3FB1] =	sst s4  }
0xd: {  	[smem:$0x3FB2] =	sst s5  }
0xe: {  	[smem:$0x3FB3] =	sst s6  }
0xf: {  	[smem:$0x3FB4] =	sst s7  }
0x10: {  	[smem:$0x3FB5] =	sst s8  }
0x11: {  	[smem:$0x3FB6] =	sst s9;
	s0 =	simm.s32 @!p0 $0x0  }
0x12: {  	s1 =	sld [smem:$0x3F9C];
	s0 =	simm.s32 @p0 $0x1  }
0x13: {  	[smem:$0x3FB7] =	sst s0;
	s0 =	simm.s32 @!p1 $0x0  }
0x14: {  	s2 =	sld [smem:$0x3F9B];
	s0 =	simm.s32 @p1 $0x1  }
0x15: {  	[smem:$0x3FB8] =	sst s0;
	s0 =	simm.s32 @!p2 $0x0  }
0x16: {  	s3 =	sld [smem:$0x3FDB];
	s0 =	simm.s32 @p2 $0x1  }
0x17: {  	s4 =	simm.s32 $0x1BF5;
	[smem:$0x3FBA] =	sst s0  }
0x18: {  	s0 =	sld [smem:$0x3F9D];
	_ =	swait.ge [sflag:s4], $0x0  }
0x19: {  	s7 =	sld [smem:$0x3F9E]  }
0x1a: {  	s8 =	sadd.s32 $0xFFFFE003, lr  }
0x1b: {  	s9 =	sadd.s32 $0xFFFFFEF7, lr;
	s5 =	simm.s32 $0xFFFFFFFF;
	p2 =	slt.u32 s8, $0xFFFFF086  }
0x1c: {  	p1 =	slt.u32 s9, $0xF7A;
	s5 =	simm.s32 @!p2 $0x0  }
0x1d: {  	s5 =	simm.s32 @p1 $0x1;
	p0 =	seq.s32 s7, s2  }
0x1e: {  	s7 =	smul.u32 @!p0 $0xF7A, s2;
	p2 =	seq.s32 @!p0 s5, $0x0  }
0x1f: {  	s9 =	smul.u32 $0xF7A, s1;
	s8 =	simm.s32 @!p0 $0x1BF5;
	p2 =	por !p2, p0  }
0x20: {  	[sflag:s8] =	ssyncset.s32 @!p0 $0xFFFFF086;
	s6 =	sadd.s32 @!p0 s3, s7;
	s7 =	simm.s32 @!p0 $0x108  }
0x21: {  	s3 =	sadd.s32 s3, s9;
	s6 =	sadd.s32 @!p0 $0x88, s6;
	s7 =	simm.s32 @p2 $0x1082  }
0x22: {  	[simem:s7], [sflag:s8] =	dma.local @!p0 [hbm:s6], $0xF7A  }
0x23: {  	s9 =	sor.u32 $0xD0000000, s2;
	s6 =	simm.s32 $0x108;
	_ =	swait.ge @!p0 [sflag:s8], $0x0  }
0x24: {  	s3 =	sadd.s32 $0x88, s3;
	s6 =	simm.s32 @!p1 $0x1082;
	[sflag:s4] =	ssyncset.s32 $0xFFFFF086  }
0x25: {  	[simem:s6], [sflag:s4] =	dma.local [hbm:s3], $0xF7A  }
0x26: {  	[smem:$0x3F9E] =	sst s1;
	(tag) =	ssettag s2;
	_ =	strace s9  }
0x27: {  	s1 =	sld [smem:$0x3FAE]  }
0x28: {  	s2 =	sld [smem:$0x3FAF]  }
0x29: {  	s4 =	sld [smem:$0x3FB1]  }
0x2a: {  	p0 =	seq.s32 s5, $0x0;
	s5 =	sld [smem:$0x3FB2]  }
0x2b: {  	s6 =	sld [smem:$0x3FB3]  }
0x2c: {  	s7 =	sld [smem:$0x3FB4]  }
0x2d: {  	s3 =	simm.s32 $0x108;
	s8 =	sld [smem:$0x3FB5]  }
0x2e: {  	s3 =	simm.s32 @!p0 $0x1082;
	s9 =	sld [smem:$0x3FB6]  }
0x2f: {  	lr =	sadd.s32 s0, s3;
	s0 =	sld [smem:$0x3FAD]  }
0x30: {  	s3 =	sld [smem:$0x3FB0]  }
0x31: {  	[smem:$0x3FB9] =	sst s10  }
0x32: {  	s10 =	sld [smem:$0x3FB7];
	_ =	sdelay $0x3  }
0x33: {  	p0 =	seq.s32 s10, $0x1;
	s10 =	sld [smem:$0x3FB9];
	_ =	sdelay $0x3  }
0x34: {  	[smem:$0x3FB9] =	sst s10  }
0x35: {  	s10 =	sld [smem:$0x3FB8];
	_ =	sdelay $0x3  }
0x36: {  	p1 =	seq.s32 s10, $0x1;
	s10 =	sld [smem:$0x3FB9];
	_ =	sdelay $0x3  }
0x37: {  	[smem:$0x3FB9] =	sst s10  }
0x38: {  	s10 =	sld [smem:$0x3FBA]  }
0x39: {  	_ = 	snop;
	(pc) =	sbr.ind lr, $3  }
0x3a: {  	_ = 	snop  }
0x3b: {  	_ = 	snop  }
0x3c: {  	p2 =	seq.s32 s10, $0x1;
	s10 =	sld [smem:$0x3FB9]  }
0x3d: {  	_ =	shalt  }
0x3e: {  	_ =	shalt  }
0x3f: {  	_ =	shalt  }
0x40: {  	_ =	shalt  }
0x41: {  	_ =	shalt  }
0x42: {  	_ =	shalt  }
0x43: {  	_ =	shalt  }
0x44: {  	_ =	shalt  }
0x45: {  	_ =	shalt  }
0x46: {  	_ =	shalt  }
0x47: {  	_ =	shalt  }
0x48: {  	_ =	shalt  }
0x49: {  	_ =	shalt  }
0x4a: {  	_ =	shalt  }
0x4b: {  	_ =	shalt  }
0x4c: {  	_ =	shalt  }
0x4d: {  	_ =	shalt  }
0x4e: {  	_ =	shalt  }
0x4f: {  	_ =	shalt  }
0x50: {  	_ =	shalt  }
0x51: {  	_ =	shalt  }
0x52: {  	_ =	shalt  }
0x53: {  	_ =	shalt  }
0x54: {  	_ =	shalt  }
0x55: {  	_ =	shalt  }
0x56: {  	_ =	shalt  }
0x57: {  	_ =	shalt  }
0x58: {  	_ =	shalt  }
0x59: {  	_ =	shalt  }
0x5a: {  	_ =	shalt  }
0x5b: {  	_ =	shalt  }
0x5c: {  	_ =	shalt  }
0x5d: {  	_ =	shalt  }
0x5e: {  	_ =	shalt  }
0x5f: {  	_ =	shalt  }
0x60: {  	_ =	shalt  }
0x61: {  	_ =	shalt  }
0x62: {  	_ =	shalt  }
0x63: {  	_ =	shalt  }
0x64: {  	_ =	shalt  }
0x65: {  	_ =	shalt  }
0x66: {  	_ =	shalt  }
0x67: {  	_ =	shalt  }
0x68: {  	_ =	shalt  }
0x69: {  	_ =	shalt  }
0x6a: {  	_ =	shalt  }
0x6b: {  	_ =	shalt  }
0x6c: {  	_ =	shalt  }
0x6d: {  	_ =	shalt  }
0x6e: {  	_ =	shalt  }
0x6f: {  	_ =	shalt  }
0x70: {  	_ =	shalt  }
0x71: {  	_ =	shalt  }
0x72: {  	_ =	shalt  }
0x73: {  	_ =	shalt  }
0x74: {  	_ =	shalt  }
0x75: {  	_ =	shalt  }
0x76: {  	_ =	shalt  }
0x77: {  	_ =	shalt  }
0x78: {  	_ =	shalt  }
0x79: {  	_ =	shalt  }
0x7a: {  	_ =	shalt  }
0x7b: {  	_ =	shalt  }
0x7c: {  	_ =	shalt  }
0x7d: {  	_ =	shalt  }
0x7e: {  	_ =	shalt  }
0x7f: {  	_ =	shalt  }
0x80: {  	_ =	shalt  }
0x81: {  	_ =	shalt  }
0x82: {  	_ =	shalt  }
0x83: {  	_ =	shalt  }
0x84: {  	_ =	shalt  }
0x85: {  	_ =	shalt  }
0x86: {  	_ =	shalt  }
0x87: {  	_ =	shalt  }
.Lfunc_end0:
.L_simem_size_0:
called_computation.1_lowered:
.L_overlay_start_0:
0x88: {  	s2 =	sld [smem:$0x3FD9]  }
0x89: {  	s3 =	sld [smem:$0x3FFE];
	_ =	sdelay $0x1  }
0x8a: {  	s1 =	srdreg.scid  }
0x8b: {  	s0 =	sand.u32 $0x1, s1  }
0x8c: {  	s17 =	sshll.u32 s0, $0xA;
	s2 =	sadd.s32 s3, s2  }
0x8d: {  	s2 =	sadd.s32 s2, s17  }
0x8e: {  	[smem:$0x3FC5] =	sst s2  }
0x8f: {  	_ = 	snop  }
0x90: {  	s2 =	sld [smem:$0x3FD0];
	(tm) =	ssettm $0x1  }
0x91: {  	s18 =	sld [smem:$0x3FFB];
	_ =	sdelay $0x3  }
0x92: {  	_ =	strace s18  }
0x93: {  	s3 =	sld [smem:$0x3FFC];
	_ =	sdelay $0x3  }
0x94: {  	_ =	strace s3  }
0x95: {  	s3 =	sld [smem:$0x3FFD];
	_ =	sdelay $0x3  }
0x96: {  	_ =	strace s3  }
0x97: {  	_ =	strace $0x8FFFFFFF  }
0x98: {  	s19 =	sld [smem:$0x3FDB];
	_ =	sdelay $0x1  }
0x99: {  	s4 =	simm.s32 $_scs_section_size  }
0x9a: {  	s5 =	simm.s32 $_size__tile_overlayer_lowered;
	s6 =	simm.s32 $_tile_overlayer_lowered  }
0x9b: {  	s22 =	simm.s32 $0x1BFF;
	s21 =	sshll.u32 s6, $0x1;
	s3 =	sadd.s32 s4, s19  }
0x9c: {  	s7 =	simm.s32 $0x0;
	s20 =	sshll.u32 s5, $0x1;
	s5 =	sadd.s32 s21, s3  }
0x9d: {  	[timem:s7], [sflag:s22] =	dma.local [hbm:s5], s20  }
0x9e: {  	_ =	swait.ge [sflag:s22], s20  }
0x9f: {  	s4 =	ssub.s32 $0x0, s20;
	[sflag:s22] =	ssyncset.done $0x0  }
0xa0: {  	[sflag:s22] =	ssyncadd.s32 s4;
	_ =	sdelay $0x1  }
0xa1: {  	s23 =	simm.s32 $0x1B8B  }
0xa2: {  	_ =	swait.ge [sflag:s23], $0x1  }
0xa3: {  	[sflag:s23] =	ssyncset.done $0x0  }
0xa4: {  	s25 =	simm.s32 $0x1B8E;
	s24 =	sld [smem:$0x3FFE];
	[sflag:s23] =	ssyncadd.s32 $0xFFFFFFFF  }
0xa5: {  	s26 =	simm.s32 $execute0_lowered;
	[smem:$0x3FD2] =	sst s25  }
0xa6: {  	s5 =	sshll.u32 s26, $0x1;
	_ =	strace $0x80000046;
	[dreg:$0x1] =	wrdreg $0xFFFFFFFF  }
0xa7: {  	s28 =	simm.s32 $_size_execute0_lowered;
	s3 =	sadd.s32 s3, s5;
	[dreg:$0x0] =	wrdreg $0x0  }
0xa8: {  	s5 =	sshll.u32 s28, $0x1;
	[dreg:$0x2] =	wrdreg s3  }
0xa9: {  	[dreg:$0x3] =	wrdreg s5  }
0xaa: {  	[dreg:$0x4] =	wrdreg $0xC0  }
0xab: {  	_ =	task [dreg:s7], $0x5FFFF  }
0xac: {  	[dreg:$0x1] =	wrdreg $0xFFFFFFFF  }
0xad: {  	[dreg:$0x0] =	wrdreg $0x60  }
0xae: {  	[dreg:$0x2] =	wrdreg s24  }
0xaf: {  	[dreg:$0x3] =	wrdreg s2  }
0xb0: {  	[dreg:$0x4] =	wrdreg $0x9  }
0xb1: {  	_ =	task.clear_ibuf [dreg:s7], $0x5FFFF;
	_ =	strace $0x90000046  }
0xb2: {  	s29 =	simm.s32 $0x9;
	_ =	strace $0x80000048  }
0xb3: {  	_ =	swait.ge [sflag:s29], $0x1  }
0xb4: {  	[sflag:s29] =	ssyncadd.s32 $0xFFFFFFFF  }
0xb5: {  	_ =	strace $0x90000048  }
0xb6: {  	_ =	sfence  }
0xb7: {  	s30 =	sld [smem:$0x0];
	_ =	sdelay $0x2  }
0xb8: {  	s31 =	sshll.u32 s1, $0xD;
	s1 =	sshrl.u32 s1, $0x2  }
0xb9: {  	s3 =	sand.u32 $0x4000, s31;
	s1 =	sadd.s32 s1, s30  }
0xba: {  	s0 =	sor.u32 s3, s0;
	s1 =	sshll.u32 s1, $0x11  }
0xbb: {  	s0 =	sor.u32 s1, s0  }
0xbc: {  	s0 =	sadd.s32 $0x8F2B, s0  }
0xbd: {  	[sflag:s0] =	ssyncadd.remote.s32 $0x1  }
0xbe: {  	_ =	sfence.sel $0xFFFF  }
0xbf: {  	[dreg:$0x0] =	wrdreg $0xFFFFFFFF;
	(pc) =	sbr.abs _section_cstart, $3  }
0xc0: {  	[dreg:$0x1] =	wrdreg $0xFFFFFFFF  }
0xc1: {  	_ =	task.clear_ibuf [dreg:s7], $0x2FFFF;
	_ =	strace $0x9FFFFFFF  }
0xc2: {  	(tm) =	ssettm $0x7FFFFFFF  }
0xc3: {  	_ =	shalt  }
tec
execute0_lowered:
.L_overlay_start_1:
0x0: {  	(tag) =	ssettag $0x1  }
0x1: {  	s5 =	rddreg [dreg:$0x0]  }
0x2: {  	s8 =	rddreg [dreg:$0x1];
	s3 =	srdreg.scid  }
0x3: {  	s0 =	stileid.u32;
	s2 =	simm.s32 $0x0;
	s14 =	simm.s32 $0x400  }
0x4: {  	s15 =	simm.s32 $0x2;
	s16 =	simm.s32 $0x8800;
	s17 =	simm.s32 $0x600  }
0x5: {  	s18 =	simm.s32 $0x14800;
	s19 =	simm.s32 $0x3;
	s20 =	simm.s32 $0x40  }
0x6: {  	s21 =	simm.s32 $0x60;
	s22 =	simm.s32 $0x20;
	s23 =	simm.s32 $0x4  }
0x7: {  	s24 =	simm.s32 $0x5;
	s25 =	simm.s32 $0x6;
	s26 =	simm.s32 $0x0  }
0x8: {  	s7 =	sand.u32 $0x1, s3;
	s28 =	sshll.u32 s0, $0x1;
	s10 =	smul.u32 $0xC800, s0  }
0x9: {  	[smem:$0x7FF] =	sst s2;
	s3 =	sadd.s32 $0xC00, s5;
	s29 =	smul.u32 $0x96000, s0  }
0xa: {  	s4 =	sor.u32 s7, s28;
	_ =	strace $0x80000047;
	s12 =	smul.u32 $0x6400, s7  }
0xb: {  	s9 =	ssub.s32 $0x2, s7;
	s13 =	smul.u32 $0x4B000, s7;
	[dreg:$0x4] =	wrdreg s14  }
0xc: {  	s14 =	simm.s32 $0x10800;
	s6 =	smul.u32 $0x6400, s4;
	s11 =	sshrl.u32 s9, $0x1  }
0xd: {  	s4 =	sadd.s32 $0xF43000, s5;
	s5 =	sadd.s32 $0x19C00, s5;
	s9 =	ssub.s32 s9, s11  }
0xe: {  	s10 =	sadd.s32 s12, s10;
	s11 =	sadd.s32 s29, s8;
	s6 =	sshrl.u32 s6, $0x3  }
0xf: {  	s12 =	sadd.s32 $0x600, s10;
	s8 =	smax.u32 s9, $0x1;
	s30 =	sadd.s32 s13, s11  }
0x10: {  	s10 =	sadd.s32 $0x400, s10;
	s11 =	simm.s32 $0x200;
	s13 =	simm.s32 $0x800  }
0x11: {  	s6 =	sadd.s32 s3, s6;
	s31 =	sshrl.u32 s12, $0x3;
	[dreg:$0x3] =	wrdreg s30  }
0x12: {  	s12 =	simm.s32 $0x1;
	s7 =	sadd.s32 $0x40, s6;
	s9 =	sadd.s32 s31, s3  }
.LBB2_1:
0x13: {  	[tilespmem:s2], [sflag:$0x1] =	stream.linear.gather [hbm4b:s6+s2], $0x200, $0x38;
	[tilespmem:$0x18800] =	vst v63  }
0x14: {  	s28 =	smov.u32 s10;
	s29 =	smov.u32 s9;
	s30 =	simm.s32 $0x0  }
0x15: {  	[tilespmem:s11], [sflag:$0x2] =	stream.linear.gather [hbm4b:s7+s2], $0x200, $0x38;
	[tilespmem:$0x18800] =	vst v63  }
.LBB2_2:
0x16: {  	p0 =	seq.s32 s30, $0x0  }
0x17: {  	s31 =	simm.s32 @!p0 $0x5  }
0x18: {  	_ =	swait.ge @!p0 [sflag:s31], $0x8000  }
0x19: {  	[sflag:s31] =	ssyncset.done @!p0 $0x0  }
0x1a: {  	[sflag:s31] =	ssyncadd.s32 @!p0 $0xFFFF8000  }
0x1b: {  	_ =	swait.ge @!p0 [sflag:s31], $0x4000  }
0x1c: {  	[sflag:s31] =	ssyncset.done @!p0 $0x0  }
0x1d: {  	[sflag:s31] =	ssyncadd.s32 @!p0 $0xFFFFC000  }
0x1e: {  	_ =	swait.ge [sflag:s12], $0x200  }
0x1f: {  	[sflag:s12] =	ssyncset.done $0x0  }
0x20: {  	[sflag:s12] =	ssyncadd.s32 $0xFFFFFE00  }
0x21: {  	v0 =	vld [tilespmem:$0x0]  }
0x22: {  	v1 =	vld [tilespmem:$0x10]  }
0x23: {  	v3 =	vld [tilespmem:$0x20]  }
0x24: {  	v5 =	vld [tilespmem:$0x30]  }
0x25: {  	v7 =	vld [tilespmem:$0x40]  }
0x26: {  	v47 =	vld [tilespmem:$0x50]  }
0x27: {  	v50 =	vld [tilespmem:$0x60]  }
0x28: {  	v54 =	vld [tilespmem:$0x70]  }
0x29: {  	v58 =	vld [tilespmem:$0x80]  }
0x2a: {  	v13 =	vld [tilespmem:$0x90]  }
0x2b: {  	v63 =	vld [tilespmem:$0xA0]  }
0x2c: {  	v22 =	vld [tilespmem:$0xB0]  }
0x2d: {  	v25 =	vld [tilespmem:$0xC0];
	v2 =	vcvt.s32.f32 v0;
	v4 =	vcvt.s32.f32 v1  }
0x2e: {  	v29 =	vld [tilespmem:$0xD0];
	v6 =	vcvt.s32.f32 v3;
	v9 =	vcvt.s32.f32 v5  }
0x2f: {  	v35 =	vld [tilespmem:$0xF0];
	v48 =	vcvt.s32.f32 v7;
	v51 =	vcvt.s32.f32 v47  }
0x30: {  	v12 =	vcvt.s32.f32 v50;
	v60 =	vcvt.s32.f32 v54  }
0x31: {  	v14 =	vcvt.s32.f32 v58;
	v20 =	vcvt.s32.f32 v13  }
0x32: {  	v24 =	vcvt.s32.f32 v63;
	v18 =	vcvt.s32.f32 v22  }
0x33: {  	v31 =	vcvt.s32.f32 v25;
	v37 =	vcvt.s32.f32 v29  }
0x34: {  	v41 =	vcvt.s32.f32 v35;
	v2 =	vmul.f32 $1.999999960e-02, v2  }
0x35: {  	v4 =	vmul.f32 $1.999999960e-02, v4;
	v46 =	vmul.f32 $1.999999960e-02, v6  }
0x36: {  	v49 =	vmul.f32 $1.999999960e-02, v9;
	v53 =	vmul.f32 $1.999999960e-02, v51  }
0x37: {  	v56 =	vmul.f32 $1.999999960e-02, v12;
	v62 =	vmul.f32 $1.999999960e-02, v60  }
0x38: {  	v21 =	vmul.f32 $1.999999960e-02, v14;
	v9 =	vmul.f32 $1.999999960e-02, v20  }
0x39: {  	v27 =	vmul.f32 $1.999999960e-02, v18;
	v34 =	vmul.f32 $1.999999960e-02, v31  }
0x3a: {  	v38 =	vmul.f32 $1.999999960e-02, v37;
	v2 =	vtrunc.f32 v2  }
0x3b: {  	v4 =	vtrunc.f32 v4;
	v59 =	vtrunc.f32 v56  }
0x3c: {  	v6 =	vtrunc.f32 v62;
	v23 =	vtrunc.f32 v21  }
0x3d: {  	v9 =	vtrunc.f32 v9;
	v12 =	vtrunc.f32 v27  }
0x3e: {  	v43 =	vld [tilespmem:$0x110];
	v2 =	vcvt.f32.s32 v2;
	v4 =	vcvt.f32.s32 v4  }
0x3f: {  	v56 =	vld [tilespmem:$0x150];
	v6 =	vcvt.f32.s32 v6;
	v9 =	vcvt.f32.s32 v9  }
0x40: {  	v32 =	vcvt.f32.s32 v12;
	v12 =	vtrunc.f32 v38;
	v2 =	vmul.u32 $0xFFFFFFCE, v2  }
0x41: {  	v12 =	vcvt.f32.s32 v12;
	v4 =	vmul.u32 $0xFFFFFFCE, v4;
	v9 =	vmul.u32 $0xFFFFFFCE, v9  }
0x42: {  	v16 =	vmul.u32 $0xFFFFFFCE, v6;
	v0 =	vadd.s32 v0, v2;
	v2 =	vtrunc.f32 v46  }
0x43: {  	v1 =	vadd.s32 v1, v4;
	v4 =	vmul.f32 $1.999999960e-02, v48;
	v9 =	vadd.s32 v13, v9  }
0x44: {  	v60 =	vld [tilespmem:$0x160];
	v48 =	vcvt.s32.f32 v43;
	v27 =	vcvt.s32.f32 v56;
	vm0 =	vgt.s32 v0, $0x31  }
0x45: {  	v8 =	vadd.s32 $0xFFFFFFCE, v0;
	v2 =	vcvt.f32.s32 v2;
	vm14 =	vgt.s32 v1, $0x31  }
0x46: {  	v10 =	vadd.s32 $0xFFFFFFCE, v1;
	vm10 =	vgt.s32 v9, $0x31;
	v33 =	vadd.s32 $0xFFFFFFCE, v9  }
0x47: {  	v0 =	vsel vm0, v8, v0;
	v1 =	vsel vm14, v10, v1;
	v8 =	vtrunc.f32 v49  }
0x48: {  	v4 =	vtrunc.f32 v4;
	v10 =	vadd.s32 v54, v16;
	v51 =	vmul.f32 $1.999999960e-02, v48  }
0x49: {  	v9 =	vsel vm10, v33, v9;
	v62 =	vmul.f32 $1.999999960e-02, v27;
	v33 =	vcvt.s32.f32 v60  }
0x4a: {  	v2 =	vmul.u32 $0xFFFFFFCE, v2;
	v52 =	vcvt.f32.s32 v8;
	v8 =	vtrunc.f32 v53  }
0x4b: {  	v49 =	vld [tilespmem:$0x130];
	v4 =	vcvt.f32.s32 v4;
	vm8 =	vgt.s32 v10, $0x31;
	v55 =	vcvt.f32.s32 v8  }
0x4c: {  	v8 =	vmul.f32 $1.999999960e-02, v24;
	v2 =	vadd.s32 v3, v2;
	v3 =	vmul.u32 $0xFFFFFFCE, v52  }
0x4d: {  	v4 =	vmul.u32 $0xFFFFFFCE, v4;
	vm15 =	vgt.s32 v2, $0x31;
	v11 =	vadd.s32 $0xFFFFFFCE, v2  }
0x4e: {  	v16 =	vadd.s32 $0xFFFFFFCE, v10;
	v8 =	vtrunc.f32 v8;
	v2 =	vsel vm15, v11, v2  }
0x4f: {  	v3 =	vadd.s32 v5, v3;
	v4 =	vadd.s32 v7, v4;
	v7 =	vcvt.f32.s32 v59  }
0x50: {  	v52 =	vld [tilespmem:$0x140];
	v5 =	vmul.u32 $0xFFFFFFCE, v55;
	v8 =	vcvt.f32.s32 v8;
	v54 =	vcvt.s32.f32 v49  }
0x51: {  	vm4 =	vgt.s32 v3, $0x31;
	v57 =	vadd.s32 $0xFFFFFFCE, v3;
	vm5 =	vgt.s32 v4, $0x31  }
0x52: {  	v61 =	vadd.s32 $0xFFFFFFCE, v4;
	v3 =	vsel vm4, v57, v3;
	v5 =	vadd.s32 v47, v5  }
0x53: {  	v39 =	vld [tilespmem:$0x100];
	v4 =	vsel vm5, v61, v4;
	v7 =	vmul.u32 $0xFFFFFFCE, v7;
	v30 =	vmul.u32 $0xFFFFFFCE, v8  }
0x54: {  	v47 =	vld [tilespmem:$0x120];
	v18 =	vmul.f32 $1.999999960e-02, v54;
	vm6 =	vgt.s32 v5, $0x31;
	v19 =	vadd.s32 $0xFFFFFFCE, v5  }
0x55: {  	v57 =	vcvt.s32.f32 v52;
	v7 =	vadd.s32 v50, v7;
	v5 =	vsel vm6, v19, v5  }
0x56: {  	v11 =	vadd.s32 v63, v30;
	v18 =	vtrunc.f32 v18;
	vm7 =	vgt.s32 v7, $0x31  }
0x57: {  	v19 =	vld [tilespmem:$0xE0];
	v15 =	vadd.s32 $0xFFFFFFCE, v7;
	vm11 =	vgt.s32 v11, $0x31;
	v18 =	vcvt.f32.s32 v18  }
0x58: {  	v59 =	vmul.f32 $1.999999960e-02, v57;
	v6 =	vsel vm7, v15, v7;
	v7 =	vcvt.f32.s32 v23  }
0x59: {  	v23 =	vcvt.s32.f32 v39;
	v24 =	vcvt.s32.f32 v47;
	v18 =	vmul.u32 $0xFFFFFFCE, v18  }
0x5a: {  	v17 =	vmul.u32 $0xFFFFFFCE, v7;
	v7 =	vsel vm8, v16, v10;
	v16 =	vtrunc.f32 v34  }
0x5b: {  	v10 =	vmul.u32 $0xFFFFFFCE, v32;
	v45 =	vmul.f32 $1.999999960e-02, v23;
	v16 =	vcvt.f32.s32 v16  }
0x5c: {  	v36 =	vadd.s32 $0xFFFFFFCE, v11;
	v20 =	vcvt.s32.f32 v19;
	v55 =	vmul.f32 $1.999999960e-02, v24  }
0x5d: {  	v18 =	vadd.s32 v49, v18;
	v26 =	vadd.s32 v58, v17;
	v14 =	vadd.s32 v22, v10  }
0x5e: {  	v10 =	vsel vm11, v36, v11;
	v22 =	vmul.u32 $0xFFFFFFCE, v12;
	v17 =	vtrunc.f32 v51  }
0x5f: {  	vm8 =	vgt.s32 v18, $0x31;
	v34 =	vadd.s32 $0xFFFFFFCE, v18;
	vm9 =	vgt.s32 v26, $0x31  }
0x60: {  	v28 =	vadd.s32 $0xFFFFFFCE, v26;
	vm12 =	vgt.s32 v14, $0x31;
	v40 =	vadd.s32 $0xFFFFFFCE, v14  }
0x61: {  	v32 =	vld [tilespmem:$0x170];
	v16 =	vmul.u32 $0xFFFFFFCE, v16;
	v20 =	vmul.f32 $1.999999960e-02, v20;
	v17 =	vcvt.f32.s32 v17  }
0x62: {  	v18 =	vsel vm8, v34, v18;
	v8 =	vsel vm9, v28, v26;
	v11 =	vsel vm12, v40, v14  }
0x63: {  	v14 =	vmul.f32 $1.999999960e-02, v41;
	v13 =	vadd.s32 v29, v22;
	v22 =	vtrunc.f32 v55  }
0x64: {  	v49 =	vld [tilespmem:$0x1B0];
	v15 =	vadd.s32 v25, v16;
	v42 =	vtrunc.f32 v20;
	vm14 =	vgt.s32 v13, $0x31  }
0x65: {  	v46 =	vadd.s32 $0xFFFFFFCE, v13;
	v17 =	vmul.u32 $0xFFFFFFCE, v17;
	v58 =	vcvt.f32.s32 v22  }
0x66: {  	v22 =	vtrunc.f32 v59;
	v29 =	vcvt.s32.f32 v32;
	vm13 =	vgt.s32 v15, $0x31  }
0x67: {  	v36 =	vld [tilespmem:$0x190];
	v16 =	vcvt.f32.s32 v42;
	v21 =	vadd.s32 $0xFFFFFFCE, v15;
	v14 =	vtrunc.f32 v14  }
0x68: {  	v13 =	vsel vm14, v46, v13;
	v61 =	vcvt.f32.s32 v22;
	v22 =	vtrunc.f32 v62  }
0x69: {  	v55 =	vcvt.s32.f32 v49;
	v12 =	vsel vm13, v21, v15;
	v14 =	vcvt.f32.s32 v14  }
0x6a: {  	v17 =	vadd.s32 v43, v17;
	v20 =	vmul.u32 $0xFFFFFFCE, v58;
	v22 =	vcvt.f32.s32 v22  }
0x6b: {  	v41 =	vmul.f32 $1.999999960e-02, v29;
	v44 =	vmul.u32 $0xFFFFFFCE, v16;
	v16 =	vtrunc.f32 v45  }
0x6c: {  	vm6 =	vgt.s32 v17, $0x31;
	v26 =	vadd.s32 $0xFFFFFFCE, v17;
	v45 =	vcvt.s32.f32 v36  }
0x6d: {  	[tilespmem:$0x490] =	vst v9;
	v9 =	vmul.f32 $1.999999960e-02, v55;
	v14 =	vmul.u32 $0xFFFFFFCE, v14;
	v16 =	vcvt.f32.s32 v16  }
0x6e: {  	v42 =	vld [tilespmem:$0x1A0];
	v17 =	vsel vm6, v26, v17;
	v22 =	vmul.u32 $0xFFFFFFCE, v22;
	v15 =	vadd.s32 v19, v44  }
0x6f: {  	v19 =	vadd.s32 v47, v20;
	v20 =	vmul.u32 $0xFFFFFFCE, v61;
	v44 =	vtrunc.f32 v41  }
0x70: {  	[tilespmem:$0x430] =	vst v3;
	v3 =	vmul.f32 $1.999999960e-02, v45;
	v9 =	vtrunc.f32 v9;
	vm15 =	vgt.s32 v15, $0x31  }
0x71: {  	v50 =	vadd.s32 $0xFFFFFFCE, v15;
	v14 =	vadd.s32 v35, v14;
	v16 =	vmul.u32 $0xFFFFFFCE, v16  }
0x72: {  	vm7 =	vgt.s32 v19, $0x31;
	v63 =	vadd.s32 $0xFFFFFFCE, v19;
	v35 =	vmul.f32 $1.999999960e-02, v33  }
0x73: {  	[tilespmem:$0x420] =	vst v2;
	v28 =	vld [tilespmem:$0x180];
	v38 =	vadd.s32 v56, v22;
	v2 =	vcvt.f32.s32 v44;
	v51 =	vcvt.s32.f32 v42  }
0x74: {  	v9 =	vcvt.f32.s32 v9;
	v15 =	vsel vm15, v50, v15;
	vm4 =	vgt.s32 v14, $0x31  }
0x75: {  	v53 =	vadd.s32 $0xFFFFFFCE, v14;
	v19 =	vsel vm7, v63, v19;
	v20 =	vadd.s32 v52, v20  }
0x76: {  	vm10 =	vgt.s32 v38, $0x31;
	v43 =	vadd.s32 $0xFFFFFFCE, v38;
	v3 =	vtrunc.f32 v3  }
0x77: {  	v16 =	vadd.s32 v39, v16;
	v14 =	vsel vm4, v53, v14;
	vm9 =	vgt.s32 v20, $0x31  }
0x78: {  	[tilespmem:$0x400] =	vst v0;
	v37 =	vadd.s32 $0xFFFFFFCE, v20;
	v21 =	vtrunc.f32 v35;
	v39 =	vcvt.s32.f32 v28  }
0x79: {  	[tilespmem:$0x410] =	vst v1;
	v61 =	vld [tilespmem:$0x1F0];
	v0 =	vsel vm10, v43, v38;
	v2 =	vmul.u32 $0xFFFFFFCE, v2;
	v3 =	vcvt.f32.s32 v3  }
0x7a: {  	[tilespmem:$0x440] =	vst v4;
	v56 =	vld [tilespmem:$0x1D0];
	v53 =	vmul.f32 $1.999999960e-02, v51;
	v9 =	vmul.u32 $0xFFFFFFCE, v9;
	vm5 =	vgt.s32 v16, $0x31  }
0x7b: {  	[tilespmem:$0x450] =	vst v5;
	v25 =	vadd.s32 $0xFFFFFFCE, v16;
	v21 =	vcvt.f32.s32 v21;
	v40 =	vsel vm9, v37, v20  }
0x7c: {  	[tilespmem:$0x460] =	vst v6;
	v52 =	vld [tilespmem:$0x1C0];
	v16 =	vsel vm5, v25, v16;
	v22 =	vmul.f32 $1.999999960e-02, v39;
	v2 =	vadd.s32 v32, v2  }
0x7d: {  	[tilespmem:$0x470] =	vst v7;
	v3 =	vmul.u32 $0xFFFFFFCE, v3;
	v7 =	vtrunc.f32 v53;
	v9 =	vadd.s32 v49, v9  }
0x7e: {  	[tilespmem:$0x510] =	vst v17;
	v17 =	vcvt.s32.f32 v61;
	v21 =	vmul.u32 $0xFFFFFFCE, v21;
	vm12 =	vgt.s32 v2, $0x31  }
0x7f: {  	[tilespmem:$0x4A0] =	vst v10;
	v54 =	vadd.s32 $0xFFFFFFCE, v2;
	v7 =	vcvt.f32.s32 v7;
	v62 =	vcvt.s32.f32 v56  }
0x80: {  	[tilespmem:$0x530] =	vst v18;
	vm15 =	vgt.s32 v9, $0x31;
	v23 =	vadd.s32 $0xFFFFFFCE, v9;
	v47 =	vtrunc.f32 v22  }
0x81: {  	[tilespmem:$0x480] =	vst v8;
	v2 =	vsel vm12, v54, v2;
	v3 =	vadd.s32 v36, v3;
	v57 =	vcvt.s32.f32 v52  }
0x82: {  	[tilespmem:$0x4B0] =	vst v11;
	v22 =	vmul.f32 $1.999999960e-02, v17;
	v46 =	vadd.s32 v60, v21;
	v48 =	vcvt.f32.s32 v47  }
0x83: {  	[tilespmem:$0x4D0] =	vst v13;
	vm1 =	vgt.s32 v3, $0x31;
	v59 =	vadd.s32 $0xFFFFFFCE, v3;
	v60 =	vld [tilespmem:$0x1E0];
	v7 =	vmul.u32 $0xFFFFFFCE, v7  }
0x84: {  	[tilespmem:$0x4C0] =	vst v12;
	v11 =	vmul.f32 $1.999999960e-02, v62;
	vm11 =	vgt.s32 v46, $0x31;
	v50 =	vadd.s32 $0xFFFFFFCE, v46  }
0x85: {  	[tilespmem:$0x4E0] =	vst v15;
	v10 =	vmul.f32 $1.999999960e-02, v57;
	v3 =	vsel vm1, v59, v3;
	v26 =	vtrunc.f32 v22  }
0x86: {  	[tilespmem:$0x520] =	vst v19;
	v4 =	vsel vm11, v50, v46;
	v5 =	vmul.u32 $0xFFFFFFCE, v48;
	v19 =	vtrunc.f32 v11  }
0x87: {  	[tilespmem:$0x4F0] =	vst v14;
	v7 =	vadd.s32 v42, v7;
	v27 =	vcvt.f32.s32 v26;
	v10 =	vtrunc.f32 v10  }
0x88: {  	[tilespmem:$0x500] =	vst v16;
	vm14 =	vgt.s32 v7, $0x31;
	v63 =	vadd.s32 $0xFFFFFFCE, v7;
	v16 =	vcvt.s32.f32 v60  }
0x89: {  	v21 =	vcvt.f32.s32 v19;
	[tilespmem:$0x560] =	vst v4;
	v4 =	vsel vm15, v23, v9;
	v5 =	vadd.s32 v28, v5  }
0x8a: {  	[tilespmem:$0x550] =	vst v0;
	v10 =	vcvt.f32.s32 v10;
	v7 =	vsel vm14, v63, v7;
	v20 =	vmul.f32 $1.999999960e-02, v16  }
0x8b: {  	[tilespmem:$0x540] =	vst v40;
	vm13 =	vgt.s32 v5, $0x31;
	v58 =	vadd.s32 $0xFFFFFFCE, v5;
	v0 =	vmul.u32 $0xFFFFFFCE, v21  }
0x8c: {  	[tilespmem:$0x570] =	vst v2;
	v5 =	vsel vm13, v58, v5;
	v18 =	vmul.u32 $0xFFFFFFCE, v10;
	v24 =	vtrunc.f32 v20  }
0x8d: {  	[tilespmem:$0x580] =	vst v5;
	v0 =	vadd.s32 v56, v0;
	v5 =	vmul.u32 $0xFFFFFFCE, v27;
	v25 =	vcvt.f32.s32 v24  }
0x8e: {  	[tilespmem:$0x590] =	vst v3;
	v1 =	vadd.s32 v52, v18;
	vm5 =	vgt.s32 v0, $0x31;
	v29 =	vadd.s32 $0xFFFFFFCE, v0  }
0x8f: {  	[tilespmem:$0x5B0] =	vst v4;
	vm4 =	vgt.s32 v1, $0x31;
	v28 =	vadd.s32 $0xFFFFFFCE, v1;
	v2 =	vmul.u32 $0xFFFFFFCE, v25  }
0x90: {  	[tilespmem:$0x5A0] =	vst v7;
	v0 =	vsel vm5, v29, v0;
	v31 =	vadd.s32 v61, v5;
	v1 =	vsel vm4, v28, v1  }
0x91: {  	[tilespmem:$0x5D0] =	vst v0;
	vm7 =	vgt.s32 v31, $0x31;
	v33 =	vadd.s32 $0xFFFFFFCE, v31;
	v2 =	vadd.s32 v60, v2  }
0x92: {  	[tilespmem:$0x5C0] =	vst v1;
	v34 =	vsel vm7, v33, v31;
	vm6 =	vgt.s32 v2, $0x31;
	v30 =	vadd.s32 $0xFFFFFFCE, v2  }
0x93: {  	[tilespmem:$0x5F0] =	vst v34;
	v32 =	vsel vm6, v30, v2  }
0x94: {  	[tilespmem:$0x5E0] =	vst v32  }
0x95: {  	[tilespmem:s13], [sflag:$0x3] =	stream.indirect.gather [hbm4b:s4+s11], $0x40, s2, s11, $0xb8;
	[tilespmem:$0x18800] =	vst v63  }
0x96: {  	s31 =	simm.s32 @!p0 $0x6;
	s1 =	rddreg [dreg:$0x4]  }
0x97: {  	[tilespmem:s14], [sflag:$0x3] =	stream.indirect.gather [hbm4b:s5+s11], $0x20, s1, s11, $0xb8;
	[tilespmem:$0x18800] =	vst v63  }
0x98: {  	_ =	swait.ge @!p0 [sflag:s31], $0x8000  }
0x99: {  	[sflag:s31] =	ssyncset.done @!p0 $0x0  }
0x9a: {  	[sflag:s31] =	ssyncadd.s32 @!p0 $0xFFFF8000  }
0x9b: {  	_ =	swait.ge @!p0 [sflag:s31], $0x4000  }
0x9c: {  	[sflag:s31] =	ssyncset.done @!p0 $0x0  }
0x9d: {  	[sflag:s31] =	ssyncadd.s32 @!p0 $0xFFFFC000  }
0x9e: {  	_ =	swait.ge [sflag:s15], $0x200  }
0x9f: {  	[sflag:s15] =	ssyncset.done $0x0  }
0xa0: {  	[sflag:s15] =	ssyncadd.s32 $0xFFFFFE00  }
0xa1: {  	v35 =	vld [tilespmem:$0x200]  }
0xa2: {  	v36 =	vld [tilespmem:$0x210]  }
0xa3: {  	v38 =	vld [tilespmem:$0x220]  }
0xa4: {  	v40 =	vld [tilespmem:$0x230]  }
0xa5: {  	v42 =	vld [tilespmem:$0x240]  }
0xa6: {  	v44 =	vld [tilespmem:$0x250]  }
0xa7: {  	v49 =	vld [tilespmem:$0x260]  }
0xa8: {  	v54 =	vld [tilespmem:$0x270]  }
0xa9: {  	v60 =	vld [tilespmem:$0x280]  }
0xaa: {  	v63 =	vld [tilespmem:$0x290]  }
0xab: {  	v22 =	vld [tilespmem:$0x2A0];
	v37 =	vcvt.s32.f32 v35  }
0xac: {  	v27 =	vld [tilespmem:$0x2B0];
	v39 =	vcvt.s32.f32 v36;
	v41 =	vcvt.s32.f32 v38  }
0xad: {  	v46 =	vcvt.s32.f32 v40;
	v47 =	vcvt.s32.f32 v42  }
0xae: {  	v51 =	vcvt.s32.f32 v44;
	v56 =	vcvt.s32.f32 v49  }
0xaf: {  	v62 =	vcvt.s32.f32 v54;
	v24 =	vcvt.s32.f32 v60  }
0xb0: {  	v25 =	vcvt.s32.f32 v63;
	v31 =	vcvt.s32.f32 v22  }
0xb1: {  	v34 =	vcvt.s32.f32 v27;
	v2 =	vmul.f32 $1.999999960e-02, v37  }
0xb2: {  	v4 =	vmul.f32 $1.999999960e-02, v39;
	v43 =	vmul.f32 $1.999999960e-02, v41  }
0xb3: {  	v48 =	vmul.f32 $1.999999960e-02, v46;
	v53 =	vmul.f32 $1.999999960e-02, v51  }
0xb4: {  	v58 =	vmul.f32 $1.999999960e-02, v56;
	v21 =	vmul.f32 $1.999999960e-02, v62  }
0xb5: {  	v26 =	vmul.f32 $1.999999960e-02, v24;
	v9 =	vmul.f32 $1.999999960e-02, v25  }
0xb6: {  	v2 =	vtrunc.f32 v2;
	v4 =	vtrunc.f32 v4  }
0xb7: {  	v8 =	vtrunc.f32 v48;
	v61 =	vtrunc.f32 v58  }
0xb8: {  	v6 =	vtrunc.f32 v21;
	v30 =	vtrunc.f32 v26  }
0xb9: {  	v9 =	vtrunc.f32 v9;
	v2 =	vcvt.f32.s32 v2  }
0xba: {  	v41 =	vld [tilespmem:$0x2E0];
	v4 =	vcvt.f32.s32 v4;
	v52 =	vcvt.f32.s32 v8  }
0xbb: {  	v8 =	vtrunc.f32 v53;
	v7 =	vcvt.f32.s32 v61  }
0xbc: {  	v6 =	vcvt.f32.s32 v6;
	v9 =	vcvt.f32.s32 v9  }
0xbd: {  	v57 =	vcvt.f32.s32 v8;
	v8 =	vmul.f32 $1.999999960e-02, v31;
	v2 =	vmul.u32 $0xFFFFFFCE, v2  }
0xbe: {  	v4 =	vmul.u32 $0xFFFFFFCE, v4;
	v3 =	vmul.u32 $0xFFFFFFCE, v52;
	v7 =	vmul.u32 $0xFFFFFFCE, v7  }
0xbf: {  	v32 =	vld [tilespmem:$0x2C0];
	v29 =	vmul.u32 $0xFFFFFFCE, v6;
	v9 =	vmul.u32 $0xFFFFFFCE, v9;
	v48 =	vcvt.s32.f32 v41  }
0xc0: {  	v5 =	vmul.u32 $0xFFFFFFCE, v57;
	v8 =	vtrunc.f32 v8;
	v0 =	vadd.s32 v35, v2  }
0xc1: {  	v2 =	vtrunc.f32 v43;
	v1 =	vadd.s32 v36, v4;
	v4 =	vmul.f32 $1.999999960e-02, v47  }
0xc2: {  	v3 =	vadd.s32 v40, v3;
	v7 =	vadd.s32 v49, v7;
	v10 =	vadd.s32 v54, v29  }
0xc3: {  	v8 =	vcvt.f32.s32 v8;
	v36 =	vmul.f32 $1.999999960e-02, v34;
	v9 =	vadd.s32 v63, v9  }
0xc4: {  	v61 =	vld [tilespmem:$0x320];
	v40 =	vcvt.s32.f32 v32;
	vm8 =	vgt.s32 v0, $0x31;
	v45 =	vadd.s32 $0xFFFFFFCE, v0  }
0xc5: {  	v2 =	vcvt.f32.s32 v2;
	vm9 =	vgt.s32 v1, $0x31;
	v50 =	vadd.s32 $0xFFFFFFCE, v1  }
0xc6: {  	vm11 =	vgt.s32 v3, $0x31;
	v59 =	vadd.s32 $0xFFFFFFCE, v3;
	v5 =	vadd.s32 v44, v5  }
0xc7: {  	vm14 =	vgt.s32 v7, $0x31;
	v28 =	vadd.s32 $0xFFFFFFCE, v7;
	vm15 =	vgt.s32 v10, $0x31  }
0xc8: {  	v16 =	vadd.s32 $0xFFFFFFCE, v10;
	vm5 =	vgt.s32 v9, $0x31;
	v43 =	vadd.s32 $0xFFFFFFCE, v9  }
0xc9: {  	v34 =	vcvt.s32.f32 v61;
	v0 =	vsel vm8, v45, v0;
	v1 =	vsel vm9, v50, v1  }
0xca: {  	v4 =	vtrunc.f32 v4;
	v3 =	vsel vm11, v59, v3;
	vm13 =	vgt.s32 v5, $0x31  }
0xcb: {  	v23 =	vadd.s32 $0xFFFFFFCE, v5;
	v6 =	vsel vm14, v28, v7;
	v7 =	vcvt.f32.s32 v30  }
0xcc: {  	v54 =	vld [tilespmem:$0x310];
	v39 =	vmul.u32 $0xFFFFFFCE, v8;
	v12 =	vtrunc.f32 v36;
	v44 =	vmul.f32 $1.999999960e-02, v40  }
0xcd: {  	v9 =	vsel vm5, v43, v9;
	v2 =	vmul.u32 $0xFFFFFFCE, v2;
	v4 =	vcvt.f32.s32 v4  }
0xce: {  	v5 =	vsel vm13, v23, v5;
	v36 =	vmul.f32 $1.999999960e-02, v34;
	v33 =	vmul.u32 $0xFFFFFFCE, v7  }
0xcf: {  	v7 =	vsel vm15, v16, v10;
	v11 =	vadd.s32 v22, v39;
	v16 =	vtrunc.f32 v44  }
0xd0: {  	v45 =	vld [tilespmem:$0x2F0];
	v2 =	vadd.s32 v38, v2;
	v4 =	vmul.u32 $0xFFFFFFCE, v4;
	vm6 =	vgt.s32 v11, $0x31  }
0xd1: {  	v50 =	vld [tilespmem:$0x300];
	v46 =	vadd.s32 $0xFFFFFFCE, v11;
	v16 =	vcvt.f32.s32 v16;
	v62 =	vcvt.s32.f32 v54  }
0xd2: {  	v63 =	vld [tilespmem:$0x330];
	v22 =	vtrunc.f32 v36;
	vm10 =	vgt.s32 v2, $0x31;
	v55 =	vadd.s32 $0xFFFFFFCE, v2  }
0xd3: {  	v35 =	vadd.s32 v60, v33;
	v40 =	vcvt.f32.s32 v22;
	v2 =	vsel vm10, v55, v2  }
0xd4: {  	v4 =	vadd.s32 v42, v4;
	vm4 =	vgt.s32 v35, $0x31;
	v37 =	vadd.s32 $0xFFFFFFCE, v35  }
0xd5: {  	v38 =	vld [tilespmem:$0x2D0];
	v42 =	vcvt.f32.s32 v12;
	v16 =	vmul.u32 $0xFFFFFFCE, v16;
	v52 =	vcvt.s32.f32 v45  }
0xd6: {  	v57 =	vcvt.s32.f32 v50;
	v31 =	vmul.f32 $1.999999960e-02, v62;
	vm12 =	vgt.s32 v4, $0x31  }
0xd7: {  	v20 =	vadd.s32 $0xFFFFFFCE, v4;
	v8 =	vsel vm4, v37, v35;
	v35 =	vcvt.s32.f32 v63  }
0xd8: {  	v4 =	vsel vm12, v20, v4;
	v10 =	vmul.u32 $0xFFFFFFCE, v42;
	v20 =	vmul.f32 $1.999999960e-02, v48  }
0xd9: {  	v15 =	vadd.s32 v32, v16;
	v59 =	vmul.f32 $1.999999960e-02, v57;
	v17 =	vtrunc.f32 v31  }
0xda: {  	v47 =	vcvt.s32.f32 v38;
	vm8 =	vgt.s32 v15, $0x31;
	v55 =	vadd.s32 $0xFFFFFFCE, v15  }
0xdb: {  	v37 =	vld [tilespmem:$0x350];
	v17 =	vcvt.f32.s32 v17;
	v18 =	vmul.f32 $1.999999960e-02, v35;
	v14 =	vadd.s32 v27, v10  }
0xdc: {  	v32 =	vld [tilespmem:$0x340];
	v10 =	vsel vm6, v46, v11;
	v53 =	vtrunc.f32 v20;
	v20 =	vmul.u32 $0xFFFFFFCE, v40  }
0xdd: {  	v42 =	vld [tilespmem:$0x360];
	vm7 =	vgt.s32 v14, $0x31;
	v49 =	vmul.f32 $1.999999960e-02, v47;
	v51 =	vadd.s32 $0xFFFFFFCE, v14  }
0xde: {  	v16 =	vcvt.f32.s32 v53;
	v17 =	vmul.u32 $0xFFFFFFCE, v17;
	v18 =	vtrunc.f32 v18  }
0xdf: {  	v11 =	vsel vm7, v51, v14;
	v14 =	vmul.f32 $1.999999960e-02, v52;
	v18 =	vcvt.f32.s32 v18  }
0xe0: {  	v44 =	vcvt.s32.f32 v37;
	v19 =	vadd.s32 v61, v20;
	v12 =	vtrunc.f32 v49  }
0xe1: {  	v58 =	vmul.u32 $0xFFFFFFCE, v16;
	v16 =	vtrunc.f32 v59;
	v39 =	vcvt.s32.f32 v32  }
0xe2: {  	v17 =	vadd.s32 v54, v17;
	vm14 =	vgt.s32 v19, $0x31;
	v49 =	vcvt.s32.f32 v42  }
0xe3: {  	v48 =	vld [tilespmem:$0x370];
	v47 =	vadd.s32 $0xFFFFFFCE, v19;
	v12 =	vcvt.f32.s32 v12;
	v14 =	vtrunc.f32 v14  }
0xe4: {  	v53 =	vld [tilespmem:$0x390];
	v16 =	vcvt.f32.s32 v16;
	vm13 =	vgt.s32 v17, $0x31;
	v43 =	vadd.s32 $0xFFFFFFCE, v17  }
0xe5: {  	v18 =	vmul.u32 $0xFFFFFFCE, v18;
	v46 =	vmul.f32 $1.999999960e-02, v44;
	v19 =	vsel vm14, v47, v19  }
0xe6: {  	v14 =	vcvt.f32.s32 v14;
	v17 =	vsel vm13, v43, v17;
	v52 =	vmul.f32 $1.999999960e-02, v49  }
0xe7: {  	v56 =	vmul.u32 $0xFFFFFFCE, v12;
	v12 =	vsel vm8, v55, v15;
	v15 =	vadd.s32 v41, v58  }
0xe8: {  	v16 =	vmul.u32 $0xFFFFFFCE, v16;
	v41 =	vmul.f32 $1.999999960e-02, v39;
	v18 =	vadd.s32 v63, v18  }
0xe9: {  	v55 =	vcvt.s32.f32 v48;
	v63 =	vcvt.s32.f32 v53;
	v14 =	vmul.u32 $0xFFFFFFCE, v14  }
0xea: {  	vm10 =	vgt.s32 v15, $0x31;
	v30 =	vadd.s32 $0xFFFFFFCE, v15;
	vm15 =	vgt.s32 v18, $0x31  }
0xeb: {  	v51 =	vadd.s32 $0xFFFFFFCE, v18;
	v21 =	vtrunc.f32 v52;
	v13 =	vadd.s32 v38, v56  }
0xec: {  	v15 =	vsel vm10, v30, v15;
	v16 =	vadd.s32 v50, v16;
	v22 =	vtrunc.f32 v41  }
0xed: {  	v18 =	vsel vm15, v51, v18;
	v21 =	vcvt.f32.s32 v21;
	v59 =	vmul.f32 $1.999999960e-02, v55  }
0xee: {  	[tilespmem:$0x630] =	vst v3;
	v3 =	vmul.f32 $1.999999960e-02, v63;
	vm9 =	vgt.s32 v13, $0x31;
	v60 =	vadd.s32 $0xFFFFFFCE, v13  }
0xef: {  	v14 =	vadd.s32 v45, v14;
	vm12 =	vgt.s32 v16, $0x31;
	v38 =	vadd.s32 $0xFFFFFFCE, v16  }
0xf0: {  	v50 =	vld [tilespmem:$0x380];
	v45 =	vcvt.f32.s32 v22;
	v22 =	vtrunc.f32 v46;
	v13 =	vsel vm9, v60, v13  }
0xf1: {  	v30 =	vld [tilespmem:$0x3B0];
	vm11 =	vgt.s32 v14, $0x31;
	v33 =	vadd.s32 $0xFFFFFFCE, v14;
	v16 =	vsel vm12, v38, v16  }
0xf2: {  	v41 =	vld [tilespmem:$0x3E0];
	v22 =	vcvt.f32.s32 v22;
	v21 =	vmul.u32 $0xFFFFFFCE, v21;
	v62 =	vtrunc.f32 v59  }
0xf3: {  	v3 =	vtrunc.f32 v3;
	v14 =	vsel vm11, v33, v14;
	v20 =	vmul.u32 $0xFFFFFFCE, v45  }
0xf4: {  	[tilespmem:$0x620] =	vst v2;
	v2 =	vcvt.f32.s32 v62;
	v3 =	vcvt.f32.s32 v3;
	v22 =	vmul.u32 $0xFFFFFFCE, v22  }
0xf5: {  	[tilespmem:$0x600] =	vst v0;
	v60 =	vld [tilespmem:$0x3A0];
	v25 =	vadd.s32 v42, v21;
	v20 =	vadd.s32 v32, v20;
	v57 =	vcvt.s32.f32 v50  }
0xf6: {  	[tilespmem:$0x610] =	vst v1;
	vm6 =	vgt.s32 v25, $0x31;
	v31 =	vadd.s32 $0xFFFFFFCE, v25;
	v2 =	vmul.u32 $0xFFFFFFCE, v2  }
0xf7: {  	[tilespmem:$0x660] =	vst v6;
	v33 =	vld [tilespmem:$0x3C0];
	v3 =	vmul.u32 $0xFFFFFFCE, v3;
	v36 =	vcvt.s32.f32 v30;
	v45 =	vcvt.s32.f32 v41  }
0xf8: {  	[tilespmem:$0x690] =	vst v9;
	vm4 =	vgt.s32 v20, $0x31;
	v54 =	vadd.s32 $0xFFFFFFCE, v20;
	v56 =	vadd.s32 v37, v22  }
0xf9: {  	[tilespmem:$0x640] =	vst v4;
	v42 =	vld [tilespmem:$0x3F0];
	v4 =	vsel vm6, v31, v25;
	v58 =	vsel vm4, v54, v20;
	vm5 =	vgt.s32 v56, $0x31  }
0xfa: {  	[tilespmem:$0x650] =	vst v5;
	v61 =	vadd.s32 $0xFFFFFFCE, v56;
	v22 =	vmul.f32 $1.999999960e-02, v57;
	v32 =	vcvt.s32.f32 v60  }
0xfb: {  	[tilespmem:$0x670] =	vst v7;
	v2 =	vadd.s32 v48, v2;
	v3 =	vadd.s32 v53, v3;
	v9 =	vmul.f32 $1.999999960e-02, v36  }
0xfc: {  	[tilespmem:$0x680] =	vst v8;
	v49 =	vmul.f32 $1.999999960e-02, v45;
	v0 =	vsel vm5, v61, v56;
	v38 =	vcvt.s32.f32 v33  }
0xfd: {  	[tilespmem:$0x6A0] =	vst v10;
	v37 =	vld [tilespmem:$0x3D0];
	vm7 =	vgt.s32 v2, $0x31;
	v27 =	vtrunc.f32 v22;
	v34 =	vmul.f32 $1.999999960e-02, v32  }
0xfe: {  	[tilespmem:$0x6B0] =	vst v11;
	v35 =	vadd.s32 $0xFFFFFFCE, v2;
	v9 =	vtrunc.f32 v9;
	v46 =	vcvt.s32.f32 v42  }
0xff: {  	[tilespmem:$0x720] =	vst v19;
	vm9 =	vgt.s32 v3, $0x31;
	v53 =	vtrunc.f32 v49;
	v29 =	vcvt.f32.s32 v27  }
0x100: {  	[tilespmem:$0x710] =	vst v17;
	v40 =	vadd.s32 $0xFFFFFFCE, v3;
	v10 =	vmul.f32 $1.999999960e-02, v38;
	v9 =	vcvt.f32.s32 v9  }
0x101: {  	[tilespmem:$0x6C0] =	vst v12;
	v2 =	vsel vm7, v35, v2;
	v54 =	vcvt.f32.s32 v53;
	v7 =	vtrunc.f32 v34  }
0x102: {  	[tilespmem:$0x6E0] =	vst v15;
	v3 =	vsel vm9, v40, v3;
	v43 =	vcvt.s32.f32 v37;
	v51 =	vmul.f32 $1.999999960e-02, v46  }
0x103: {  	[tilespmem:$0x730] =	vst v18;
	v5 =	vmul.u32 $0xFFFFFFCE, v29;
	v7 =	vcvt.f32.s32 v7;
	v10 =	vtrunc.f32 v10  }
0x104: {  	[tilespmem:$0x770] =	vst v2;
	v9 =	vmul.u32 $0xFFFFFFCE, v9;
	v2 =	vmul.u32 $0xFFFFFFCE, v54;
	v10 =	vcvt.f32.s32 v10  }
0x105: {  	[tilespmem:$0x6D0] =	vst v13;
	v11 =	vmul.f32 $1.999999960e-02, v43;
	v55 =	vtrunc.f32 v51;
	v5 =	vadd.s32 v50, v5  }
0x106: {  	[tilespmem:$0x700] =	vst v16;
	v7 =	vmul.u32 $0xFFFFFFCE, v7;
	v9 =	vadd.s32 v30, v9;
	v56 =	vcvt.f32.s32 v55  }
0x107: {  	[tilespmem:$0x6F0] =	vst v14;
	v2 =	vadd.s32 v41, v2;
	vm8 =	vgt.s32 v5, $0x31;
	v39 =	vadd.s32 $0xFFFFFFCE, v5  }
0x108: {  	[tilespmem:$0x760] =	vst v4;
	v47 =	vmul.u32 $0xFFFFFFCE, v10;
	v48 =	vtrunc.f32 v11;
	vm11 =	vgt.s32 v9, $0x31  }
0x109: {  	[tilespmem:$0x740] =	vst v58;
	v52 =	vadd.s32 $0xFFFFFFCE, v9;
	vm14 =	vgt.s32 v2, $0x31;
	v5 =	vsel vm8, v39, v5  }
0x10a: {  	[tilespmem:$0x750] =	vst v0;
	v7 =	vadd.s32 v60, v7;
	v50 =	vcvt.f32.s32 v48;
	v4 =	vsel vm11, v52, v9  }
0x10b: {  	[tilespmem:$0x790] =	vst v3;
	v60 =	vadd.s32 $0xFFFFFFCE, v2;
	vm10 =	vgt.s32 v7, $0x31;
	v44 =	vadd.s32 $0xFFFFFFCE, v7  }
0x10c: {  	v1 =	vadd.s32 v33, v47;
	[tilespmem:$0x780] =	vst v5;
	v5 =	vmul.u32 $0xFFFFFFCE, v56;
	v61 =	vsel vm14, v60, v2  }
0x10d: {  	[tilespmem:$0x7B0] =	vst v4;
	v0 =	vmul.u32 $0xFFFFFFCE, v50;
	vm12 =	vgt.s32 v1, $0x31;
	v57 =	vadd.s32 $0xFFFFFFCE, v1  }
0x10e: {  	v7 =	vsel vm10, v44, v7;
	[tilespmem:$0x7E0] =	vst v61;
	v1 =	vsel vm12, v57, v1;
	v59 =	vadd.s32 v42, v5  }
0x10f: {  	[tilespmem:$0x7A0] =	vst v7;
	v0 =	vadd.s32 v37, v0;
	vm15 =	vgt.s32 v59, $0x31;
	v62 =	vadd.s32 $0xFFFFFFCE, v59  }
0x110: {  	[tilespmem:$0x7C0] =	vst v1;
	vm13 =	vgt.s32 v0, $0x31;
	v58 =	vadd.s32 $0xFFFFFFCE, v0;
	v63 =	vsel vm15, v62, v59  }
0x111: {  	v0 =	vsel vm13, v58, v0;
	[tilespmem:$0x7F0] =	vst v63  }
0x112: {  	[tilespmem:$0x7D0] =	vst v0  }
0x113: {  	[tilespmem:s16], [sflag:$0x4] =	stream.indirect.gather [hbm4b:s4+s11], $0x40, s11, s11, $0xb8;
	[tilespmem:$0x18800] =	vst v63  }
0x114: {  	_ = 	snop  }
0x115: {  	[tilespmem:s18], [sflag:$0x4] =	stream.indirect.gather [hbm4b:s5+s11], $0x20, s17, s11, $0xb8;
	[tilespmem:$0x18800] =	vst v63  }
0x116: {  	_ =	swait.ge [sflag:s19], $0x8000  }
0x117: {  	[sflag:s19] =	ssyncset.done $0x0  }
0x118: {  	[sflag:s19] =	ssyncadd.s32 $0xFFFF8000  }
0x119: {  	p0 =	seq.s32 s30, $0x48000;
	_ =	swait.ge [sflag:s19], $0x4000  }
0x11a: {  	s31 =	sshrl.u32 @!p0 s28, $0x3;
	s1 =	simm.s32 @!p0 $0x0;
	[sflag:s19] =	ssyncset.done $0x0  }
0x11b: {  	s31 =	sadd.s32 @!p0 s3, s31;
	s0 =	rddreg [dreg:$0x3];
	[sflag:s19] =	ssyncadd.s32 $0xFFFFC000  }
0x11c: {  	[tilespmem:s1], [sflag:$0x1] =	stream.linear.gather @!p0 [hbm4b:s31+s1], $0x200, $0x38;
	[tilespmem:$0x18800] =	vst v63  }
0x11d: {  	s0 =	sadd.s32 s30, s0  }
0x11e: {  	[hbm4b:s0+s20] =	stream.strided.scatter [tilespmem:s13], [sflag:$0x5], $0x8000, s21, s20, $0x38;
	[tilespmem:$0x18800] =	vst v63  }
0x11f: {  	s31 =	sadd.s32 $0x8, s0  }
0x120: {  	[hbm4b:s31+s22] =	stream.strided.scatter [tilespmem:s14], [sflag:$0x5], $0x4000, s21, s22, $0x38;
	[tilespmem:$0x18800] =	vst v63  }
0x121: {  	_ =	swait.ge [sflag:s23], $0x8000  }
0x122: {  	[sflag:s23] =	ssyncset.done $0x0  }
0x123: {  	[sflag:s23] =	ssyncadd.s32 $0xFFFF8000  }
0x124: {  	_ =	swait.ge [sflag:s23], $0x4000  }
0x125: {  	[sflag:s23] =	ssyncset.done $0x0  }
0x126: {  	s30 =	sadd.s32 $0x3000, s30;
	s31 =	simm.s32 @!p0 $0x200;
	[sflag:s23] =	ssyncadd.s32 $0xFFFFC000  }
0x127: {  	[tilespmem:s31], [sflag:$0x2] =	stream.linear.gather @!p0 [hbm4b:s29+s1], $0x200, $0x38;
	[tilespmem:$0x18800] =	vst v63  }
0x128: {  	p0 =	sne.s32 s30, $0x4B000  }
.Ltmp0:
0x129: {  	_ = 	snop;
	(pc) =	sbr.rel @p0 .LBB2_2-.Ltmp0, $4  }
0x12a: {  	s31 =	sadd.s32 $0x1800, s0  }
0x12b: {  	[hbm4b:s31+s20] =	stream.strided.scatter [tilespmem:s16], [sflag:$0x6], $0x8000, s21, s20, $0x38;
	[tilespmem:$0x18800] =	vst v63  }
0x12c: {  	s28 =	sadd.s32 $0x400, s28;
	s0 =	sadd.s32 $0x1808, s0;
	s29 =	sadd.s32 $0x80, s29  }
0x12d: {  	[hbm4b:s0+s22] =	stream.strided.scatter [tilespmem:s18], [sflag:$0x6], $0x4000, s21, s22, $0x38;
	[tilespmem:$0x18800] =	vst v63  }
0x12e: {  	_ =	swait.ge [sflag:s24], $0x8000  }
0x12f: {  	[sflag:s24] =	ssyncset.done $0x0  }
0x130: {  	[sflag:s24] =	ssyncadd.s32 $0xFFFF8000  }
0x131: {  	_ =	swait.ge [sflag:s24], $0x4000  }
0x132: {  	[sflag:s24] =	ssyncset.done $0x0  }
0x133: {  	s26 =	sadd.s32 $0x1, s26;
	[sflag:s24] =	ssyncadd.s32 $0xFFFFC000  }
0x134: {  	p0 =	sne.s32 s26, s8;
	_ =	swait.ge [sflag:s25], $0x8000  }
.Ltmp1:
0x135: {  	[sflag:s25] =	ssyncset.done $0x0;
	(pc) =	sbr.rel @p0 .LBB2_1-.Ltmp1, $4  }
0x136: {  	[sflag:s25] =	ssyncadd.s32 $0xFFFF8000  }
0x137: {  	_ =	swait.ge [sflag:s25], $0x4000  }
0x138: {  	[sflag:s25] =	ssyncset.done $0x0  }
0x139: {  	[sflag:s25] =	ssyncadd.s32 $0xFFFFC000  }
0x13a: {  	_ =	sfence.sel $0x180000  }
0x13b: {  	[bflag:$0x0] =	sbarrier.arrive $0xFFFF  }
0x13c: {  	_ =	strace $0x90000047  }
0x13d: {  	s0 =	stileid.u32;
	[bflag:$0x2] =	sbarrier.arrive $0xFFFF  }
0x13e: {  	p0 =	sne.s32 s0, $0x0;
	s0 =	rddreg [dreg:$0x2]  }
0x13f: {  	s0 =	sadd.s32 @!p0 $0x100000, s0  }
0x140: {  	[sflag:s0] =	ssyncadd.tile.s32 @!p0 $0x1;
	_ =	shalt  }
.Lfunc_end2:
_tile_overlayer_lowered:
.L_overlay_start_2:
0x141: {  	(tag) =	ssettag $0x2  }
0x142: {  	s0 =	rddreg [dreg:$0x0];
	s2 =	stileid.u32  }
0x143: {  	s1 =	rddreg [dreg:$0x1];
	p0 =	sne.s32 s2, $0x0  }
0x144: {  	s3 =	rddreg [dreg:$0x2];
	[bflag:$0x3] =	sbarrier.arrive $0xFFFF;
	s2 =	simm.s32 @!p0 $0x1C07  }
0x145: {  	[timem:s3], [sflag:s2] =	dma.local @!p0 [hbm:s0], s1  }
0x146: {  	s0 =	simm.s32 @!p0 $0x7  }
0x147: {  	_ =	swait.ge @!p0 [sflag:s0], s1  }
0x148: {  	s1 =	ssub.s32 @!p0 $0x0, s1;
	[sflag:s0] =	ssyncset.done @!p0 $0x0  }
0x149: {  	[sflag:s0] =	ssyncadd.s32 @!p0 s1  }
0x14a: {  	[bflag:$0x3] =	sbarrier.arrive $0xFFFF  }
0x14b: {  	_ =	shalt  }

// kernel: sparse-core-data-format-call.cloned.1.call-start
scs
called_computation_lowered:
.L_overlay_start_0:
0x0: {  	s2 =	sld [smem:$0x3FD9]  }
0x1: {  	s3 =	sld [smem:$0x3FFE];
	_ =	sdelay $0x1  }
0x2: {  	s1 =	srdreg.scid  }
0x3: {  	s0 =	sand.u32 $0x1, s1  }
0x4: {  	s18 =	sshll.u32 s0, $0xA;
	s2 =	sadd.s32 s3, s2  }
0x5: {  	s2 =	sadd.s32 s2, s18  }
0x6: {  	[smem:$0x3FC5] =	sst s2  }
0x7: {  	_ = 	snop  }
0x8: {  	s2 =	sld [smem:$0x3FD0];
	(tm) =	ssettm $0x1  }
0x9: {  	s19 =	sld [smem:$0x3FFB];
	_ =	sdelay $0x3  }
0xa: {  	_ =	strace s19  }
0xb: {  	s3 =	sld [smem:$0x3FFC];
	_ =	sdelay $0x3  }
0xc: {  	_ =	strace s3  }
0xd: {  	s3 =	sld [smem:$0x3FFD];
	_ =	sdelay $0x3  }
0xe: {  	_ =	strace s3  }
0xf: {  	_ =	strace $0x8FFFFFFF  }
0x10: {  	s20 =	sld [smem:$0x3FDB];
	_ =	sdelay $0x1  }
0x11: {  	s4 =	simm.s32 $_scs_section_size  }
0x12: {  	s5 =	simm.s32 $_size__tile_overlayer_lowered;
	s6 =	simm.s32 $_tile_overlayer_lowered  }
0x13: {  	s23 =	simm.s32 $0x1BFF;
	s22 =	sshll.u32 s6, $0x1;
	s3 =	sadd.s32 s4, s20  }
0x14: {  	s7 =	simm.s32 $0x0;
	s21 =	sshll.u32 s5, $0x1;
	s5 =	sadd.s32 s22, s3  }
0x15: {  	[timem:s7], [sflag:s23] =	dma.local [hbm:s5], s21  }
0x16: {  	_ =	swait.ge [sflag:s23], s21  }
0x17: {  	s4 =	ssub.s32 $0x0, s21;
	[sflag:s23] =	ssyncset.done $0x0  }
0x18: {  	[sflag:s23] =	ssyncadd.s32 s4;
	_ =	sdelay $0x1  }
0x19: {  	s24 =	simm.s32 $0x1B8B  }
0x1a: {  	_ =	swait.ge [sflag:s24], $0x1  }
0x1b: {  	[sflag:s24] =	ssyncset.done $0x0  }
0x1c: {  	s26 =	simm.s32 $0x1B8E;
	s25 =	sld [smem:$0x3FFE];
	[sflag:s24] =	ssyncadd.s32 $0xFFFFFFFF  }
0x1d: {  	s27 =	simm.s32 $execute0_lowered;
	[smem:$0x3FD2] =	sst s26  }
0x1e: {  	s5 =	sshll.u32 s27, $0x1;
	_ =	strace $0x80000049;
	[dreg:$0x1] =	wrdreg $0xFFFFFFFF  }
0x1f: {  	s28 =	simm.s32 $_size_execute0_lowered;
	s3 =	sadd.s32 s3, s5;
	[dreg:$0x0] =	wrdreg $0x0  }
0x20: {  	s5 =	sshll.u32 s28, $0x1;
	[dreg:$0x2] =	wrdreg s3  }
0x21: {  	[dreg:$0x3] =	wrdreg s5  }
0x22: {  	[dreg:$0x4] =	wrdreg $0xC0  }
0x23: {  	_ =	task [dreg:s7], $0x5FFFF  }
0x24: {  	[dreg:$0x1] =	wrdreg $0xFFFFFFFF  }
0x25: {  	[dreg:$0x0] =	wrdreg $0x60  }
0x26: {  	[dreg:$0x2] =	wrdreg s25  }
0x27: {  	[dreg:$0x3] =	wrdreg s2  }
0x28: {  	[dreg:$0x4] =	wrdreg $0x9  }
0x29: {  	_ =	task.clear_ibuf [dreg:s7], $0x5FFFF;
	_ =	strace $0x90000049  }
0x2a: {  	s29 =	simm.s32 $0x9;
	_ =	strace $0x8000004B  }
0x2b: {  	_ =	swait.ge [sflag:s29], $0x1  }
0x2c: {  	[sflag:s29] =	ssyncadd.s32 $0xFFFFFFFF  }
0x2d: {  	_ =	strace $0x9000004B  }
0x2e: {  	_ =	sfence  }
0x2f: {  	s30 =	sld [smem:$0x0];
	_ =	sdelay $0x2  }
0x30: {  	s31 =	sshll.u32 s1, $0xD;
	s1 =	sshrl.u32 s1, $0x2  }
0x31: {  	s3 =	sand.u32 $0x4000, s31;
	s1 =	sadd.s32 s1, s30  }
0x32: {  	s0 =	sor.u32 s3, s0;
	s1 =	sshll.u32 s1, $0x11  }
0x33: {  	s0 =	sor.u32 s1, s0  }
0x34: {  	s0 =	sadd.s32 $0x8F2B, s0  }
0x35: {  	[sflag:s0] =	ssyncadd.remote.s32 $0x1  }
0x36: {  	_ =	sfence.sel $0xFFFF  }
0x37: {  	[dreg:$0x0] =	wrdreg $0xFFFFFFFF;
	(pc) =	sbr.abs _section_cstart, $3  }
0x38: {  	[dreg:$0x1] =	wrdreg $0xFFFFFFFF  }
0x39: {  	_ =	task.clear_ibuf [dreg:s7], $0x2FFFF;
	_ =	strace $0x9FFFFFFF  }
0x3a: {  	(tm) =	ssettm $0x7FFFFFFF  }
0x3b: {  	_ =	shalt  }
tec
execute0_lowered:
.L_overlay_start_1:
0x0: {  	(tag) =	ssettag $0x1  }
0x1: {  	s0 =	srdreg.scid  }
0x2: {  	s1 =	sshll.u32 s0, $0x4  }
0x3: {  	s6 =	rddreg [dreg:$0x0];
	s0 =	stileid.u32;
	s1 =	sand.u32 $0x10, s1  }
0x4: {  	s3 =	rddreg [dreg:$0x1];
	s1 =	sor.u32 s0, s1  }
0x5: {  	s5 =	simm.s32 $0x1;
	s31 =	simm.s32 $0x2;
	s2 =	sshll.u32 s1, $0x7  }
0x6: {  	s15 =	simm.s32 $0x0;
	s8 =	simm.s32 $0x8000;
	s4 =	ssub.s32 $0x1000, s2  }
0x7: {  	s14 =	simm.s32 $0x0;
	s9 =	simm.s32 $0x0;
	s30 =	sand.u32 $0xF80, s4  }
0x8: {  	s10 =	simm.s32 $0x0;
	s11 =	simm.s32 $0x0;
	p0 =	sne.s32 s30, $0x0  }
.Ltmp0:
0x9: {  	s7 =	sshrl.u32 s4, $0xC;
	s5 =	simm.s32 @!p0 $0x0;
	(pc) =	sbr.rel .LBB1_1-.Ltmp0, $4  }
0xa: {  	s13 =	simm.s32 $0x0;
	s1 =	rddreg [dreg:$0x2];
	s5 =	sadd.s32 s5, s7  }
0xb: {  	_ =	strace $0x8000004A;
	s4 =	simm.s32 $0x1;
	s5 =	smul.u32 $0xC8, s5  }
0xc: {  	s6 =	sadd.s32 $0xC00, s6;
	s12 =	smov.u32 s2;
	[sflag:s4] =	ssyncpa.u1 $0x0  }
0xd: {  	[sflag:s31] =	ssyncpa.u1 $0x0;
	p0 =	por $0x0, $0x0;
	s7 =	sor.u32 $0x1, s5  }
.LBB1_4:
0xe: {  	s20 =	sshra.s32 s20, $0x2;
	s28 =	sshll.u32 s10, $0x3;
	p1 =	sgt.s32 s9, $0xC7  }
0xf: {  	s21 =	smov.u32 s9;
	s23 =	sshra.s32 s9, $0x1F;
	s24 =	smov.u32 s10  }
0x10: {  	v5 =	vld [tilespmem:s17+$0xFFFFFFD0];
	[tilespmem:s18+$0x2040 ss:$0x81] =	vst.msk $0xffff, v4;
	s25 =	sshra.s32 s10, $0x1F;
	s26 =	sand.u32 $0x78, s10;
	s19 =	sadd.s32 s20, s19  }
0x11: {  	v58 =	vld [tilespmem:s17+$0xFFFFFFE0];
	[tilespmem:s18+$0x2850 ss:$0x81] =	vst.msk $0xffff, v3;
	s22 =	sshrl.u32 s28, $0xC;
	s21 =	simm.s32 @!p1 $0xC7;
	s23 =	sand.u32 s23, s9  }
0x12: {  	v59 =	vld [tilespmem:s17+$0xFFFFFFF0];
	[tilespmem:s18+$0x3060 ss:$0x81] =	vst.msk $0xffff, v2;
	p1 =	sgt.s32 s10, $0xF80;
	s29 =	sand.u32 s25, s10;
	s20 =	sand.u32 $0xC00, s28  }
0x13: {  	v60 =	vld [tilespmem:s17+$0x0];
	[tilespmem:s18+$0x0 ss:$0x81] =	vst.msk $0xffff, v0;
	s28 =	smul.u32 $0xC000, s9;
	s21 =	ssub.s32 s21, s23;
	s24 =	simm.s32 @!p1 $0xF80  }
0x14: {  	v61 =	vld [tilespmem:s17+$0x10];
	s30 =	smulhi.u32 $0x2AAAAAB, s22;
	[tilespmem:s19+$0x3870 ss:$0x81] =	vst.msk $0xffff, v1;
	s20 =	sor.u32 s26, s20;
	s31 =	ssub.s32 $0xC8, s21  }
0x15: {  	v62 =	vld [tilespmem:s17+$0x20];
	s23 =	ssub.s32 s24, s29;
	s21 =	sadd.s32 $0xFFFFFF39, s21;
	s25 =	smul.u32 $0x60, s31;
	[tilespmem:s19+$0x810 ss:$0x81] =	vst.msk $0xffff, v5  }
0x16: {  	v63 =	vld [tilespmem:s17+$0xFFFFFFC0];
	s18 =	smul.u32 $0x60, s30;
	p1 =	sgt.s32 s21, $0x0;
	s27 =	sadd.s32 $0xFFFFF080, s23;
	[tilespmem:s19+$0x1020 ss:$0x81] =	vst.msk $0xffff, v58  }
0x17: {  	s17 =	ssub.s32 $0x1000, s23;
	[tilespmem:s19+$0x1830 ss:$0x81] =	vst.msk $0xffff, v59;
	s25 =	simm.s32 @p1 $0x0;
	p1 =	sgt.s32 s27, $0x7F  }
0x18: {  	s29 =	sand.u32 $0x7, s10;
	[tilespmem:s19+$0x2040 ss:$0x81] =	vst.msk $0xffff, v60;
	s18 =	ssub.s32 s22, s18;
	s17 =	simm.s32 @p1 $0x0  }
0x19: {  	s21 =	sadd.s32 s3, s28;
	[tilespmem:s19+$0x2850 ss:$0x81] =	vst.msk $0xffff, v61;
	s18 =	sshll.u32 s18, $0x9;
	s17 =	smul.u32 s17, s25  }
0x1a: {  	s20 =	sshrl.u32 s20, $0x3;
	s30 =	sshll.u32 s29, $0x12;
	[tilespmem:s19+$0x3060 ss:$0x81] =	vst.msk $0xffff, v62;
	s18 =	sadd.s32 s18, s21  }
0x1b: {  	[tilespmem:s19+$0x0 ss:$0x81] =	vst.msk $0xffff, v63;
	s31 =	sor.u32 $0x400, s30;
	s18 =	sadd.s32 s20, s18;
	s17 =	sand.u32 $0x3FFFFFE0, s17  }
0x1c: {  	[hbm4b:s18+s31] =	stream.strided.scatter [tilespmem:s16], [sflag:$0x2], s17, s8, s31, $0x20;
	[tilespmem:$0x10100] =	vst v63  }
.LBB1_5:
0x1d: {  	p1 =	slt.u32 s13, $0x2  }
0x1e: {  	s17 =	smov.u32 s15;
	p2 =	sgt.s32 @!p1 s15, $0xC7;
	s16 =	sshra.s32 @!p1 s15, $0x1F  }
0x1f: {  	p3 =	sgt.s32 @!p1 s14, $0xF80;
	s18 =	sshra.s32 @!p1 s14, $0x1F;
	p2 =	por !p2, p1  }
0x20: {  	s15 =	sand.u32 @!p1 s16, s15;
	p3 =	por !p3, p1;
	s16 =	smov.u32 s14  }
0x21: {  	s14 =	sand.u32 @!p1 s18, s14;
	s17 =	simm.s32 @p2 $0xC7;
	s16 =	simm.s32 @p3 $0xF80  }
0x22: {  	s18 =	smov.u32 s12;
	s15 =	ssub.s32 @!p1 s17, s15;
	s14 =	ssub.s32 @!p1 s16, s14  }
0x23: {  	s16 =	sadd.s32 @!p1 $0xFFFFFF39, s15;
	s15 =	ssub.s32 @!p1 $0xC8, s15;
	s17 =	sadd.s32 @!p1 $0xFFFFF080, s14  }
0x24: {  	p2 =	sgt.s32 @!p1 s16, $0x0;
	s15 =	smul.u32 @!p1 $0x60, s15;
	p3 =	sgt.s32 @!p1 s17, $0x7F  }
0x25: {  	s14 =	ssub.s32 @!p1 $0x1000, s14;
	p2 =	por !p2, p1;
	p3 =	por !p3, p1  }
0x26: {  	s16 =	sadd.s32 $0x1, s11;
	s15 =	simm.s32 @!p2 $0x0;
	s14 =	simm.s32 @!p3 $0x0  }
0x27: {  	p2 =	sgt.s32 s16, $0xC7;
	s14 =	smul.u32 @!p1 s14, s15;
	s15 =	sadd.s32 $0x1000, s12  }
0x28: {  	s18 =	smov.u32 @p2 s15  }
0x29: {  	s16 =	simm.s32 @p2 $0x0;
	p2 =	sgt.s32 s18, $0xFFF  }
0x2a: {  	s18 =	smov.u32 @p2 s2;
	p2 =	sne.s32 s13, s7  }
.Ltmp1:
0x2b: {  	p0 =	por !p0, !p0;
	s17 =	simm.s32 @!p1 $0x2;
	(pc) =	sbr.rel @!p2 .LBB1_6-.Ltmp1, $4  }
0x2c: {  	s15 =	smov.u32 s9;
	s9 =	smov.u32 s11;
	s14 =	sand.u32 @!p1 $0x3FFFFFE0, s14  }
0x2d: {  	s11 =	smov.u32 s16;
	_ =	swait.ge @!p1 [sflag:s17], s14;
	s19 =	ssub.s32 @!p1 $0x0, s14  }
0x2e: {  	s14 =	smov.u32 s10;
	s13 =	sadd.s32 $0x1, s13;
	[sflag:s17] =	ssyncset.done @!p1 $0x0  }
0x2f: {  	s10 =	smov.u32 s12;
	s12 =	smov.u32 s18;
	[sflag:s17] =	ssyncadd.s32 @!p1 s19  }
.LBB1_1:
0x30: {  	p1 =	sge.u32 s13, s5  }
0x31: {  	s16 =	sand.u32 @!p1 $0x1FFFFFF, s11  }
0x32: {  	s17 =	smulhi.u32 @!p1 $0x147AE15, s16;
	_ =	sdelay $0x1  }
0x33: {  	s17 =	smul.u32 @!p1 $0xC8, s17  }
0x34: {  	s18 =	sxor.u32 @!p1 $0xFFFFFFFF, s13;
	s19 =	smul.u32 @!p1 $0xC80, s12  }
0x35: {  	s31 =	sadd.s32 $0xFFFFFFFF, s13;
	s18 =	sshll.u32 @!p1 s18, $0xE;
	s16 =	ssub.s32 @!p1 s16, s17  }
0x36: {  	s17 =	sand.u32 @!p1 $0x4000, s18;
	s18 =	sadd.s32 @!p1 s6, s19;
	s16 =	sshll.u32 @!p1 s16, $0x4  }
0x37: {  	s19 =	simm.s32 @!p1 $0x6400;
	s16 =	sadd.s32 @!p1 s16, s18;
	s18 =	simm.s32 @!p1 $0x80  }
0x38: {  	[tilespmem:s17], [sflag:$0x1] =	stream.strided.gather @!p1 [hbm4b:s16+s18], $0x4000, s19, s18, $0x38;
	[tilespmem:$0x10100] =	vst v63  }
0x39: {  	p1 =	sge.u32 s31, s5  }
.Ltmp2:
0x3a: {  	_ = 	snop;
	(pc) =	sbr.rel @p1 .LBB1_5-.Ltmp2, $1  }
0x3b: {  	_ =	sdelay $0x3  }
0x3c: {  	s16 =	simm.s32 $0x1  }
0x3d: {  	_ =	swait.ge [sflag:s4], $0x4000;
	s16 =	simm.s32 @!p0 $0x0  }
0x3e: {  	[sflag:s4] =	ssyncset.done $0x0;
	s17 =	sshll.u32 s16, $0xE  }
0x3f: {  	[sflag:s4] =	ssyncadd.s32 $0xFFFFC000;
	s17 =	sor.u32 $0x40, s17  }
0x40: {  	s16 =	smul.u32 $0x10200, s16;
	v0 =	vld [tilespmem:s17+$0x30]  }
0x41: {  	v1 =	vld [tilespmem:s17+$0xFFFFFFD0]  }
0x42: {  	s16 =	sshrl.u32 s16, $0x2;
	v5 =	vld [tilespmem:s17+$0xFFFFFFE0]  }
0x43: {  	v6 =	vld [tilespmem:s17+$0xFFFFFFF0];
	s19 =	sor.u32 $0x8000, s16  }
0x44: {  	s31 =	sand.u32 $0x1, s13;
	v4 =	vld [tilespmem:s17+$0x0];
	s18 =	sadd.s32 $0x0, s19  }
0x45: {  	v3 =	vld [tilespmem:s17+$0x10];
	s16 =	smul.u32 $0x10200, s31;
	[tilespmem:s18+$0x3870 ss:$0x81] =	vst.msk $0xffff, v0  }
0x46: {  	v2 =	vld [tilespmem:s17+$0x20];
	[tilespmem:s18+$0x810 ss:$0x81] =	vst.msk $0xffff, v1  }
0x47: {  	s16 =	sshrl.u32 s16, $0x2;
	v0 =	vld [tilespmem:s17+$0xFFFFFFC0];
	[tilespmem:s18+$0x1020 ss:$0x81] =	vst.msk $0xffff, v5;
	s17 =	sadd.s32 $0x80, s17  }
0x48: {  	s20 =	simm.s32 $0x4;
	s21 =	simm.s32 $0x8;
	s16 =	sor.u32 $0x8000, s16;
	[tilespmem:s18+$0x1830 ss:$0x81] =	vst.msk $0xffff, v6;
	v1 =	vld [tilespmem:s17+$0x30]  }
.LBB1_3:
0x49: {  	p1 =	sne.s32 s21, $0x1FC;
	v5 =	vld [tilespmem:s17+$0xFFFFFFD0];
	[tilespmem:s18+$0x2040 ss:$0x81] =	vst.msk $0xffff, v4  }
0x4a: {  	v6 =	vld [tilespmem:s17+$0xFFFFFFE0];
	[tilespmem:s18+$0x2850 ss:$0x81] =	vst.msk $0xffff, v3  }
0x4b: {  	s22 =	sshra.s32 s20, $0x2;
	s20 =	smov.u32 s21;
	v7 =	vld [tilespmem:s17+$0xFFFFFFF0];
	[tilespmem:s18+$0x3060 ss:$0x81] =	vst.msk $0xffff, v2  }
.Ltmp3:
0x4c: {  	v4 =	vld [tilespmem:s17+$0x0];
	[tilespmem:s18+$0x0 ss:$0x81] =	vst.msk $0xffff, v0;
	s18 =	sadd.s32 s22, s19;
	(pc) =	sbr.rel @p1 .LBB1_3-.Ltmp3, $4  }
0x4d: {  	v3 =	vld [tilespmem:s17+$0x10];
	[tilespmem:s18+$0x3870 ss:$0x81] =	vst.msk $0xffff, v1  }
0x4e: {  	[tilespmem:s18+$0x810 ss:$0x81] =	vst.msk $0xffff, v5;
	v2 =	vld [tilespmem:s17+$0x20]  }
0x4f: {  	v0 =	vld [tilespmem:s17+$0xFFFFFFC0];
	[tilespmem:s18+$0x1020 ss:$0x81] =	vst.msk $0xffff, v6;
	s17 =	sadd.s32 $0x80, s17  }
0x50: {  	s21 =	sadd.s32 $0x4, s21;
	v1 =	vld [tilespmem:s17+$0x30];
	[tilespmem:s18+$0x1830 ss:$0x81] =	vst.msk $0xffff, v7  }
.Ltmp4:
0x51: {  	_ = 	snop;
	(pc) =	sbr.rel .LBB1_4-.Ltmp4, $1  }
0x52: {  	_ =	sdelay $0x3  }
.LBB1_6:
0x53: {  	_ =	sfence.sel $0x180000  }
0x54: {  	s2 =	simm.s32 $0x1;
	[bflag:$0x0] =	sbarrier.arrive $0xFFFF  }
0x55: {  	s31 =	simm.s32 $0x2;
	[sflag:s2] =	ssyncpa.u1 $0x1  }
0x56: {  	[sflag:s31] =	ssyncpa.u1 $0x1  }
0x57: {  	p0 =	sne.s32 s0, $0x0;
	_ =	strace $0x9000004A  }
0x58: {  	s0 =	sadd.s32 @!p0 $0x100000, s1;
	[bflag:$0x2] =	sbarrier.arrive $0xFFFF  }
0x59: {  	[sflag:s0] =	ssyncadd.tile.s32 @!p0 $0x1;
	_ =	shalt  }
.Lfunc_end1:
_tile_overlayer_lowered:
.L_overlay_start_2:
0x5a: {  	(tag) =	ssettag $0x2  }
0x5b: {  	s0 =	rddreg [dreg:$0x0];
	s2 =	stileid.u32  }
0x5c: {  	s1 =	rddreg [dreg:$0x1];
	p0 =	sne.s32 s2, $0x0  }
0x5d: {  	s3 =	rddreg [dreg:$0x2];
	[bflag:$0x3] =	sbarrier.arrive $0xFFFF;
	s2 =	simm.s32 @!p0 $0x1C01  }
0x5e: {  	[timem:s3], [sflag:s2] =	dma.local @!p0 [hbm:s0], s1  }
0x5f: {  	s0 =	simm.s32 @!p0 $0x1  }
0x60: {  	_ =	swait.ge @!p0 [sflag:s0], s1  }
0x61: {  	s1 =	ssub.s32 @!p0 $0x0, s1;
	[sflag:s0] =	ssyncset.done @!p0 $0x0  }
0x62: {  	[sflag:s0] =	ssyncadd.s32 @!p0 s1  }
0x63: {  	[bflag:$0x3] =	sbarrier.arrive $0xFFFF  }
0x64: {  	_ =	shalt  }

</sc_bundles>
